<compile_context>
chip_gen: v7x
topology: tpu7x:2x2x1
jax: 0.10.2.dev20260603
libtpu: 0.0.44.dev20260713+nightly
codegen_flags: <defaults>
</compile_context>

<pallas_src>
import functools

import jax
import jax.numpy as jnp
from jax import lax
from jax.experimental import pallas as pl
from jax.experimental.pallas import tpu as pltpu
from jax.experimental.pallas import tpu_sc as plsc

VOCAB = 100000
D = 64
B, S = 1024, 200
NW = 32
PAIR_SEQ = B // 16
Q0 = 16
Q1 = PAIR_SEQ - Q0
QMAX = max(Q0, Q1)
HALF = 100
NBUF = 4

_mesh = plsc.VectorSubcoreMesh(core_axis_name="c", subcore_axis_name="s")


@functools.partial(
    pl.kernel,
    mesh=_mesh,
    out_type=jax.ShapeDtypeStruct((B, S, D), jnp.float32),
    scratch_types=[
        pltpu.VMEM((QMAX * 2, HALF), jnp.int32),
        pltpu.VMEM((QMAX * S + 16,), jnp.int32),
        pltpu.VMEM((S, D), jnp.float32),
        pltpu.VMEM((S, D), jnp.float32),
        pltpu.VMEM((S, D), jnp.float32),
        pltpu.VMEM((S, D), jnp.float32),
        pltpu.VMEM((S, D), jnp.float32),
        pltpu.SemaphoreType.DMA,
        pltpu.SemaphoreType.DMA,
        pltpu.SemaphoreType.DMA,
        pltpu.SemaphoreType.DMA,
        pltpu.SemaphoreType.DMA,
        pltpu.SemaphoreType.DMA,
        pltpu.SemaphoreType.DMA,
        pltpu.SemaphoreType.DMA,
    ],
    compiler_params=pltpu.CompilerParams(use_tc_tiling_on_sc=False),
)
def _encoder(ids_stream, ids_chk, table, pos, out,
             idx_v, chk_v, pos_v, b0, b1, b2, b3,
             g0, g1, g2, g3, s0, s1, s2, s3):
    bufs = (b0, b1, b2, b3)
    gsems = (g0, g1, g2, g3)
    ssems = (s0, s1, s2, s3)

    cid = lax.axis_index("c")
    sid = lax.axis_index("s")
    base = sid * PAIR_SEQ + lax.mul(cid, Q0)
    pltpu.sync_copy(ids_stream.at[pl.ds(2 * base, 2 * QMAX)], idx_v)
    pltpu.sync_copy(ids_chk.at[pl.ds(base * S, QMAX * S)],
                    chk_v.at[pl.ds(0, QMAX * S)])
    pltpu.sync_copy(pos.at[pl.ds(0, S)], pos_v)

    def gathers(slot, c):
        return (pltpu.make_async_copy(table.at[idx_v.at[2 * c]],
                                      bufs[slot].at[pl.ds(0, HALF)],
                                      gsems[slot]),
                pltpu.make_async_copy(table.at[idx_v.at[2 * c + 1]],
                                      bufs[slot].at[pl.ds(HALF, HALF)],
                                      gsems[slot]))

    def store(slot, c):
        return pltpu.make_async_copy(bufs[slot], out.at[base + c], ssems[slot])

    def compute(slot, c, has_pad):
        buf = bufs[slot]
        tok0 = c * S

        @pl.when(has_pad)
        def _():
            def _fix(r, c2):
                idv = chk_v[pl.ds(tok0 + r, 16)]
                @pl.when(idv[0] == 0)
                def _():
                    zero = jnp.zeros((16,), jnp.float32)
                    for k in range(4):
                        buf[r, pl.ds(k * 16, 16)] = zero
                return c2
            lax.fori_loop(0, S, _fix, 0)

        def _add(r, c2):
            for k in range(4):
                sl = pl.ds(k * 16, 16)
                buf[r, sl] = buf[r, sl] + pos_v[r, sl]
            return c2
        lax.fori_loop(0, S, _add, 0)

    def run(n):
        def _mn(i, acc):
            return jnp.minimum(acc, chk_v[pl.ds(i * 16, 16)])

        acc = lax.fori_loop(0, n * S // 16, _mn,
                            jnp.full((16,), jnp.iinfo(jnp.int32).max, jnp.int32))
        lanes = lax.iota(jnp.int32, 16)
        for shift in (8, 4, 2, 1):
            g = lax.gather(
                acc, lax.rem(lanes + shift, 16)[:, None],
                dimension_numbers=lax.GatherDimensionNumbers(
                    offset_dims=(), collapsed_slice_dims=(0,),
                    start_index_map=(0,)),
                slice_sizes=(1,), mode=lax.GatherScatterMode.PROMISE_IN_BOUNDS)
            acc = jnp.minimum(acc, g)
        has_pad = acc[0] == 0

        for c0 in range(NBUF - 1):
            a, b = gathers(c0, jnp.int32(c0))
            a.start()
            b.start()

        iters = n // NBUF

        def _iter(i, carry):
            for j in range(NBUF):
                c = NBUF * i + j
                nxt = c + NBUF - 1
                tgt = (j + NBUF - 1) % NBUF

                def _prefetch():
                    a, b = gathers(tgt, nxt)
                    a.start()
                    b.start()

                if j == 0:
                    @pl.when(i > 0)
                    def _():
                        store(tgt, nxt - NBUF).wait()
                    _prefetch()
                else:
                    @pl.when(i < iters - 1)
                    def _():
                        store(tgt, nxt - NBUF).wait()
                        _prefetch()

                ga, gb = gathers(j, c)
                ga.wait()
                gb.wait()
                compute(j, c, has_pad)
                store(j, c).start()
            return carry

        lax.fori_loop(0, iters, _iter, 0)

        for j in range(NBUF):
            store(j, jnp.int32(n - NBUF + j)).wait()

    @pl.when(cid == 0)
    def _():
        run(Q0)

    @pl.when(cid == 1)
    def _():
        run(Q1)


def kernel(input_ids, token_table, pos_table):
    ids = input_ids.astype(jnp.int32)
    ids_stream = ids.reshape(B * 2, HALF)
    ids_chk = ids.reshape(B * S)
    return _encoder(ids_stream, ids_chk, token_table, pos_table)

# --- scband reference (transcript-rebuilt; emitter-appended) ---
"""Pipeline reference for scband-input-encoder-10239202033771 (READ-ONLY COPY).

The authoritative reference and input builder live on the scoring server;
editing this copy changes nothing except your own understanding.
"""

import jax, jax.numpy as jnp
import numpy as np

VOCAB_SIZE = 100000
HIDDEN_DIM = 64
PADDING_IDX = 0
MAX_LENGTH = 512
B, S = 1024, 200


def setup_inputs(seed: int = 0) -> dict:
    key = jax.random.key(seed)
    k1, k2, k3 = jax.random.split(key, 3)
    input_ids = jax.random.randint(k1, (B, S), 0, VOCAB_SIZE, dtype=jnp.int64 if jax.config.jax_enable_x64 else jnp.int32)
    token_table = jax.random.normal(k2, (VOCAB_SIZE, HIDDEN_DIM), dtype=jnp.float32)
    pos_table = jax.random.normal(k3, (MAX_LENGTH, HIDDEN_DIM), dtype=jnp.float32)
    return {"input_ids": input_ids, "token_table": token_table, "pos_table": pos_table}


def reference(input_ids, token_table, pos_table):
    # nn.Embedding with padding_idx: the padding row embeds to zeros
    token_table_eff = token_table.at[PADDING_IDX].set(0.0)
    S_ = input_ids.shape[1]
    tok = jnp.take(token_table_eff, input_ids, axis=0)
    pos = jnp.take(pos_table, jnp.arange(S_), axis=0)
    return tok + pos[None, :, :]

if __name__ == "__main__":
    import jax
    _d = setup_inputs()
    print(jax.jit(kernel)(*tuple(_d.values())))

</pallas_src>

<mosaic_0001>
#map = affine_map<(d0, d1) -> (0, 0)>
#map1 = affine_map<(d0, d1) -> (0)>
#map2 = affine_map<(d0, d1) -> (0, 0, 0)>
module attributes {stable_mosaic.version = 14 : i64} {
  func.func @_encoder(%arg0: i32, %arg1: i32, %arg2: memref<2048x100xi32, #tpu.memory_space<hbm>>, %arg3: memref<204800xi32, #tpu.memory_space<hbm>>, %arg4: memref<100000x64xf32, #tpu.memory_space<hbm>>, %arg5: memref<512x64xf32, #tpu.memory_space<hbm>>, %arg6: memref<1024x200x64xf32, #tpu.memory_space<hbm>>, %arg7: memref<96x100xi32, #tpu.memory_space<vmem>>, %arg8: memref<9616xi32, #tpu.memory_space<vmem>>, %arg9: memref<200x64xf32, #tpu.memory_space<vmem>>, %arg10: memref<200x64xf32, #tpu.memory_space<vmem>>, %arg11: memref<200x64xf32, #tpu.memory_space<vmem>>, %arg12: memref<200x64xf32, #tpu.memory_space<vmem>>, %arg13: memref<200x64xf32, #tpu.memory_space<vmem>>, %arg14: memref<!tpu.dma_semaphore, #tpu.memory_space<semaphore_mem>>, %arg15: memref<!tpu.dma_semaphore, #tpu.memory_space<semaphore_mem>>, %arg16: memref<!tpu.dma_semaphore, #tpu.memory_space<semaphore_mem>>, %arg17: memref<!tpu.dma_semaphore, #tpu.memory_space<semaphore_mem>>, %arg18: memref<!tpu.dma_semaphore, #tpu.memory_space<semaphore_mem>>, %arg19: memref<!tpu.dma_semaphore, #tpu.memory_space<semaphore_mem>>, %arg20: memref<!tpu.dma_semaphore, #tpu.memory_space<semaphore_mem>>, %arg21: memref<!tpu.dma_semaphore, #tpu.memory_space<semaphore_mem>>) attributes {dimension_semantics = [#tpu.dimension_semantics<core_parallel>, #tpu.dimension_semantics<subcore_parallel>], iteration_bounds = array<i64: 2, 16>, scalar_prefetch = 0 : i64, scratch_operands = 15 : i64, tpu.core_type = #tpu.core_type<sc_vector_subcore>, window_params = [{transform_indices = #map}, {transform_indices = #map1}, {transform_indices = #map}, {transform_indices = #map}, {transform_indices = #map2}]} {
    %mul3A = arith.constant 64 : i32
    %mul3A_0 = arith.muli %arg1, %mul3A : i32
    %mul3A_1 = arith.constant 16 : i32
    %mul3A_2 = arith.muli %arg0, %mul3A_1 : i32
    %add3A = arith.addi %mul3A_0, %mul3A_2 : i32
    %mul3A_3 = arith.constant 2 : i32
    %mul3A_4 = arith.muli %mul3A_3, %add3A : i32
    "tpu.region"() ({
      %run_scoped3A = tpu.sem_alloc : memref<!tpu.dma_semaphore, #tpu.memory_space<semaphore_mem>>
      %dma_start3A = arith.constant 0 : i32
      %dma_start3A_14 = tpu.memref_slice %arg2[%mul3A_4, %dma_start3A] : memref<2048x100xi32, #tpu.memory_space<hbm>> -> memref<96x100xi32, #tpu.memory_space<hbm>>
      %dma_start3A_15 = arith.constant 0 : i32
      %dma_start3A_16 = tpu.memref_slice %arg2[%mul3A_4, %dma_start3A_15] : memref<2048x100xi32, #tpu.memory_space<hbm>> -> memref<96x100xi32, #tpu.memory_space<hbm>>
      tpu.enqueue_dma source(%dma_start3A_16 : memref<96x100xi32, #tpu.memory_space<hbm>>) target(%arg7 : memref<96x100xi32, #tpu.memory_space<vmem>>) target_semaphore(%run_scoped3A : memref<!tpu.dma_semaphore, #tpu.memory_space<semaphore_mem>>)
      %dma_wait3A = arith.constant 0 : i32
      %dma_wait3A_17 = tpu.memref_slice %arg2[%mul3A_4, %dma_wait3A] : memref<2048x100xi32, #tpu.memory_space<hbm>> -> memref<96x100xi32, #tpu.memory_space<hbm>>
      %dma_wait3A_18 = arith.constant 0 : i32
      %dma_wait3A_19 = tpu.memref_slice %arg2[%mul3A_4, %dma_wait3A_18] : memref<2048x100xi32, #tpu.memory_space<hbm>> -> memref<96x100xi32, #tpu.memory_space<hbm>>
      tpu.wait_dma2 semaphore(%run_scoped3A : memref<!tpu.dma_semaphore, #tpu.memory_space<semaphore_mem>>) src(%dma_wait3A_19 : memref<96x100xi32, #tpu.memory_space<hbm>>) dst(%arg7 : memref<96x100xi32, #tpu.memory_space<vmem>>)
      tpu.yield
    }) : () -> ()
    %mul3A_5 = arith.constant 200 : i32
    %mul3A_6 = arith.muli %add3A, %mul3A_5 : i32
    "tpu.region"() ({
      %run_scoped3A = tpu.sem_alloc : memref<!tpu.dma_semaphore, #tpu.memory_space<semaphore_mem>>
      %dma_start3A = arith.constant 0 : i32
      %dma_start3A_14 = tpu.memref_slice %arg8[%dma_start3A] : memref<9616xi32, #tpu.memory_space<vmem>> -> memref<9600xi32, #tpu.memory_space<vmem>>
      %dma_start3A_15 = tpu.memref_slice %arg3[%mul3A_6] : memref<204800xi32, #tpu.memory_space<hbm>> -> memref<9600xi32, #tpu.memory_space<hbm>>
      %dma_start3A_16 = arith.constant 0 : i32
      %dma_start3A_17 = tpu.memref_slice %arg8[%dma_start3A_16] : memref<9616xi32, #tpu.memory_space<vmem>> -> memref<9600xi32, #tpu.memory_space<vmem>>
      %dma_start3A_18 = tpu.memref_slice %arg3[%mul3A_6] : memref<204800xi32, #tpu.memory_space<hbm>> -> memref<9600xi32, #tpu.memory_space<hbm>>
      tpu.enqueue_dma source(%dma_start3A_18 : memref<9600xi32, #tpu.memory_space<hbm>>) target(%dma_start3A_17 : memref<9600xi32, #tpu.memory_space<vmem>>) target_semaphore(%run_scoped3A : memref<!tpu.dma_semaphore, #tpu.memory_space<semaphore_mem>>)
      %dma_wait3A = arith.constant 0 : i32
      %dma_wait3A_19 = tpu.memref_slice %arg8[%dma_wait3A] : memref<9616xi32, #tpu.memory_space<vmem>> -> memref<9600xi32, #tpu.memory_space<vmem>>
      %dma_wait3A_20 = tpu.memref_slice %arg3[%mul3A_6] : memref<204800xi32, #tpu.memory_space<hbm>> -> memref<9600xi32, #tpu.memory_space<hbm>>
      %dma_wait3A_21 = arith.constant 0 : i32
      %dma_wait3A_22 = tpu.memref_slice %arg8[%dma_wait3A_21] : memref<9616xi32, #tpu.memory_space<vmem>> -> memref<9600xi32, #tpu.memory_space<vmem>>
      %dma_wait3A_23 = tpu.memref_slice %arg3[%mul3A_6] : memref<204800xi32, #tpu.memory_space<hbm>> -> memref<9600xi32, #tpu.memory_space<hbm>>
      tpu.wait_dma2 semaphore(%run_scoped3A : memref<!tpu.dma_semaphore, #tpu.memory_space<semaphore_mem>>) src(%dma_wait3A_23 : memref<9600xi32, #tpu.memory_space<hbm>>) dst(%dma_wait3A_22 : memref<9600xi32, #tpu.memory_space<vmem>>)
      tpu.yield
    }) : () -> ()
    "tpu.region"() ({
      %run_scoped3A = tpu.sem_alloc : memref<!tpu.dma_semaphore, #tpu.memory_space<semaphore_mem>>
      %dma_start3A = arith.constant 0 : i32
      %dma_start3A_14 = arith.constant 0 : i32
      %dma_start3A_15 = tpu.memref_slice %arg5[%dma_start3A, %dma_start3A_14] : memref<512x64xf32, #tpu.memory_space<hbm>> -> memref<200x64xf32, #tpu.memory_space<hbm>>
      %dma_start3A_16 = arith.constant 0 : i32
      %dma_start3A_17 = arith.constant 0 : i32
      %dma_start3A_18 = tpu.memref_slice %arg5[%dma_start3A_16, %dma_start3A_17] : memref<512x64xf32, #tpu.memory_space<hbm>> -> memref<200x64xf32, #tpu.memory_space<hbm>>
      tpu.enqueue_dma source(%dma_start3A_18 : memref<200x64xf32, #tpu.memory_space<hbm>>) target(%arg9 : memref<200x64xf32, #tpu.memory_space<vmem>>) target_semaphore(%run_scoped3A : memref<!tpu.dma_semaphore, #tpu.memory_space<semaphore_mem>>)
      %dma_wait3A = arith.constant 0 : i32
      %dma_wait3A_19 = arith.constant 0 : i32
      %dma_wait3A_20 = tpu.memref_slice %arg5[%dma_wait3A, %dma_wait3A_19] : memref<512x64xf32, #tpu.memory_space<hbm>> -> memref<200x64xf32, #tpu.memory_space<hbm>>
      %dma_wait3A_21 = arith.constant 0 : i32
      %dma_wait3A_22 = arith.constant 0 : i32
      %dma_wait3A_23 = tpu.memref_slice %arg5[%dma_wait3A_21, %dma_wait3A_22] : memref<512x64xf32, #tpu.memory_space<hbm>> -> memref<200x64xf32, #tpu.memory_space<hbm>>
      tpu.wait_dma2 semaphore(%run_scoped3A : memref<!tpu.dma_semaphore, #tpu.memory_space<semaphore_mem>>) src(%dma_wait3A_23 : memref<200x64xf32, #tpu.memory_space<hbm>>) dst(%arg9 : memref<200x64xf32, #tpu.memory_space<vmem>>)
      tpu.yield
    }) : () -> ()
    %eq3A = arith.constant 0 : i32
    %eq3A_7 = arith.cmpi eq, %arg0, %eq3A : i32
    %convert_element_type3A = arith.extui %eq3A_7 : i1 to i32
    %cond3A = arith.constant 0 : i32
    %cond3A_8 = arith.cmpi ne, %convert_element_type3A, %cond3A : i32
    scf.if %cond3A_8 {
      %broadcast_in_dim3A = arith.constant 2147483647 : i32
      %broadcast_in_dim3A_14 = vector.broadcast %broadcast_in_dim3A : i32 to vector<16xi32>
      %scan3A = arith.constant 0 : i32
      %scan3A_15 = arith.constant 200 : i32
      %scan3A_16 = arith.addi %scan3A, %scan3A_15 : i32
      %scan3A_17 = arith.constant 1 : i32
      %scan3A_18 = scf.for %scan3A_181 = %scan3A to %scan3A_16 step %scan3A_17 iter_args(%scan3A_182 = %broadcast_in_dim3A_14) -> (vector<16xi32>)  : i32 {
        %mul3A_183 = arith.constant 16 : i32
        %mul3A_184 = arith.muli %scan3A_181, %mul3A_183 : i32
        %get3A = arith.index_cast %mul3A_184 : i32 to index
        %get3A_185 = tpu.vector_load %arg8[%get3A] {strides = array<i32>} : memref<9616xi32, #tpu.memory_space<vmem>>, vector<16xi32>,
        %get3A_186 = vector.shape_cast %get3A_185 : vector<16xi32> to vector<16xi32>
        %min3A_187 = arith.minsi %scan3A_182, %get3A_186 : vector<16xi32>
        scf.yield %min3A_187 : vector<16xi32>
      }
      %scan3A_19 = arith.constant 200 : i32
      %iota3A = tpu.iota {dimensions = array<i32: 0>} : vector<16xi32>
      %add3A_20 = arith.constant 8 : i32
      %add3A_21 = vector.broadcast %add3A_20 : i32 to vector<16xi32>
      %add3A_22 = arith.addi %iota3A, %add3A_21 : vector<16xi32>
      %rem3A = arith.constant 16 : i32
      %rem3A_23 = vector.broadcast %rem3A : i32 to vector<16xi32>
      %rem3A_24 = arith.remsi %add3A_22, %rem3A_23 : vector<16xi32>
      %broadcast_in_dim3A_25 = vector.shape_cast %rem3A_24 : vector<16xi32> to vector<16x1xi32>
      %gather3A = vector.shape_cast %broadcast_in_dim3A_25 : vector<16x1xi32> to vector<16xi32>
      %gather3A_26 = tpu.dynamic_gather %scan3A_18[%gather3A] in [0] : vector<16xi32>, vector<16xi32> -> vector<16xi32>
      %min3A = arith.minsi %scan3A_18, %gather3A_26 : vector<16xi32>
      %add3A_27 = arith.constant 4 : i32
      %add3A_28 = vector.broadcast %add3A_27 : i32 to vector<16xi32>
      %add3A_29 = arith.addi %iota3A, %add3A_28 : vector<16xi32>
      %rem3A_30 = arith.constant 16 : i32
      %rem3A_31 = vector.broadcast %rem3A_30 : i32 to vector<16xi32>
      %rem3A_32 = arith.remsi %add3A_29, %rem3A_31 : vector<16xi32>
      %broadcast_in_dim3A_33 = vector.shape_cast %rem3A_32 : vector<16xi32> to vector<16x1xi32>
      %gather3A_34 = vector.shape_cast %broadcast_in_dim3A_33 : vector<16x1xi32> to vector<16xi32>
      %gather3A_35 = tpu.dynamic_gather %min3A[%gather3A_34] in [0] : vector<16xi32>, vector<16xi32> -> vector<16xi32>
      %min3A_36 = arith.minsi %min3A, %gather3A_35 : vector<16xi32>
      %add3A_37 = arith.constant 2 : i32
      %add3A_38 = vector.broadcast %add3A_37 : i32 to vector<16xi32>
      %add3A_39 = arith.addi %iota3A, %add3A_38 : vector<16xi32>
      %rem3A_40 = arith.constant 16 : i32
      %rem3A_41 = vector.broadcast %rem3A_40 : i32 to vector<16xi32>
      %rem3A_42 = arith.remsi %add3A_39, %rem3A_41 : vector<16xi32>
      %broadcast_in_dim3A_43 = vector.shape_cast %rem3A_42 : vector<16xi32> to vector<16x1xi32>
      %gather3A_44 = vector.shape_cast %broadcast_in_dim3A_43 : vector<16x1xi32> to vector<16xi32>
      %gather3A_45 = tpu.dynamic_gather %min3A_36[%gather3A_44] in [0] : vector<16xi32>, vector<16xi32> -> vector<16xi32>
      %min3A_46 = arith.minsi %min3A_36, %gather3A_45 : vector<16xi32>
      %add3A_47 = arith.constant 1 : i32
      %add3A_48 = vector.broadcast %add3A_47 : i32 to vector<16xi32>
      %add3A_49 = arith.addi %iota3A, %add3A_48 : vector<16xi32>
      %rem3A_50 = arith.constant 16 : i32
      %rem3A_51 = vector.broadcast %rem3A_50 : i32 to vector<16xi32>
      %rem3A_52 = arith.remsi %add3A_49, %rem3A_51 : vector<16xi32>
      %broadcast_in_dim3A_53 = vector.shape_cast %rem3A_52 : vector<16xi32> to vector<16x1xi32>
      %gather3A_54 = vector.shape_cast %broadcast_in_dim3A_53 : vector<16x1xi32> to vector<16xi32>
      %gather3A_55 = tpu.dynamic_gather %min3A_46[%gather3A_54] in [0] : vector<16xi32>, vector<16xi32> -> vector<16xi32>
      %min3A_56 = arith.minsi %min3A_46, %gather3A_55 : vector<16xi32>
      %slice3A = vector.extract_strided_slice %min3A_56 {offsets = [0], sizes = [1], strides = [1]} : vector<16xi32> to vector<1xi32>
      %squeeze3A = vector.extract %slice3A[0] : i32 from vector<1xi32>
      %eq3A_57 = arith.constant 0 : i32
      %eq3A_58 = arith.cmpi eq, %squeeze3A, %eq3A_57 : i32
      %mul3A_59 = arith.constant 2 : i32
      %mul3A_60 = arith.constant 0 : i32
      %mul3A_61 = arith.muli %mul3A_59, %mul3A_60 : i32
      %mul3A_62 = arith.constant 2 : i32
      %mul3A_63 = arith.constant 0 : i32
      %mul3A_64 = arith.muli %mul3A_62, %mul3A_63 : i32
      %add3A_65 = arith.constant 1 : i32
      %add3A_66 = arith.addi %mul3A_64, %add3A_65 : i32
      %dma_start3A = arith.constant 0 : i32
      %dma_start3A_67 = arith.constant 0 : i32
      %dma_start3A_68 = tpu.memref_slice %arg10[%dma_start3A, %dma_start3A_67] : memref<200x64xf32, #tpu.memory_space<vmem>> -> memref<100x64xf32, #tpu.memory_space<vmem>>
      %dma_start3A_69 = arith.constant 0 : i32
      %dma_start3A_70 = tpu.memref_slice %arg7[%mul3A_61, %dma_start3A_69] : memref<96x100xi32, #tpu.memory_space<vmem>> -> memref<1x100xi32, #tpu.memory_space<vmem>>
      %dma_start3A_71 = tpu.memref_squeeze %dma_start3A_70 : memref<1x100xi32, #tpu.memory_space<vmem>> -> memref<100xi32, #tpu.memory_space<vmem>>
      %dma_start3A_72 = arith.constant 0 : i32
      %dma_start3A_73 = arith.constant 0 : i32
      %dma_start3A_74 = tpu.memref_slice %arg4[%dma_start3A_72, %dma_start3A_73] : memref<100000x64xf32, #tpu.memory_space<hbm>> -> memref<100000x64xf32, #tpu.memory_space<hbm>>
      tpu.enqueue_indirect_dma source(%dma_start3A_74 : memref<100000x64xf32, #tpu.memory_space<hbm>>) target(%dma_start3A_68 : memref<100x64xf32, #tpu.memory_space<vmem>>) offsets(%dma_start3A_71 : memref<100xi32, #tpu.memory_space<vmem>>) semaphore(%arg14 : memref<!tpu.dma_semaphore, #tpu.memory_space<semaphore_mem>>)
      %dma_start3A_75 = arith.constant 100 : i32
      %dma_start3A_76 = arith.constant 0 : i32
      %dma_start3A_77 = tpu.memref_slice %arg10[%dma_start3A_75, %dma_start3A_76] : memref<200x64xf32, #tpu.memory_space<vmem>> -> memref<100x64xf32, #tpu.memory_space<vmem>>
      %dma_start3A_78 = arith.constant 0 : i32
      %dma_start3A_79 = tpu.memref_slice %arg7[%add3A_66, %dma_start3A_78] : memref<96x100xi32, #tpu.memory_space<vmem>> -> memref<1x100xi32, #tpu.memory_space<vmem>>
      %dma_start3A_80 = tpu.memref_squeeze %dma_start3A_79 : memref<1x100xi32, #tpu.memory_space<vmem>> -> memref<100xi32, #tpu.memory_space<vmem>>
      %dma_start3A_81 = arith.constant 0 : i32
      %dma_start3A_82 = arith.constant 0 : i32
      %dma_start3A_83 = tpu.memref_slice %arg4[%dma_start3A_81, %dma_start3A_82] : memref<100000x64xf32, #tpu.memory_space<hbm>> -> memref<100000x64xf32, #tpu.memory_space<hbm>>
      tpu.enqueue_indirect_dma source(%dma_start3A_83 : memref<100000x64xf32, #tpu.memory_space<hbm>>) target(%dma_start3A_77 : memref<100x64xf32, #tpu.memory_space<vmem>>) offsets(%dma_start3A_80 : memref<100xi32, #tpu.memory_space<vmem>>) semaphore(%arg14 : memref<!tpu.dma_semaphore, #tpu.memory_space<semaphore_mem>>)
      %mul3A_84 = arith.constant 2 : i32
      %mul3A_85 = arith.constant 1 : i32
      %mul3A_86 = arith.muli %mul3A_84, %mul3A_85 : i32
      %mul3A_87 = arith.constant 2 : i32
      %mul3A_88 = arith.constant 1 : i32
      %mul3A_89 = arith.muli %mul3A_87, %mul3A_88 : i32
      %add3A_90 = arith.constant 1 : i32
      %add3A_91 = arith.addi %mul3A_89, %add3A_90 : i32
      %dma_start3A_92 = arith.constant 0 : i32
      %dma_start3A_93 = arith.constant 0 : i32
      %dma_start3A_94 = tpu.memref_slice %arg11[%dma_start3A_92, %dma_start3A_93] : memref<200x64xf32, #tpu.memory_space<vmem>> -> memref<100x64xf32, #tpu.memory_space<vmem>>
      %dma_start3A_95 = arith.constant 0 : i32
      %dma_start3A_96 = tpu.memref_slice %arg7[%mul3A_86, %dma_start3A_95] : memref<96x100xi32, #tpu.memory_space<vmem>> -> memref<1x100xi32, #tpu.memory_space<vmem>>
      %dma_start3A_97 = tpu.memref_squeeze %dma_start3A_96 : memref<1x100xi32, #tpu.memory_space<vmem>> -> memref<100xi32, #tpu.memory_space<vmem>>
      %dma_start3A_98 = arith.constant 0 : i32
      %dma_start3A_99 = arith.constant 0 : i32
      %dma_start3A_100 = tpu.memref_slice %arg4[%dma_start3A_98, %dma_start3A_99] : memref<100000x64xf32, #tpu.memory_space<hbm>> -> memref<100000x64xf32, #tpu.memory_space<hbm>>
      tpu.enqueue_indirect_dma source(%dma_start3A_100 : memref<100000x64xf32, #tpu.memory_space<hbm>>) target(%dma_start3A_94 : memref<100x64xf32, #tpu.memory_space<vmem>>) offsets(%dma_start3A_97 : memref<100xi32, #tpu.memory_space<vmem>>) semaphore(%arg15 : memref<!tpu.dma_semaphore, #tpu.memory_space<semaphore_mem>>)
      %dma_start3A_101 = arith.constant 100 : i32
      %dma_start3A_102 = arith.constant 0 : i32
      %dma_start3A_103 = tpu.memref_slice %arg11[%dma_start3A_101, %dma_start3A_102] : memref<200x64xf32, #tpu.memory_space<vmem>> -> memref<100x64xf32, #tpu.memory_space<vmem>>
      %dma_start3A_104 = arith.constant 0 : i32
      %dma_start3A_105 = tpu.memref_slice %arg7[%add3A_91, %dma_start3A_104] : memref<96x100xi32, #tpu.memory_space<vmem>> -> memref<1x100xi32, #tpu.memory_space<vmem>>
      %dma_start3A_106 = tpu.memref_squeeze %dma_start3A_105 : memref<1x100xi32, #tpu.memory_space<vmem>> -> memref<100xi32, #tpu.memory_space<vmem>>
      %dma_start3A_107 = arith.constant 0 : i32
      %dma_start3A_108 = arith.constant 0 : i32
      %dma_start3A_109 = tpu.memref_slice %arg4[%dma_start3A_107, %dma_start3A_108] : memref<100000x64xf32, #tpu.memory_space<hbm>> -> memref<100000x64xf32, #tpu.memory_space<hbm>>
      tpu.enqueue_indirect_dma source(%dma_start3A_109 : memref<100000x64xf32, #tpu.memory_space<hbm>>) target(%dma_start3A_103 : memref<100x64xf32, #tpu.memory_space<vmem>>) offsets(%dma_start3A_106 : memref<100xi32, #tpu.memory_space<vmem>>) semaphore(%arg15 : memref<!tpu.dma_semaphore, #tpu.memory_space<semaphore_mem>>)
      %mul3A_110 = arith.constant 2 : i32
      %mul3A_111 = arith.constant 2 : i32
      %mul3A_112 = arith.muli %mul3A_110, %mul3A_111 : i32
      %mul3A_113 = arith.constant 2 : i32
      %mul3A_114 = arith.constant 2 : i32
      %mul3A_115 = arith.muli %mul3A_113, %mul3A_114 : i32
      %add3A_116 = arith.constant 1 : i32
      %add3A_117 = arith.addi %mul3A_115, %add3A_116 : i32
      %dma_start3A_118 = arith.constant 0 : i32
      %dma_start3A_119 = arith.constant 0 : i32
      %dma_start3A_120 = tpu.memref_slice %arg12[%dma_start3A_118, %dma_start3A_119] : memref<200x64xf32, #tpu.memory_space<vmem>> -> memref<100x64xf32, #tpu.memory_space<vmem>>
      %dma_start3A_121 = arith.constant 0 : i32
      %dma_start3A_122 = tpu.memref_slice %arg7[%mul3A_112, %dma_start3A_121] : memref<96x100xi32, #tpu.memory_space<vmem>> -> memref<1x100xi32, #tpu.memory_space<vmem>>
      %dma_start3A_123 = tpu.memref_squeeze %dma_start3A_122 : memref<1x100xi32, #tpu.memory_space<vmem>> -> memref<100xi32, #tpu.memory_space<vmem>>
      %dma_start3A_124 = arith.constant 0 : i32
      %dma_start3A_125 = arith.constant 0 : i32
      %dma_start3A_126 = tpu.memref_slice %arg4[%dma_start3A_124, %dma_start3A_125] : memref<100000x64xf32, #tpu.memory_space<hbm>> -> memref<100000x64xf32, #tpu.memory_space<hbm>>
      tpu.enqueue_indirect_dma source(%dma_start3A_126 : memref<100000x64xf32, #tpu.memory_space<hbm>>) target(%dma_start3A_120 : memref<100x64xf32, #tpu.memory_space<vmem>>) offsets(%dma_start3A_123 : memref<100xi32, #tpu.memory_space<vmem>>) semaphore(%arg16 : memref<!tpu.dma_semaphore, #tpu.memory_space<semaphore_mem>>)
      %dma_start3A_127 = arith.constant 100 : i32
      %dma_start3A_128 = arith.constant 0 : i32
      %dma_start3A_129 = tpu.memref_slice %arg12[%dma_start3A_127, %dma_start3A_128] : memref<200x64xf32, #tpu.memory_space<vmem>> -> memref<100x64xf32, #tpu.memory_space<vmem>>
      %dma_start3A_130 = arith.constant 0 : i32
      %dma_start3A_131 = tpu.memref_slice %arg7[%add3A_117, %dma_start3A_130] : memref<96x100xi32, #tpu.memory_space<vmem>> -> memref<1x100xi32, #tpu.memory_space<vmem>>
      %dma_start3A_132 = tpu.memref_squeeze %dma_start3A_131 : memref<1x100xi32, #tpu.memory_space<vmem>> -> memref<100xi32, #tpu.memory_space<vmem>>
      %dma_start3A_133 = arith.constant 0 : i32
      %dma_start3A_134 = arith.constant 0 : i32
      %dma_start3A_135 = tpu.memref_slice %arg4[%dma_start3A_133, %dma_start3A_134] : memref<100000x64xf32, #tpu.memory_space<hbm>> -> memref<100000x64xf32, #tpu.memory_space<hbm>>
      tpu.enqueue_indirect_dma source(%dma_start3A_135 : memref<100000x64xf32, #tpu.memory_space<hbm>>) target(%dma_start3A_129 : memref<100x64xf32, #tpu.memory_space<vmem>>) offsets(%dma_start3A_132 : memref<100xi32, #tpu.memory_space<vmem>>) semaphore(%arg16 : memref<!tpu.dma_semaphore, #tpu.memory_space<semaphore_mem>>)
      %scan3A_136 = arith.constant 0 : i32
      %scan3A_137 = arith.constant 0 : i32
      %scan3A_138 = arith.constant 4 : i32
      %scan3A_139 = arith.addi %scan3A_137, %scan3A_138 : i32
      %scan3A_140 = arith.constant 1 : i32
      scf.for %scan3A_181 = %scan3A_137 to %scan3A_139 step %scan3A_140  : i32 {
        %mul3A_182 = arith.constant 4 : i32
        %mul3A_183 = arith.muli %mul3A_182, %scan3A_181 : i32
        %add3A_184 = arith.constant 0 : i32
        %add3A_185 = arith.addi %mul3A_183, %add3A_184 : i32
        %add3A_186 = arith.constant 4 : i32
        %add3A_187 = arith.addi %add3A_185, %add3A_186 : i32
        %sub3A = arith.constant 1 : i32
        %sub3A_188 = arith.subi %add3A_187, %sub3A : i32
        %gt3A = arith.constant 0 : i32
        %gt3A_189 = arith.cmpi sgt, %scan3A_181, %gt3A : i32
        %convert_element_type3A_190 = arith.extui %gt3A_189 : i1 to i32
        %cond3A_191 = arith.constant 0 : i32
        %cond3A_192 = arith.cmpi ne, %convert_element_type3A_190, %cond3A_191 : i32
        scf.if %cond3A_192 {
          %sub3A_431 = arith.constant 4 : i32
          %sub3A_432 = arith.subi %sub3A_188, %sub3A_431 : i32
          %add3A_433 = arith.addi %add3A, %sub3A_432 : i32
          %dma_wait3A_434 = arith.constant 0 : i32
          %dma_wait3A_435 = arith.constant 0 : i32
          %dma_wait3A_436 = tpu.memref_slice %arg6[%add3A_433, %dma_wait3A_434, %dma_wait3A_435] : memref<1024x200x64xf32, #tpu.memory_space<hbm>> -> memref<1x200x64xf32, #tpu.memory_space<hbm>>
          %dma_wait3A_437 = tpu.memref_squeeze %dma_wait3A_436 : memref<1x200x64xf32, #tpu.memory_space<hbm>> -> memref<200x64xf32, #tpu.memory_space<hbm>>
          %dma_wait3A_438 = arith.constant 0 : i32
          %dma_wait3A_439 = arith.constant 0 : i32
          %dma_wait3A_440 = tpu.memref_slice %arg6[%add3A_433, %dma_wait3A_438, %dma_wait3A_439] : memref<1024x200x64xf32, #tpu.memory_space<hbm>> -> memref<1x200x64xf32, #tpu.memory_space<hbm>>
          %dma_wait3A_441 = tpu.memref_squeeze %dma_wait3A_440 : memref<1x200x64xf32, #tpu.memory_space<hbm>> -> memref<200x64xf32, #tpu.memory_space<hbm>>
          tpu.wait_dma2 semaphore(%arg21 : memref<!tpu.dma_semaphore, #tpu.memory_space<semaphore_mem>>) src(%arg13 : memref<200x64xf32, #tpu.memory_space<vmem>>) dst(%dma_wait3A_441 : memref<200x64xf32, #tpu.memory_space<hbm>>)
        } else {
        }
        %mul3A_193 = arith.constant 2 : i32
        %mul3A_194 = arith.muli %mul3A_193, %sub3A_188 : i32
        %mul3A_195 = arith.constant 2 : i32
        %mul3A_196 = arith.muli %mul3A_195, %sub3A_188 : i32
        %add3A_197 = arith.constant 1 : i32
        %add3A_198 = arith.addi %mul3A_196, %add3A_197 : i32
        %dma_start3A_199 = arith.constant 0 : i32
        %dma_start3A_200 = arith.constant 0 : i32
        %dma_start3A_201 = tpu.memref_slice %arg13[%dma_start3A_199, %dma_start3A_200] : memref<200x64xf32, #tpu.memory_space<vmem>> -> memref<100x64xf32, #tpu.memory_space<vmem>>
        %dma_start3A_202 = arith.constant 0 : i32
        %dma_start3A_203 = tpu.memref_slice %arg7[%mul3A_194, %dma_start3A_202] : memref<96x100xi32, #tpu.memory_space<vmem>> -> memref<1x100xi32, #tpu.memory_space<vmem>>
        %dma_start3A_204 = tpu.memref_squeeze %dma_start3A_203 : memref<1x100xi32, #tpu.memory_space<vmem>> -> memref<100xi32, #tpu.memory_space<vmem>>
        %dma_start3A_205 = arith.constant 0 : i32
        %dma_start3A_206 = arith.constant 0 : i32
        %dma_start3A_207 = tpu.memref_slice %arg4[%dma_start3A_205, %dma_start3A_206] : memref<100000x64xf32, #tpu.memory_space<hbm>> -> memref<100000x64xf32, #tpu.memory_space<hbm>>
        tpu.enqueue_indirect_dma source(%dma_start3A_207 : memref<100000x64xf32, #tpu.memory_space<hbm>>) target(%dma_start3A_201 : memref<100x64xf32, #tpu.memory_space<vmem>>) offsets(%dma_start3A_204 : memref<100xi32, #tpu.memory_space<vmem>>) semaphore(%arg17 : memref<!tpu.dma_semaphore, #tpu.memory_space<semaphore_mem>>)
        %dma_start3A_208 = arith.constant 100 : i32
        %dma_start3A_209 = arith.constant 0 : i32
        %dma_start3A_210 = tpu.memref_slice %arg13[%dma_start3A_208, %dma_start3A_209] : memref<200x64xf32, #tpu.memory_space<vmem>> -> memref<100x64xf32, #tpu.memory_space<vmem>>
        %dma_start3A_211 = arith.constant 0 : i32
        %dma_start3A_212 = tpu.memref_slice %arg7[%add3A_198, %dma_start3A_211] : memref<96x100xi32, #tpu.memory_space<vmem>> -> memref<1x100xi32, #tpu.memory_space<vmem>>
        %dma_start3A_213 = tpu.memref_squeeze %dma_start3A_212 : memref<1x100xi32, #tpu.memory_space<vmem>> -> memref<100xi32, #tpu.memory_space<vmem>>
        %dma_start3A_214 = arith.constant 0 : i32
        %dma_start3A_215 = arith.constant 0 : i32
        %dma_start3A_216 = tpu.memref_slice %arg4[%dma_start3A_214, %dma_start3A_215] : memref<100000x64xf32, #tpu.memory_space<hbm>> -> memref<100000x64xf32, #tpu.memory_space<hbm>>
        tpu.enqueue_indirect_dma source(%dma_start3A_216 : memref<100000x64xf32, #tpu.memory_space<hbm>>) target(%dma_start3A_210 : memref<100x64xf32, #tpu.memory_space<vmem>>) offsets(%dma_start3A_213 : memref<100xi32, #tpu.memory_space<vmem>>) semaphore(%arg17 : memref<!tpu.dma_semaphore, #tpu.memory_space<semaphore_mem>>)
        %mul3A_217 = arith.constant 2 : i32
        %mul3A_218 = arith.muli %mul3A_217, %add3A_185 : i32
        %mul3A_219 = arith.constant 2 : i32
        %mul3A_220 = arith.muli %mul3A_219, %add3A_185 : i32
        %add3A_221 = arith.constant 1 : i32
        %add3A_222 = arith.addi %mul3A_220, %add3A_221 : i32
        %dma_wait3A_223 = arith.constant 0 : i32
        %dma_wait3A_224 = arith.constant 0 : i32
        %dma_wait3A_225 = tpu.memref_slice %arg10[%dma_wait3A_223, %dma_wait3A_224] : memref<200x64xf32, #tpu.memory_space<vmem>> -> memref<100x64xf32, #tpu.memory_space<vmem>>
        %dma_wait3A_226 = arith.constant 0 : i32
        %dma_wait3A_227 = tpu.memref_slice %arg7[%mul3A_218, %dma_wait3A_226] : memref<96x100xi32, #tpu.memory_space<vmem>> -> memref<1x100xi32, #tpu.memory_space<vmem>>
        %dma_wait3A_228 = tpu.memref_squeeze %dma_wait3A_227 : memref<1x100xi32, #tpu.memory_space<vmem>> -> memref<100xi32, #tpu.memory_space<vmem>>
        %dma_wait3A_229 = arith.constant 0 : i32
        %dma_wait3A_230 = arith.constant 0 : i32
        %dma_wait3A_231 = tpu.memref_slice %arg4[%dma_wait3A_229, %dma_wait3A_230] : memref<100000x64xf32, #tpu.memory_space<hbm>> -> memref<100000x64xf32, #tpu.memory_space<hbm>>
        tpu.wait_indirect_dma semaphore(%arg14 : memref<!tpu.dma_semaphore, #tpu.memory_space<semaphore_mem>>) src(%dma_wait3A_231 : memref<100000x64xf32, #tpu.memory_space<hbm>>) dst(%dma_wait3A_225 : memref<100x64xf32, #tpu.memory_space<vmem>>)
        %dma_wait3A_232 = arith.constant 100 : i32
        %dma_wait3A_233 = arith.constant 0 : i32
        %dma_wait3A_234 = tpu.memref_slice %arg10[%dma_wait3A_232, %dma_wait3A_233] : memref<200x64xf32, #tpu.memory_space<vmem>> -> memref<100x64xf32, #tpu.memory_space<vmem>>
        %dma_wait3A_235 = arith.constant 0 : i32
        %dma_wait3A_236 = tpu.memref_slice %arg7[%add3A_222, %dma_wait3A_235] : memref<96x100xi32, #tpu.memory_space<vmem>> -> memref<1x100xi32, #tpu.memory_space<vmem>>
        %dma_wait3A_237 = tpu.memref_squeeze %dma_wait3A_236 : memref<1x100xi32, #tpu.memory_space<vmem>> -> memref<100xi32, #tpu.memory_space<vmem>>
        %dma_wait3A_238 = arith.constant 0 : i32
        %dma_wait3A_239 = arith.constant 0 : i32
        %dma_wait3A_240 = tpu.memref_slice %arg4[%dma_wait3A_238, %dma_wait3A_239] : memref<100000x64xf32, #tpu.memory_space<hbm>> -> memref<100000x64xf32, #tpu.memory_space<hbm>>
        tpu.wait_indirect_dma semaphore(%arg14 : memref<!tpu.dma_semaphore, #tpu.memory_space<semaphore_mem>>) src(%dma_wait3A_240 : memref<100000x64xf32, #tpu.memory_space<hbm>>) dst(%dma_wait3A_234 : memref<100x64xf32, #tpu.memory_space<vmem>>)
        %mul3A_241 = arith.constant 200 : i32
        %mul3A_242 = arith.muli %add3A_185, %mul3A_241 : i32
        %convert_element_type3A_243 = arith.extui %eq3A_58 : i1 to i32
        %cond3A_244 = arith.constant 0 : i32
        %cond3A_245 = arith.cmpi ne, %convert_element_type3A_243, %cond3A_244 : i32
        scf.if %cond3A_245 {
          %scan3A_431 = arith.constant 0 : i32
          %scan3A_432 = arith.constant 0 : i32
          %scan3A_433 = arith.constant 200 : i32
          %scan3A_434 = arith.addi %scan3A_432, %scan3A_433 : i32
          %scan3A_435 = arith.constant 1 : i32
          scf.for %scan3A_437 = %scan3A_432 to %scan3A_434 step %scan3A_435  : i32 {
            %add3A_438 = arith.addi %mul3A_242, %scan3A_437 : i32
            %get3A = arith.index_cast %add3A_438 : i32 to index
            %get3A_439 = tpu.vector_load %arg8[%get3A] {strides = array<i32>} : memref<9616xi32, #tpu.memory_space<vmem>>, vector<16xi32>,
            %get3A_440 = vector.shape_cast %get3A_439 : vector<16xi32> to vector<16xi32>
            %slice3A_441 = vector.extract_strided_slice %get3A_440 {offsets = [0], sizes = [1], strides = [1]} : vector<16xi32> to vector<1xi32>
            %squeeze3A_442 = vector.extract %slice3A_441[0] : i32 from vector<1xi32>
            %eq3A_443 = arith.constant 0 : i32
            %eq3A_444 = arith.cmpi eq, %squeeze3A_442, %eq3A_443 : i32
            %convert_element_type3A_445 = arith.extui %eq3A_444 : i1 to i32
            %cond3A_446 = arith.constant 0 : i32
            %cond3A_447 = arith.cmpi ne, %convert_element_type3A_445, %cond3A_446 : i32
            scf.if %cond3A_447 {
              %broadcast_in_dim3A_448 = arith.constant 0.000000e+00 : f32
              %broadcast_in_dim3A_449 = vector.broadcast %broadcast_in_dim3A_448 : f32 to vector<16xf32>
              %swap3A = arith.index_cast %scan3A_437 : i32 to index
              %swap3A_450 = arith.constant 0 : index
              %swap3A_451 = tpu.vector_load %arg10[%swap3A, %swap3A_450] {strides = array<i32>} : memref<200x64xf32, #tpu.memory_space<vmem>>, vector<1x16xf32>,
              %swap3A_452 = vector.shape_cast %swap3A_451 : vector<1x16xf32> to vector<16xf32>
              %swap3A_453 = vector.shape_cast %broadcast_in_dim3A_449 : vector<16xf32> to vector<1x16xf32>
              tpu.vector_store %arg10[%swap3A, %swap3A_450], %swap3A_453 {strides = array<i32>} : memref<200x64xf32, #tpu.memory_space<vmem>>, vector<1x16xf32>,
              %swap3A_454 = arith.index_cast %scan3A_437 : i32 to index
              %swap3A_455 = arith.constant 16 : index
              %swap3A_456 = tpu.vector_load %arg10[%swap3A_454, %swap3A_455] {strides = array<i32>} : memref<200x64xf32, #tpu.memory_space<vmem>>, vector<1x16xf32>,
              %swap3A_457 = vector.shape_cast %swap3A_456 : vector<1x16xf32> to vector<16xf32>
              %swap3A_458 = vector.shape_cast %broadcast_in_dim3A_449 : vector<16xf32> to vector<1x16xf32>
              tpu.vector_store %arg10[%swap3A_454, %swap3A_455], %swap3A_458 {strides = array<i32>} : memref<200x64xf32, #tpu.memory_space<vmem>>, vector<1x16xf32>,
              %swap3A_459 = arith.index_cast %scan3A_437 : i32 to index
              %swap3A_460 = arith.constant 32 : index
              %swap3A_461 = tpu.vector_load %arg10[%swap3A_459, %swap3A_460] {strides = array<i32>} : memref<200x64xf32, #tpu.memory_space<vmem>>, vector<1x16xf32>,
              %swap3A_462 = vector.shape_cast %swap3A_461 : vector<1x16xf32> to vector<16xf32>
              %swap3A_463 = vector.shape_cast %broadcast_in_dim3A_449 : vector<16xf32> to vector<1x16xf32>
              tpu.vector_store %arg10[%swap3A_459, %swap3A_460], %swap3A_463 {strides = array<i32>} : memref<200x64xf32, #tpu.memory_space<vmem>>, vector<1x16xf32>,
              %swap3A_464 = arith.index_cast %scan3A_437 : i32 to index
              %swap3A_465 = arith.constant 48 : index
              %swap3A_466 = tpu.vector_load %arg10[%swap3A_464, %swap3A_465] {strides = array<i32>} : memref<200x64xf32, #tpu.memory_space<vmem>>, vector<1x16xf32>,
              %swap3A_467 = vector.shape_cast %swap3A_466 : vector<1x16xf32> to vector<16xf32>
              %swap3A_468 = vector.shape_cast %broadcast_in_dim3A_449 : vector<16xf32> to vector<1x16xf32>
              tpu.vector_store %arg10[%swap3A_464, %swap3A_465], %swap3A_468 {strides = array<i32>} : memref<200x64xf32, #tpu.memory_space<vmem>>, vector<1x16xf32>,
            } else {
            }
          }
          %scan3A_436 = arith.constant 200 : i32
        } else {
        }
        %scan3A_246 = arith.constant 0 : i32
        %scan3A_247 = arith.constant 0 : i32
        %scan3A_248 = arith.constant 200 : i32
        %scan3A_249 = arith.addi %scan3A_247, %scan3A_248 : i32
        %scan3A_250 = arith.constant 1 : i32
        scf.for %scan3A_431 = %scan3A_247 to %scan3A_249 step %scan3A_250  : i32 {
          %get3A = arith.index_cast %scan3A_431 : i32 to index
          %get3A_432 = arith.constant 0 : index
          %get3A_433 = tpu.vector_load %arg10[%get3A, %get3A_432] {strides = array<i32>} : memref<200x64xf32, #tpu.memory_space<vmem>>, vector<1x16xf32>,
          %get3A_434 = vector.shape_cast %get3A_433 : vector<1x16xf32> to vector<16xf32>
          %get3A_435 = arith.index_cast %scan3A_431 : i32 to index
          %get3A_436 = arith.constant 0 : index
          %get3A_437 = tpu.vector_load %arg9[%get3A_435, %get3A_436] {strides = array<i32>} : memref<200x64xf32, #tpu.memory_space<vmem>>, vector<1x16xf32>,
          %get3A_438 = vector.shape_cast %get3A_437 : vector<1x16xf32> to vector<16xf32>
          %add3A_439 = arith.addf %get3A_434, %get3A_438 : vector<16xf32>
          %swap3A = arith.index_cast %scan3A_431 : i32 to index
          %swap3A_440 = arith.constant 0 : index
          %swap3A_441 = tpu.vector_load %arg10[%swap3A, %swap3A_440] {strides = array<i32>} : memref<200x64xf32, #tpu.memory_space<vmem>>, vector<1x16xf32>,
          %swap3A_442 = vector.shape_cast %swap3A_441 : vector<1x16xf32> to vector<16xf32>
          %swap3A_443 = vector.shape_cast %add3A_439 : vector<16xf32> to vector<1x16xf32>
          tpu.vector_store %arg10[%swap3A, %swap3A_440], %swap3A_443 {strides = array<i32>} : memref<200x64xf32, #tpu.memory_space<vmem>>, vector<1x16xf32>,
          %get3A_444 = arith.index_cast %scan3A_431 : i32 to index
          %get3A_445 = arith.constant 16 : index
          %get3A_446 = tpu.vector_load %arg10[%get3A_444, %get3A_445] {strides = array<i32>} : memref<200x64xf32, #tpu.memory_space<vmem>>, vector<1x16xf32>,
          %get3A_447 = vector.shape_cast %get3A_446 : vector<1x16xf32> to vector<16xf32>
          %get3A_448 = arith.index_cast %scan3A_431 : i32 to index
          %get3A_449 = arith.constant 16 : index
          %get3A_450 = tpu.vector_load %arg9[%get3A_448, %get3A_449] {strides = array<i32>} : memref<200x64xf32, #tpu.memory_space<vmem>>, vector<1x16xf32>,
          %get3A_451 = vector.shape_cast %get3A_450 : vector<1x16xf32> to vector<16xf32>
          %add3A_452 = arith.addf %get3A_447, %get3A_451 : vector<16xf32>
          %swap3A_453 = arith.index_cast %scan3A_431 : i32 to index
          %swap3A_454 = arith.constant 16 : index
          %swap3A_455 = tpu.vector_load %arg10[%swap3A_453, %swap3A_454] {strides = array<i32>} : memref<200x64xf32, #tpu.memory_space<vmem>>, vector<1x16xf32>,
          %swap3A_456 = vector.shape_cast %swap3A_455 : vector<1x16xf32> to vector<16xf32>
          %swap3A_457 = vector.shape_cast %add3A_452 : vector<16xf32> to vector<1x16xf32>
          tpu.vector_store %arg10[%swap3A_453, %swap3A_454], %swap3A_457 {strides = array<i32>} : memref<200x64xf32, #tpu.memory_space<vmem>>, vector<1x16xf32>,
          %get3A_458 = arith.index_cast %scan3A_431 : i32 to index
          %get3A_459 = arith.constant 32 : index
          %get3A_460 = tpu.vector_load %arg10[%get3A_458, %get3A_459] {strides = array<i32>} : memref<200x64xf32, #tpu.memory_space<vmem>>, vector<1x16xf32>,
          %get3A_461 = vector.shape_cast %get3A_460 : vector<1x16xf32> to vector<16xf32>
          %get3A_462 = arith.index_cast %scan3A_431 : i32 to index
          %get3A_463 = arith.constant 32 : index
          %get3A_464 = tpu.vector_load %arg9[%get3A_462, %get3A_463] {strides = array<i32>} : memref<200x64xf32, #tpu.memory_space<vmem>>, vector<1x16xf32>,
          %get3A_465 = vector.shape_cast %get3A_464 : vector<1x16xf32> to vector<16xf32>
          %add3A_466 = arith.addf %get3A_461, %get3A_465 : vector<16xf32>
          %swap3A_467 = arith.index_cast %scan3A_431 : i32 to index
          %swap3A_468 = arith.constant 32 : index
          %swap3A_469 = tpu.vector_load %arg10[%swap3A_467, %swap3A_468] {strides = array<i32>} : memref<200x64xf32, #tpu.memory_space<vmem>>, vector<1x16xf32>,
          %swap3A_470 = vector.shape_cast %swap3A_469 : vector<1x16xf32> to vector<16xf32>
          %swap3A_471 = vector.shape_cast %add3A_466 : vector<16xf32> to vector<1x16xf32>
          tpu.vector_store %arg10[%swap3A_467, %swap3A_468], %swap3A_471 {strides = array<i32>} : memref<200x64xf32, #tpu.memory_space<vmem>>, vector<1x16xf32>,
          %get3A_472 = arith.index_cast %scan3A_431 : i32 to index
          %get3A_473 = arith.constant 48 : index
          %get3A_474 = tpu.vector_load %arg10[%get3A_472, %get3A_473] {strides = array<i32>} : memref<200x64xf32, #tpu.memory_space<vmem>>, vector<1x16xf32>,
          %get3A_475 = vector.shape_cast %get3A_474 : vector<1x16xf32> to vector<16xf32>
          %get3A_476 = arith.index_cast %scan3A_431 : i32 to index
          %get3A_477 = arith.constant 48 : index
          %get3A_478 = tpu.vector_load %arg9[%get3A_476, %get3A_477] {strides = array<i32>} : memref<200x64xf32, #tpu.memory_space<vmem>>, vector<1x16xf32>,
          %get3A_479 = vector.shape_cast %get3A_478 : vector<1x16xf32> to vector<16xf32>
          %add3A_480 = arith.addf %get3A_475, %get3A_479 : vector<16xf32>
          %swap3A_481 = arith.index_cast %scan3A_431 : i32 to index
          %swap3A_482 = arith.constant 48 : index
          %swap3A_483 = tpu.vector_load %arg10[%swap3A_481, %swap3A_482] {strides = array<i32>} : memref<200x64xf32, #tpu.memory_space<vmem>>, vector<1x16xf32>,
          %swap3A_484 = vector.shape_cast %swap3A_483 : vector<1x16xf32> to vector<16xf32>
          %swap3A_485 = vector.shape_cast %add3A_480 : vector<16xf32> to vector<1x16xf32>
          tpu.vector_store %arg10[%swap3A_481, %swap3A_482], %swap3A_485 {strides = array<i32>} : memref<200x64xf32, #tpu.memory_space<vmem>>, vector<1x16xf32>,
        }
        %scan3A_251 = arith.constant 200 : i32
        %add3A_252 = arith.addi %add3A, %add3A_185 : i32
        %dma_start3A_253 = arith.constant 0 : i32
        %dma_start3A_254 = arith.constant 0 : i32
        %dma_start3A_255 = tpu.memref_slice %arg6[%add3A_252, %dma_start3A_253, %dma_start3A_254] : memref<1024x200x64xf32, #tpu.memory_space<hbm>> -> memref<1x200x64xf32, #tpu.memory_space<hbm>>
        %dma_start3A_256 = tpu.memref_squeeze %dma_start3A_255 : memref<1x200x64xf32, #tpu.memory_space<hbm>> -> memref<200x64xf32, #tpu.memory_space<hbm>>
        %dma_start3A_257 = arith.constant 0 : i32
        %dma_start3A_258 = arith.constant 0 : i32
        %dma_start3A_259 = tpu.memref_slice %arg6[%add3A_252, %dma_start3A_257, %dma_start3A_258] : memref<1024x200x64xf32, #tpu.memory_space<hbm>> -> memref<1x200x64xf32, #tpu.memory_space<hbm>>
        %dma_start3A_260 = tpu.memref_squeeze %dma_start3A_259 : memref<1x200x64xf32, #tpu.memory_space<hbm>> -> memref<200x64xf32, #tpu.memory_space<hbm>>
        tpu.enqueue_dma source(%arg10 : memref<200x64xf32, #tpu.memory_space<vmem>>) target(%dma_start3A_260 : memref<200x64xf32, #tpu.memory_space<hbm>>) target_semaphore(%arg18 : memref<!tpu.dma_semaphore, #tpu.memory_space<semaphore_mem>>)
        %mul3A_261 = arith.constant 4 : i32
        %mul3A_262 = arith.muli %mul3A_261, %scan3A_181 : i32
        %add3A_263 = arith.constant 1 : i32
        %add3A_264 = arith.addi %mul3A_262, %add3A_263 : i32
        %add3A_265 = arith.constant 4 : i32
        %add3A_266 = arith.addi %add3A_264, %add3A_265 : i32
        %sub3A_267 = arith.constant 1 : i32
        %sub3A_268 = arith.subi %add3A_266, %sub3A_267 : i32
        %lt3A = arith.constant 3 : i32
        %lt3A_269 = arith.cmpi slt, %scan3A_181, %lt3A : i32
        %convert_element_type3A_270 = arith.extui %lt3A_269 : i1 to i32
        %cond3A_271 = arith.constant 0 : i32
        %cond3A_272 = arith.cmpi ne, %convert_element_type3A_270, %cond3A_271 : i32
        scf.if %cond3A_272 {
          %sub3A_431 = arith.constant 4 : i32
          %sub3A_432 = arith.subi %sub3A_268, %sub3A_431 : i32
          %add3A_433 = arith.addi %add3A, %sub3A_432 : i32
          %dma_wait3A_434 = arith.constant 0 : i32
          %dma_wait3A_435 = arith.constant 0 : i32
          %dma_wait3A_436 = tpu.memref_slice %arg6[%add3A_433, %dma_wait3A_434, %dma_wait3A_435] : memref<1024x200x64xf32, #tpu.memory_space<hbm>> -> memref<1x200x64xf32, #tpu.memory_space<hbm>>
          %dma_wait3A_437 = tpu.memref_squeeze %dma_wait3A_436 : memref<1x200x64xf32, #tpu.memory_space<hbm>> -> memref<200x64xf32, #tpu.memory_space<hbm>>
          %dma_wait3A_438 = arith.constant 0 : i32
          %dma_wait3A_439 = arith.constant 0 : i32
          %dma_wait3A_440 = tpu.memref_slice %arg6[%add3A_433, %dma_wait3A_438, %dma_wait3A_439] : memref<1024x200x64xf32, #tpu.memory_space<hbm>> -> memref<1x200x64xf32, #tpu.memory_space<hbm>>
          %dma_wait3A_441 = tpu.memref_squeeze %dma_wait3A_440 : memref<1x200x64xf32, #tpu.memory_space<hbm>> -> memref<200x64xf32, #tpu.memory_space<hbm>>
          tpu.wait_dma2 semaphore(%arg18 : memref<!tpu.dma_semaphore, #tpu.memory_space<semaphore_mem>>) src(%arg10 : memref<200x64xf32, #tpu.memory_space<vmem>>) dst(%dma_wait3A_441 : memref<200x64xf32, #tpu.memory_space<hbm>>)
          %mul3A_442 = arith.constant 2 : i32
          %mul3A_443 = arith.muli %mul3A_442, %sub3A_268 : i32
          %mul3A_444 = arith.constant 2 : i32
          %mul3A_445 = arith.muli %mul3A_444, %sub3A_268 : i32
          %add3A_446 = arith.constant 1 : i32
          %add3A_447 = arith.addi %mul3A_445, %add3A_446 : i32
          %dma_start3A_448 = arith.constant 0 : i32
          %dma_start3A_449 = arith.constant 0 : i32
          %dma_start3A_450 = tpu.memref_slice %arg10[%dma_start3A_448, %dma_start3A_449] : memref<200x64xf32, #tpu.memory_space<vmem>> -> memref<100x64xf32, #tpu.memory_space<vmem>>
          %dma_start3A_451 = arith.constant 0 : i32
          %dma_start3A_452 = tpu.memref_slice %arg7[%mul3A_443, %dma_start3A_451] : memref<96x100xi32, #tpu.memory_space<vmem>> -> memref<1x100xi32, #tpu.memory_space<vmem>>
          %dma_start3A_453 = tpu.memref_squeeze %dma_start3A_452 : memref<1x100xi32, #tpu.memory_space<vmem>> -> memref<100xi32, #tpu.memory_space<vmem>>
          %dma_start3A_454 = arith.constant 0 : i32
          %dma_start3A_455 = arith.constant 0 : i32
          %dma_start3A_456 = tpu.memref_slice %arg4[%dma_start3A_454, %dma_start3A_455] : memref<100000x64xf32, #tpu.memory_space<hbm>> -> memref<100000x64xf32, #tpu.memory_space<hbm>>
          tpu.enqueue_indirect_dma source(%dma_start3A_456 : memref<100000x64xf32, #tpu.memory_space<hbm>>) target(%dma_start3A_450 : memref<100x64xf32, #tpu.memory_space<vmem>>) offsets(%dma_start3A_453 : memref<100xi32, #tpu.memory_space<vmem>>) semaphore(%arg14 : memref<!tpu.dma_semaphore, #tpu.memory_space<semaphore_mem>>)
          %dma_start3A_457 = arith.constant 100 : i32
          %dma_start3A_458 = arith.constant 0 : i32
          %dma_start3A_459 = tpu.memref_slice %arg10[%dma_start3A_457, %dma_start3A_458] : memref<200x64xf32, #tpu.memory_space<vmem>> -> memref<100x64xf32, #tpu.memory_space<vmem>>
          %dma_start3A_460 = arith.constant 0 : i32
          %dma_start3A_461 = tpu.memref_slice %arg7[%add3A_447, %dma_start3A_460] : memref<96x100xi32, #tpu.memory_space<vmem>> -> memref<1x100xi32, #tpu.memory_space<vmem>>
          %dma_start3A_462 = tpu.memref_squeeze %dma_start3A_461 : memref<1x100xi32, #tpu.memory_space<vmem>> -> memref<100xi32, #tpu.memory_space<vmem>>
          %dma_start3A_463 = arith.constant 0 : i32
          %dma_start3A_464 = arith.constant 0 : i32
          %dma_start3A_465 = tpu.memref_slice %arg4[%dma_start3A_463, %dma_start3A_464] : memref<100000x64xf32, #tpu.memory_space<hbm>> -> memref<100000x64xf32, #tpu.memory_space<hbm>>
          tpu.enqueue_indirect_dma source(%dma_start3A_465 : memref<100000x64xf32, #tpu.memory_space<hbm>>) target(%dma_start3A_459 : memref<100x64xf32, #tpu.memory_space<vmem>>) offsets(%dma_start3A_462 : memref<100xi32, #tpu.memory_space<vmem>>) semaphore(%arg14 : memref<!tpu.dma_semaphore, #tpu.memory_space<semaphore_mem>>)
        } else {
        }
        %mul3A_273 = arith.constant 2 : i32
        %mul3A_274 = arith.muli %mul3A_273, %add3A_264 : i32
        %mul3A_275 = arith.constant 2 : i32
        %mul3A_276 = arith.muli %mul3A_275, %add3A_264 : i32
        %add3A_277 = arith.constant 1 : i32
        %add3A_278 = arith.addi %mul3A_276, %add3A_277 : i32
        %dma_wait3A_279 = arith.constant 0 : i32
        %dma_wait3A_280 = arith.constant 0 : i32
        %dma_wait3A_281 = tpu.memref_slice %arg11[%dma_wait3A_279, %dma_wait3A_280] : memref<200x64xf32, #tpu.memory_space<vmem>> -> memref<100x64xf32, #tpu.memory_space<vmem>>
        %dma_wait3A_282 = arith.constant 0 : i32
        %dma_wait3A_283 = tpu.memref_slice %arg7[%mul3A_274, %dma_wait3A_282] : memref<96x100xi32, #tpu.memory_space<vmem>> -> memref<1x100xi32, #tpu.memory_space<vmem>>
        %dma_wait3A_284 = tpu.memref_squeeze %dma_wait3A_283 : memref<1x100xi32, #tpu.memory_space<vmem>> -> memref<100xi32, #tpu.memory_space<vmem>>
        %dma_wait3A_285 = arith.constant 0 : i32
        %dma_wait3A_286 = arith.constant 0 : i32
        %dma_wait3A_287 = tpu.memref_slice %arg4[%dma_wait3A_285, %dma_wait3A_286] : memref<100000x64xf32, #tpu.memory_space<hbm>> -> memref<100000x64xf32, #tpu.memory_space<hbm>>
        tpu.wait_indirect_dma semaphore(%arg15 : memref<!tpu.dma_semaphore, #tpu.memory_space<semaphore_mem>>) src(%dma_wait3A_287 : memref<100000x64xf32, #tpu.memory_space<hbm>>) dst(%dma_wait3A_281 : memref<100x64xf32, #tpu.memory_space<vmem>>)
        %dma_wait3A_288 = arith.constant 100 : i32
        %dma_wait3A_289 = arith.constant 0 : i32
        %dma_wait3A_290 = tpu.memref_slice %arg11[%dma_wait3A_288, %dma_wait3A_289] : memref<200x64xf32, #tpu.memory_space<vmem>> -> memref<100x64xf32, #tpu.memory_space<vmem>>
        %dma_wait3A_291 = arith.constant 0 : i32
        %dma_wait3A_292 = tpu.memref_slice %arg7[%add3A_278, %dma_wait3A_291] : memref<96x100xi32, #tpu.memory_space<vmem>> -> memref<1x100xi32, #tpu.memory_space<vmem>>
        %dma_wait3A_293 = tpu.memref_squeeze %dma_wait3A_292 : memref<1x100xi32, #tpu.memory_space<vmem>> -> memref<100xi32, #tpu.memory_space<vmem>>
        %dma_wait3A_294 = arith.constant 0 : i32
        %dma_wait3A_295 = arith.constant 0 : i32
        %dma_wait3A_296 = tpu.memref_slice %arg4[%dma_wait3A_294, %dma_wait3A_295] : memref<100000x64xf32, #tpu.memory_space<hbm>> -> memref<100000x64xf32, #tpu.memory_space<hbm>>
        tpu.wait_indirect_dma semaphore(%arg15 : memref<!tpu.dma_semaphore, #tpu.memory_space<semaphore_mem>>) src(%dma_wait3A_296 : memref<100000x64xf32, #tpu.memory_space<hbm>>) dst(%dma_wait3A_290 : memref<100x64xf32, #tpu.memory_space<vmem>>)
        %mul3A_297 = arith.constant 200 : i32
        %mul3A_298 = arith.muli %add3A_264, %mul3A_297 : i32
        %convert_element_type3A_299 = arith.extui %eq3A_58 : i1 to i32
        %cond3A_300 = arith.constant 0 : i32
        %cond3A_301 = arith.cmpi ne, %convert_element_type3A_299, %cond3A_300 : i32
        scf.if %cond3A_301 {
          %scan3A_431 = arith.constant 0 : i32
          %scan3A_432 = arith.constant 0 : i32
          %scan3A_433 = arith.constant 200 : i32
          %scan3A_434 = arith.addi %scan3A_432, %scan3A_433 : i32
          %scan3A_435 = arith.constant 1 : i32
          scf.for %scan3A_437 = %scan3A_432 to %scan3A_434 step %scan3A_435  : i32 {
            %add3A_438 = arith.addi %mul3A_298, %scan3A_437 : i32
            %get3A = arith.index_cast %add3A_438 : i32 to index
            %get3A_439 = tpu.vector_load %arg8[%get3A] {strides = array<i32>} : memref<9616xi32, #tpu.memory_space<vmem>>, vector<16xi32>,
            %get3A_440 = vector.shape_cast %get3A_439 : vector<16xi32> to vector<16xi32>
            %slice3A_441 = vector.extract_strided_slice %get3A_440 {offsets = [0], sizes = [1], strides = [1]} : vector<16xi32> to vector<1xi32>
            %squeeze3A_442 = vector.extract %slice3A_441[0] : i32 from vector<1xi32>
            %eq3A_443 = arith.constant 0 : i32
            %eq3A_444 = arith.cmpi eq, %squeeze3A_442, %eq3A_443 : i32
            %convert_element_type3A_445 = arith.extui %eq3A_444 : i1 to i32
            %cond3A_446 = arith.constant 0 : i32
            %cond3A_447 = arith.cmpi ne, %convert_element_type3A_445, %cond3A_446 : i32
            scf.if %cond3A_447 {
              %broadcast_in_dim3A_448 = arith.constant 0.000000e+00 : f32
              %broadcast_in_dim3A_449 = vector.broadcast %broadcast_in_dim3A_448 : f32 to vector<16xf32>
              %swap3A = arith.index_cast %scan3A_437 : i32 to index
              %swap3A_450 = arith.constant 0 : index
              %swap3A_451 = tpu.vector_load %arg11[%swap3A, %swap3A_450] {strides = array<i32>} : memref<200x64xf32, #tpu.memory_space<vmem>>, vector<1x16xf32>,
              %swap3A_452 = vector.shape_cast %swap3A_451 : vector<1x16xf32> to vector<16xf32>
              %swap3A_453 = vector.shape_cast %broadcast_in_dim3A_449 : vector<16xf32> to vector<1x16xf32>
              tpu.vector_store %arg11[%swap3A, %swap3A_450], %swap3A_453 {strides = array<i32>} : memref<200x64xf32, #tpu.memory_space<vmem>>, vector<1x16xf32>,
              %swap3A_454 = arith.index_cast %scan3A_437 : i32 to index
              %swap3A_455 = arith.constant 16 : index
              %swap3A_456 = tpu.vector_load %arg11[%swap3A_454, %swap3A_455] {strides = array<i32>} : memref<200x64xf32, #tpu.memory_space<vmem>>, vector<1x16xf32>,
              %swap3A_457 = vector.shape_cast %swap3A_456 : vector<1x16xf32> to vector<16xf32>
              %swap3A_458 = vector.shape_cast %broadcast_in_dim3A_449 : vector<16xf32> to vector<1x16xf32>
              tpu.vector_store %arg11[%swap3A_454, %swap3A_455], %swap3A_458 {strides = array<i32>} : memref<200x64xf32, #tpu.memory_space<vmem>>, vector<1x16xf32>,
              %swap3A_459 = arith.index_cast %scan3A_437 : i32 to index
              %swap3A_460 = arith.constant 32 : index
              %swap3A_461 = tpu.vector_load %arg11[%swap3A_459, %swap3A_460] {strides = array<i32>} : memref<200x64xf32, #tpu.memory_space<vmem>>, vector<1x16xf32>,
              %swap3A_462 = vector.shape_cast %swap3A_461 : vector<1x16xf32> to vector<16xf32>
              %swap3A_463 = vector.shape_cast %broadcast_in_dim3A_449 : vector<16xf32> to vector<1x16xf32>
              tpu.vector_store %arg11[%swap3A_459, %swap3A_460], %swap3A_463 {strides = array<i32>} : memref<200x64xf32, #tpu.memory_space<vmem>>, vector<1x16xf32>,
              %swap3A_464 = arith.index_cast %scan3A_437 : i32 to index
              %swap3A_465 = arith.constant 48 : index
              %swap3A_466 = tpu.vector_load %arg11[%swap3A_464, %swap3A_465] {strides = array<i32>} : memref<200x64xf32, #tpu.memory_space<vmem>>, vector<1x16xf32>,
              %swap3A_467 = vector.shape_cast %swap3A_466 : vector<1x16xf32> to vector<16xf32>
              %swap3A_468 = vector.shape_cast %broadcast_in_dim3A_449 : vector<16xf32> to vector<1x16xf32>
              tpu.vector_store %arg11[%swap3A_464, %swap3A_465], %swap3A_468 {strides = array<i32>} : memref<200x64xf32, #tpu.memory_space<vmem>>, vector<1x16xf32>,
            } else {
            }
          }
          %scan3A_436 = arith.constant 200 : i32
        } else {
        }
        %scan3A_302 = arith.constant 0 : i32
        %scan3A_303 = arith.constant 0 : i32
        %scan3A_304 = arith.constant 200 : i32
        %scan3A_305 = arith.addi %scan3A_303, %scan3A_304 : i32
        %scan3A_306 = arith.constant 1 : i32
        scf.for %scan3A_431 = %scan3A_303 to %scan3A_305 step %scan3A_306  : i32 {
          %get3A = arith.index_cast %scan3A_431 : i32 to index
          %get3A_432 = arith.constant 0 : index
          %get3A_433 = tpu.vector_load %arg11[%get3A, %get3A_432] {strides = array<i32>} : memref<200x64xf32, #tpu.memory_space<vmem>>, vector<1x16xf32>,
          %get3A_434 = vector.shape_cast %get3A_433 : vector<1x16xf32> to vector<16xf32>
          %get3A_435 = arith.index_cast %scan3A_431 : i32 to index
          %get3A_436 = arith.constant 0 : index
          %get3A_437 = tpu.vector_load %arg9[%get3A_435, %get3A_436] {strides = array<i32>} : memref<200x64xf32, #tpu.memory_space<vmem>>, vector<1x16xf32>,
          %get3A_438 = vector.shape_cast %get3A_437 : vector<1x16xf32> to vector<16xf32>
          %add3A_439 = arith.addf %get3A_434, %get3A_438 : vector<16xf32>
          %swap3A = arith.index_cast %scan3A_431 : i32 to index
          %swap3A_440 = arith.constant 0 : index
          %swap3A_441 = tpu.vector_load %arg11[%swap3A, %swap3A_440] {strides = array<i32>} : memref<200x64xf32, #tpu.memory_space<vmem>>, vector<1x16xf32>,
          %swap3A_442 = vector.shape_cast %swap3A_441 : vector<1x16xf32> to vector<16xf32>
          %swap3A_443 = vector.shape_cast %add3A_439 : vector<16xf32> to vector<1x16xf32>
          tpu.vector_store %arg11[%swap3A, %swap3A_440], %swap3A_443 {strides = array<i32>} : memref<200x64xf32, #tpu.memory_space<vmem>>, vector<1x16xf32>,
          %get3A_444 = arith.index_cast %scan3A_431 : i32 to index
          %get3A_445 = arith.constant 16 : index
          %get3A_446 = tpu.vector_load %arg11[%get3A_444, %get3A_445] {strides = array<i32>} : memref<200x64xf32, #tpu.memory_space<vmem>>, vector<1x16xf32>,
          %get3A_447 = vector.shape_cast %get3A_446 : vector<1x16xf32> to vector<16xf32>
          %get3A_448 = arith.index_cast %scan3A_431 : i32 to index
          %get3A_449 = arith.constant 16 : index
          %get3A_450 = tpu.vector_load %arg9[%get3A_448, %get3A_449] {strides = array<i32>} : memref<200x64xf32, #tpu.memory_space<vmem>>, vector<1x16xf32>,
          %get3A_451 = vector.shape_cast %get3A_450 : vector<1x16xf32> to vector<16xf32>
          %add3A_452 = arith.addf %get3A_447, %get3A_451 : vector<16xf32>
          %swap3A_453 = arith.index_cast %scan3A_431 : i32 to index
          %swap3A_454 = arith.constant 16 : index
          %swap3A_455 = tpu.vector_load %arg11[%swap3A_453, %swap3A_454] {strides = array<i32>} : memref<200x64xf32, #tpu.memory_space<vmem>>, vector<1x16xf32>,
          %swap3A_456 = vector.shape_cast %swap3A_455 : vector<1x16xf32> to vector<16xf32>
          %swap3A_457 = vector.shape_cast %add3A_452 : vector<16xf32> to vector<1x16xf32>
          tpu.vector_store %arg11[%swap3A_453, %swap3A_454], %swap3A_457 {strides = array<i32>} : memref<200x64xf32, #tpu.memory_space<vmem>>, vector<1x16xf32>,
          %get3A_458 = arith.index_cast %scan3A_431 : i32 to index
          %get3A_459 = arith.constant 32 : index
          %get3A_460 = tpu.vector_load %arg11[%get3A_458, %get3A_459] {strides = array<i32>} : memref<200x64xf32, #tpu.memory_space<vmem>>, vector<1x16xf32>,
          %get3A_461 = vector.shape_cast %get3A_460 : vector<1x16xf32> to vector<16xf32>
          %get3A_462 = arith.index_cast %scan3A_431 : i32 to index
          %get3A_463 = arith.constant 32 : index
          %get3A_464 = tpu.vector_load %arg9[%get3A_462, %get3A_463] {strides = array<i32>} : memref<200x64xf32, #tpu.memory_space<vmem>>, vector<1x16xf32>,
          %get3A_465 = vector.shape_cast %get3A_464 : vector<1x16xf32> to vector<16xf32>
          %add3A_466 = arith.addf %get3A_461, %get3A_465 : vector<16xf32>
          %swap3A_467 = arith.index_cast %scan3A_431 : i32 to index
          %swap3A_468 = arith.constant 32 : index
          %swap3A_469 = tpu.vector_load %arg11[%swap3A_467, %swap3A_468] {strides = array<i32>} : memref<200x64xf32, #tpu.memory_space<vmem>>, vector<1x16xf32>,
          %swap3A_470 = vector.shape_cast %swap3A_469 : vector<1x16xf32> to vector<16xf32>
          %swap3A_471 = vector.shape_cast %add3A_466 : vector<16xf32> to vector<1x16xf32>
          tpu.vector_store %arg11[%swap3A_467, %swap3A_468], %swap3A_471 {strides = array<i32>} : memref<200x64xf32, #tpu.memory_space<vmem>>, vector<1x16xf32>,
          %get3A_472 = arith.index_cast %scan3A_431 : i32 to index
          %get3A_473 = arith.constant 48 : index
          %get3A_474 = tpu.vector_load %arg11[%get3A_472, %get3A_473] {strides = array<i32>} : memref<200x64xf32, #tpu.memory_space<vmem>>, vector<1x16xf32>,
          %get3A_475 = vector.shape_cast %get3A_474 : vector<1x16xf32> to vector<16xf32>
          %get3A_476 = arith.index_cast %scan3A_431 : i32 to index
          %get3A_477 = arith.constant 48 : index
          %get3A_478 = tpu.vector_load %arg9[%get3A_476, %get3A_477] {strides = array<i32>} : memref<200x64xf32, #tpu.memory_space<vmem>>, vector<1x16xf32>,
          %get3A_479 = vector.shape_cast %get3A_478 : vector<1x16xf32> to vector<16xf32>
          %add3A_480 = arith.addf %get3A_475, %get3A_479 : vector<16xf32>
          %swap3A_481 = arith.index_cast %scan3A_431 : i32 to index
          %swap3A_482 = arith.constant 48 : index
          %swap3A_483 = tpu.vector_load %arg11[%swap3A_481, %swap3A_482] {strides = array<i32>} : memref<200x64xf32, #tpu.memory_space<vmem>>, vector<1x16xf32>,
          %swap3A_484 = vector.shape_cast %swap3A_483 : vector<1x16xf32> to vector<16xf32>
          %swap3A_485 = vector.shape_cast %add3A_480 : vector<16xf32> to vector<1x16xf32>
          tpu.vector_store %arg11[%swap3A_481, %swap3A_482], %swap3A_485 {strides = array<i32>} : memref<200x64xf32, #tpu.memory_space<vmem>>, vector<1x16xf32>,
        }
        %scan3A_307 = arith.constant 200 : i32
        %add3A_308 = arith.addi %add3A, %add3A_264 : i32
        %dma_start3A_309 = arith.constant 0 : i32
        %dma_start3A_310 = arith.constant 0 : i32
        %dma_start3A_311 = tpu.memref_slice %arg6[%add3A_308, %dma_start3A_309, %dma_start3A_310] : memref<1024x200x64xf32, #tpu.memory_space<hbm>> -> memref<1x200x64xf32, #tpu.memory_space<hbm>>
        %dma_start3A_312 = tpu.memref_squeeze %dma_start3A_311 : memref<1x200x64xf32, #tpu.memory_space<hbm>> -> memref<200x64xf32, #tpu.memory_space<hbm>>
        %dma_start3A_313 = arith.constant 0 : i32
        %dma_start3A_314 = arith.constant 0 : i32
        %dma_start3A_315 = tpu.memref_slice %arg6[%add3A_308, %dma_start3A_313, %dma_start3A_314] : memref<1024x200x64xf32, #tpu.memory_space<hbm>> -> memref<1x200x64xf32, #tpu.memory_space<hbm>>
        %dma_start3A_316 = tpu.memref_squeeze %dma_start3A_315 : memref<1x200x64xf32, #tpu.memory_space<hbm>> -> memref<200x64xf32, #tpu.memory_space<hbm>>
        tpu.enqueue_dma source(%arg11 : memref<200x64xf32, #tpu.memory_space<vmem>>) target(%dma_start3A_316 : memref<200x64xf32, #tpu.memory_space<hbm>>) target_semaphore(%arg19 : memref<!tpu.dma_semaphore, #tpu.memory_space<semaphore_mem>>)
        %mul3A_317 = arith.constant 4 : i32
        %mul3A_318 = arith.muli %mul3A_317, %scan3A_181 : i32
        %add3A_319 = arith.constant 2 : i32
        %add3A_320 = arith.addi %mul3A_318, %add3A_319 : i32
        %add3A_321 = arith.constant 4 : i32
        %add3A_322 = arith.addi %add3A_320, %add3A_321 : i32
        %sub3A_323 = arith.constant 1 : i32
        %sub3A_324 = arith.subi %add3A_322, %sub3A_323 : i32
        %lt3A_325 = arith.constant 3 : i32
        %lt3A_326 = arith.cmpi slt, %scan3A_181, %lt3A_325 : i32
        %convert_element_type3A_327 = arith.extui %lt3A_326 : i1 to i32
        %cond3A_328 = arith.constant 0 : i32
        %cond3A_329 = arith.cmpi ne, %convert_element_type3A_327, %cond3A_328 : i32
        scf.if %cond3A_329 {
          %sub3A_431 = arith.constant 4 : i32
          %sub3A_432 = arith.subi %sub3A_324, %sub3A_431 : i32
          %add3A_433 = arith.addi %add3A, %sub3A_432 : i32
          %dma_wait3A_434 = arith.constant 0 : i32
          %dma_wait3A_435 = arith.constant 0 : i32
          %dma_wait3A_436 = tpu.memref_slice %arg6[%add3A_433, %dma_wait3A_434, %dma_wait3A_435] : memref<1024x200x64xf32, #tpu.memory_space<hbm>> -> memref<1x200x64xf32, #tpu.memory_space<hbm>>
          %dma_wait3A_437 = tpu.memref_squeeze %dma_wait3A_436 : memref<1x200x64xf32, #tpu.memory_space<hbm>> -> memref<200x64xf32, #tpu.memory_space<hbm>>
          %dma_wait3A_438 = arith.constant 0 : i32
          %dma_wait3A_439 = arith.constant 0 : i32
          %dma_wait3A_440 = tpu.memref_slice %arg6[%add3A_433, %dma_wait3A_438, %dma_wait3A_439] : memref<1024x200x64xf32, #tpu.memory_space<hbm>> -> memref<1x200x64xf32, #tpu.memory_space<hbm>>
          %dma_wait3A_441 = tpu.memref_squeeze %dma_wait3A_440 : memref<1x200x64xf32, #tpu.memory_space<hbm>> -> memref<200x64xf32, #tpu.memory_space<hbm>>
          tpu.wait_dma2 semaphore(%arg19 : memref<!tpu.dma_semaphore, #tpu.memory_space<semaphore_mem>>) src(%arg11 : memref<200x64xf32, #tpu.memory_space<vmem>>) dst(%dma_wait3A_441 : memref<200x64xf32, #tpu.memory_space<hbm>>)
          %mul3A_442 = arith.constant 2 : i32
          %mul3A_443 = arith.muli %mul3A_442, %sub3A_324 : i32
          %mul3A_444 = arith.constant 2 : i32
          %mul3A_445 = arith.muli %mul3A_444, %sub3A_324 : i32
          %add3A_446 = arith.constant 1 : i32
          %add3A_447 = arith.addi %mul3A_445, %add3A_446 : i32
          %dma_start3A_448 = arith.constant 0 : i32
          %dma_start3A_449 = arith.constant 0 : i32
          %dma_start3A_450 = tpu.memref_slice %arg11[%dma_start3A_448, %dma_start3A_449] : memref<200x64xf32, #tpu.memory_space<vmem>> -> memref<100x64xf32, #tpu.memory_space<vmem>>
          %dma_start3A_451 = arith.constant 0 : i32
          %dma_start3A_452 = tpu.memref_slice %arg7[%mul3A_443, %dma_start3A_451] : memref<96x100xi32, #tpu.memory_space<vmem>> -> memref<1x100xi32, #tpu.memory_space<vmem>>
          %dma_start3A_453 = tpu.memref_squeeze %dma_start3A_452 : memref<1x100xi32, #tpu.memory_space<vmem>> -> memref<100xi32, #tpu.memory_space<vmem>>
          %dma_start3A_454 = arith.constant 0 : i32
          %dma_start3A_455 = arith.constant 0 : i32
          %dma_start3A_456 = tpu.memref_slice %arg4[%dma_start3A_454, %dma_start3A_455] : memref<100000x64xf32, #tpu.memory_space<hbm>> -> memref<100000x64xf32, #tpu.memory_space<hbm>>
          tpu.enqueue_indirect_dma source(%dma_start3A_456 : memref<100000x64xf32, #tpu.memory_space<hbm>>) target(%dma_start3A_450 : memref<100x64xf32, #tpu.memory_space<vmem>>) offsets(%dma_start3A_453 : memref<100xi32, #tpu.memory_space<vmem>>) semaphore(%arg15 : memref<!tpu.dma_semaphore, #tpu.memory_space<semaphore_mem>>)
          %dma_start3A_457 = arith.constant 100 : i32
          %dma_start3A_458 = arith.constant 0 : i32
          %dma_start3A_459 = tpu.memref_slice %arg11[%dma_start3A_457, %dma_start3A_458] : memref<200x64xf32, #tpu.memory_space<vmem>> -> memref<100x64xf32, #tpu.memory_space<vmem>>
          %dma_start3A_460 = arith.constant 0 : i32
          %dma_start3A_461 = tpu.memref_slice %arg7[%add3A_447, %dma_start3A_460] : memref<96x100xi32, #tpu.memory_space<vmem>> -> memref<1x100xi32, #tpu.memory_space<vmem>>
          %dma_start3A_462 = tpu.memref_squeeze %dma_start3A_461 : memref<1x100xi32, #tpu.memory_space<vmem>> -> memref<100xi32, #tpu.memory_space<vmem>>
          %dma_start3A_463 = arith.constant 0 : i32
          %dma_start3A_464 = arith.constant 0 : i32
          %dma_start3A_465 = tpu.memref_slice %arg4[%dma_start3A_463, %dma_start3A_464] : memref<100000x64xf32, #tpu.memory_space<hbm>> -> memref<100000x64xf32, #tpu.memory_space<hbm>>
          tpu.enqueue_indirect_dma source(%dma_start3A_465 : memref<100000x64xf32, #tpu.memory_space<hbm>>) target(%dma_start3A_459 : memref<100x64xf32, #tpu.memory_space<vmem>>) offsets(%dma_start3A_462 : memref<100xi32, #tpu.memory_space<vmem>>) semaphore(%arg15 : memref<!tpu.dma_semaphore, #tpu.memory_space<semaphore_mem>>)
        } else {
        }
        %mul3A_330 = arith.constant 2 : i32
        %mul3A_331 = arith.muli %mul3A_330, %add3A_320 : i32
        %mul3A_332 = arith.constant 2 : i32
        %mul3A_333 = arith.muli %mul3A_332, %add3A_320 : i32
        %add3A_334 = arith.constant 1 : i32
        %add3A_335 = arith.addi %mul3A_333, %add3A_334 : i32
        %dma_wait3A_336 = arith.constant 0 : i32
        %dma_wait3A_337 = arith.constant 0 : i32
        %dma_wait3A_338 = tpu.memref_slice %arg12[%dma_wait3A_336, %dma_wait3A_337] : memref<200x64xf32, #tpu.memory_space<vmem>> -> memref<100x64xf32, #tpu.memory_space<vmem>>
        %dma_wait3A_339 = arith.constant 0 : i32
        %dma_wait3A_340 = tpu.memref_slice %arg7[%mul3A_331, %dma_wait3A_339] : memref<96x100xi32, #tpu.memory_space<vmem>> -> memref<1x100xi32, #tpu.memory_space<vmem>>
        %dma_wait3A_341 = tpu.memref_squeeze %dma_wait3A_340 : memref<1x100xi32, #tpu.memory_space<vmem>> -> memref<100xi32, #tpu.memory_space<vmem>>
        %dma_wait3A_342 = arith.constant 0 : i32
        %dma_wait3A_343 = arith.constant 0 : i32
        %dma_wait3A_344 = tpu.memref_slice %arg4[%dma_wait3A_342, %dma_wait3A_343] : memref<100000x64xf32, #tpu.memory_space<hbm>> -> memref<100000x64xf32, #tpu.memory_space<hbm>>
        tpu.wait_indirect_dma semaphore(%arg16 : memref<!tpu.dma_semaphore, #tpu.memory_space<semaphore_mem>>) src(%dma_wait3A_344 : memref<100000x64xf32, #tpu.memory_space<hbm>>) dst(%dma_wait3A_338 : memref<100x64xf32, #tpu.memory_space<vmem>>)
        %dma_wait3A_345 = arith.constant 100 : i32
        %dma_wait3A_346 = arith.constant 0 : i32
        %dma_wait3A_347 = tpu.memref_slice %arg12[%dma_wait3A_345, %dma_wait3A_346] : memref<200x64xf32, #tpu.memory_space<vmem>> -> memref<100x64xf32, #tpu.memory_space<vmem>>
        %dma_wait3A_348 = arith.constant 0 : i32
        %dma_wait3A_349 = tpu.memref_slice %arg7[%add3A_335, %dma_wait3A_348] : memref<96x100xi32, #tpu.memory_space<vmem>> -> memref<1x100xi32, #tpu.memory_space<vmem>>
        %dma_wait3A_350 = tpu.memref_squeeze %dma_wait3A_349 : memref<1x100xi32, #tpu.memory_space<vmem>> -> memref<100xi32, #tpu.memory_space<vmem>>
        %dma_wait3A_351 = arith.constant 0 : i32
        %dma_wait3A_352 = arith.constant 0 : i32
        %dma_wait3A_353 = tpu.memref_slice %arg4[%dma_wait3A_351, %dma_wait3A_352] : memref<100000x64xf32, #tpu.memory_space<hbm>> -> memref<100000x64xf32, #tpu.memory_space<hbm>>
        tpu.wait_indirect_dma semaphore(%arg16 : memref<!tpu.dma_semaphore, #tpu.memory_space<semaphore_mem>>) src(%dma_wait3A_353 : memref<100000x64xf32, #tpu.memory_space<hbm>>) dst(%dma_wait3A_347 : memref<100x64xf32, #tpu.memory_space<vmem>>)
        %mul3A_354 = arith.constant 200 : i32
        %mul3A_355 = arith.muli %add3A_320, %mul3A_354 : i32
        %convert_element_type3A_356 = arith.extui %eq3A_58 : i1 to i32
        %cond3A_357 = arith.constant 0 : i32
        %cond3A_358 = arith.cmpi ne, %convert_element_type3A_356, %cond3A_357 : i32
        scf.if %cond3A_358 {
          %scan3A_431 = arith.constant 0 : i32
          %scan3A_432 = arith.constant 0 : i32
          %scan3A_433 = arith.constant 200 : i32
          %scan3A_434 = arith.addi %scan3A_432, %scan3A_433 : i32
          %scan3A_435 = arith.constant 1 : i32
          scf.for %scan3A_437 = %scan3A_432 to %scan3A_434 step %scan3A_435  : i32 {
            %add3A_438 = arith.addi %mul3A_355, %scan3A_437 : i32
            %get3A = arith.index_cast %add3A_438 : i32 to index
            %get3A_439 = tpu.vector_load %arg8[%get3A] {strides = array<i32>} : memref<9616xi32, #tpu.memory_space<vmem>>, vector<16xi32>,
            %get3A_440 = vector.shape_cast %get3A_439 : vector<16xi32> to vector<16xi32>
            %slice3A_441 = vector.extract_strided_slice %get3A_440 {offsets = [0], sizes = [1], strides = [1]} : vector<16xi32> to vector<1xi32>
            %squeeze3A_442 = vector.extract %slice3A_441[0] : i32 from vector<1xi32>
            %eq3A_443 = arith.constant 0 : i32
            %eq3A_444 = arith.cmpi eq, %squeeze3A_442, %eq3A_443 : i32
            %convert_element_type3A_445 = arith.extui %eq3A_444 : i1 to i32
            %cond3A_446 = arith.constant 0 : i32
            %cond3A_447 = arith.cmpi ne, %convert_element_type3A_445, %cond3A_446 : i32
            scf.if %cond3A_447 {
              %broadcast_in_dim3A_448 = arith.constant 0.000000e+00 : f32
              %broadcast_in_dim3A_449 = vector.broadcast %broadcast_in_dim3A_448 : f32 to vector<16xf32>
              %swap3A = arith.index_cast %scan3A_437 : i32 to index
              %swap3A_450 = arith.constant 0 : index
              %swap3A_451 = tpu.vector_load %arg12[%swap3A, %swap3A_450] {strides = array<i32>} : memref<200x64xf32, #tpu.memory_space<vmem>>, vector<1x16xf32>,
              %swap3A_452 = vector.shape_cast %swap3A_451 : vector<1x16xf32> to vector<16xf32>
              %swap3A_453 = vector.shape_cast %broadcast_in_dim3A_449 : vector<16xf32> to vector<1x16xf32>
              tpu.vector_store %arg12[%swap3A, %swap3A_450], %swap3A_453 {strides = array<i32>} : memref<200x64xf32, #tpu.memory_space<vmem>>, vector<1x16xf32>,
              %swap3A_454 = arith.index_cast %scan3A_437 : i32 to index
              %swap3A_455 = arith.constant 16 : index
              %swap3A_456 = tpu.vector_load %arg12[%swap3A_454, %swap3A_455] {strides = array<i32>} : memref<200x64xf32, #tpu.memory_space<vmem>>, vector<1x16xf32>,
              %swap3A_457 = vector.shape_cast %swap3A_456 : vector<1x16xf32> to vector<16xf32>
              %swap3A_458 = vector.shape_cast %broadcast_in_dim3A_449 : vector<16xf32> to vector<1x16xf32>
              tpu.vector_store %arg12[%swap3A_454, %swap3A_455], %swap3A_458 {strides = array<i32>} : memref<200x64xf32, #tpu.memory_space<vmem>>, vector<1x16xf32>,
              %swap3A_459 = arith.index_cast %scan3A_437 : i32 to index
              %swap3A_460 = arith.constant 32 : index
              %swap3A_461 = tpu.vector_load %arg12[%swap3A_459, %swap3A_460] {strides = array<i32>} : memref<200x64xf32, #tpu.memory_space<vmem>>, vector<1x16xf32>,
              %swap3A_462 = vector.shape_cast %swap3A_461 : vector<1x16xf32> to vector<16xf32>
              %swap3A_463 = vector.shape_cast %broadcast_in_dim3A_449 : vector<16xf32> to vector<1x16xf32>
              tpu.vector_store %arg12[%swap3A_459, %swap3A_460], %swap3A_463 {strides = array<i32>} : memref<200x64xf32, #tpu.memory_space<vmem>>, vector<1x16xf32>,
              %swap3A_464 = arith.index_cast %scan3A_437 : i32 to index
              %swap3A_465 = arith.constant 48 : index
              %swap3A_466 = tpu.vector_load %arg12[%swap3A_464, %swap3A_465] {strides = array<i32>} : memref<200x64xf32, #tpu.memory_space<vmem>>, vector<1x16xf32>,
              %swap3A_467 = vector.shape_cast %swap3A_466 : vector<1x16xf32> to vector<16xf32>
              %swap3A_468 = vector.shape_cast %broadcast_in_dim3A_449 : vector<16xf32> to vector<1x16xf32>
              tpu.vector_store %arg12[%swap3A_464, %swap3A_465], %swap3A_468 {strides = array<i32>} : memref<200x64xf32, #tpu.memory_space<vmem>>, vector<1x16xf32>,
            } else {
            }
          }
          %scan3A_436 = arith.constant 200 : i32
        } else {
        }
        %scan3A_359 = arith.constant 0 : i32
        %scan3A_360 = arith.constant 0 : i32
        %scan3A_361 = arith.constant 200 : i32
        %scan3A_362 = arith.addi %scan3A_360, %scan3A_361 : i32
        %scan3A_363 = arith.constant 1 : i32
        scf.for %scan3A_431 = %scan3A_360 to %scan3A_362 step %scan3A_363  : i32 {
          %get3A = arith.index_cast %scan3A_431 : i32 to index
          %get3A_432 = arith.constant 0 : index
          %get3A_433 = tpu.vector_load %arg12[%get3A, %get3A_432] {strides = array<i32>} : memref<200x64xf32, #tpu.memory_space<vmem>>, vector<1x16xf32>,
          %get3A_434 = vector.shape_cast %get3A_433 : vector<1x16xf32> to vector<16xf32>
          %get3A_435 = arith.index_cast %scan3A_431 : i32 to index
          %get3A_436 = arith.constant 0 : index
          %get3A_437 = tpu.vector_load %arg9[%get3A_435, %get3A_436] {strides = array<i32>} : memref<200x64xf32, #tpu.memory_space<vmem>>, vector<1x16xf32>,
          %get3A_438 = vector.shape_cast %get3A_437 : vector<1x16xf32> to vector<16xf32>
          %add3A_439 = arith.addf %get3A_434, %get3A_438 : vector<16xf32>
          %swap3A = arith.index_cast %scan3A_431 : i32 to index
          %swap3A_440 = arith.constant 0 : index
          %swap3A_441 = tpu.vector_load %arg12[%swap3A, %swap3A_440] {strides = array<i32>} : memref<200x64xf32, #tpu.memory_space<vmem>>, vector<1x16xf32>,
          %swap3A_442 = vector.shape_cast %swap3A_441 : vector<1x16xf32> to vector<16xf32>
          %swap3A_443 = vector.shape_cast %add3A_439 : vector<16xf32> to vector<1x16xf32>
          tpu.vector_store %arg12[%swap3A, %swap3A_440], %swap3A_443 {strides = array<i32>} : memref<200x64xf32, #tpu.memory_space<vmem>>, vector<1x16xf32>,
          %get3A_444 = arith.index_cast %scan3A_431 : i32 to index
          %get3A_445 = arith.constant 16 : index
          %get3A_446 = tpu.vector_load %arg12[%get3A_444, %get3A_445] {strides = array<i32>} : memref<200x64xf32, #tpu.memory_space<vmem>>, vector<1x16xf32>,
          %get3A_447 = vector.shape_cast %get3A_446 : vector<1x16xf32> to vector<16xf32>
          %get3A_448 = arith.index_cast %scan3A_431 : i32 to index
          %get3A_449 = arith.constant 16 : index
          %get3A_450 = tpu.vector_load %arg9[%get3A_448, %get3A_449] {strides = array<i32>} : memref<200x64xf32, #tpu.memory_space<vmem>>, vector<1x16xf32>,
          %get3A_451 = vector.shape_cast %get3A_450 : vector<1x16xf32> to vector<16xf32>
          %add3A_452 = arith.addf %get3A_447, %get3A_451 : vector<16xf32>
          %swap3A_453 = arith.index_cast %scan3A_431 : i32 to index
          %swap3A_454 = arith.constant 16 : index
          %swap3A_455 = tpu.vector_load %arg12[%swap3A_453, %swap3A_454] {strides = array<i32>} : memref<200x64xf32, #tpu.memory_space<vmem>>, vector<1x16xf32>,
          %swap3A_456 = vector.shape_cast %swap3A_455 : vector<1x16xf32> to vector<16xf32>
          %swap3A_457 = vector.shape_cast %add3A_452 : vector<16xf32> to vector<1x16xf32>
          tpu.vector_store %arg12[%swap3A_453, %swap3A_454], %swap3A_457 {strides = array<i32>} : memref<200x64xf32, #tpu.memory_space<vmem>>, vector<1x16xf32>,
          %get3A_458 = arith.index_cast %scan3A_431 : i32 to index
          %get3A_459 = arith.constant 32 : index
          %get3A_460 = tpu.vector_load %arg12[%get3A_458, %get3A_459] {strides = array<i32>} : memref<200x64xf32, #tpu.memory_space<vmem>>, vector<1x16xf32>,
          %get3A_461 = vector.shape_cast %get3A_460 : vector<1x16xf32> to vector<16xf32>
          %get3A_462 = arith.index_cast %scan3A_431 : i32 to index
          %get3A_463 = arith.constant 32 : index
          %get3A_464 = tpu.vector_load %arg9[%get3A_462, %get3A_463] {strides = array<i32>} : memref<200x64xf32, #tpu.memory_space<vmem>>, vector<1x16xf32>,
          %get3A_465 = vector.shape_cast %get3A_464 : vector<1x16xf32> to vector<16xf32>
          %add3A_466 = arith.addf %get3A_461, %get3A_465 : vector<16xf32>
          %swap3A_467 = arith.index_cast %scan3A_431 : i32 to index
          %swap3A_468 = arith.constant 32 : index
          %swap3A_469 = tpu.vector_load %arg12[%swap3A_467, %swap3A_468] {strides = array<i32>} : memref<200x64xf32, #tpu.memory_space<vmem>>, vector<1x16xf32>,
          %swap3A_470 = vector.shape_cast %swap3A_469 : vector<1x16xf32> to vector<16xf32>
          %swap3A_471 = vector.shape_cast %add3A_466 : vector<16xf32> to vector<1x16xf32>
          tpu.vector_store %arg12[%swap3A_467, %swap3A_468], %swap3A_471 {strides = array<i32>} : memref<200x64xf32, #tpu.memory_space<vmem>>, vector<1x16xf32>,
          %get3A_472 = arith.index_cast %scan3A_431 : i32 to index
          %get3A_473 = arith.constant 48 : index
          %get3A_474 = tpu.vector_load %arg12[%get3A_472, %get3A_473] {strides = array<i32>} : memref<200x64xf32, #tpu.memory_space<vmem>>, vector<1x16xf32>,
          %get3A_475 = vector.shape_cast %get3A_474 : vector<1x16xf32> to vector<16xf32>
          %get3A_476 = arith.index_cast %scan3A_431 : i32 to index
          %get3A_477 = arith.constant 48 : index
          %get3A_478 = tpu.vector_load %arg9[%get3A_476, %get3A_477] {strides = array<i32>} : memref<200x64xf32, #tpu.memory_space<vmem>>, vector<1x16xf32>,
          %get3A_479 = vector.shape_cast %get3A_478 : vector<1x16xf32> to vector<16xf32>
          %add3A_480 = arith.addf %get3A_475, %get3A_479 : vector<16xf32>
          %swap3A_481 = arith.index_cast %scan3A_431 : i32 to index
          %swap3A_482 = arith.constant 48 : index
          %swap3A_483 = tpu.vector_load %arg12[%swap3A_481, %swap3A_482] {strides = array<i32>} : memref<200x64xf32, #tpu.memory_space<vmem>>, vector<1x16xf32>,
          %swap3A_484 = vector.shape_cast %swap3A_483 : vector<1x16xf32> to vector<16xf32>
          %swap3A_485 = vector.shape_cast %add3A_480 : vector<16xf32> to vector<1x16xf32>
          tpu.vector_store %arg12[%swap3A_481, %swap3A_482], %swap3A_485 {strides = array<i32>} : memref<200x64xf32, #tpu.memory_space<vmem>>, vector<1x16xf32>,
        }
        %scan3A_364 = arith.constant 200 : i32
        %add3A_365 = arith.addi %add3A, %add3A_320 : i32
        %dma_start3A_366 = arith.constant 0 : i32
        %dma_start3A_367 = arith.constant 0 : i32
        %dma_start3A_368 = tpu.memref_slice %arg6[%add3A_365, %dma_start3A_366, %dma_start3A_367] : memref<1024x200x64xf32, #tpu.memory_space<hbm>> -> memref<1x200x64xf32, #tpu.memory_space<hbm>>
        %dma_start3A_369 = tpu.memref_squeeze %dma_start3A_368 : memref<1x200x64xf32, #tpu.memory_space<hbm>> -> memref<200x64xf32, #tpu.memory_space<hbm>>
        %dma_start3A_370 = arith.constant 0 : i32
        %dma_start3A_371 = arith.constant 0 : i32
        %dma_start3A_372 = tpu.memref_slice %arg6[%add3A_365, %dma_start3A_370, %dma_start3A_371] : memref<1024x200x64xf32, #tpu.memory_space<hbm>> -> memref<1x200x64xf32, #tpu.memory_space<hbm>>
        %dma_start3A_373 = tpu.memref_squeeze %dma_start3A_372 : memref<1x200x64xf32, #tpu.memory_space<hbm>> -> memref<200x64xf32, #tpu.memory_space<hbm>>
        tpu.enqueue_dma source(%arg12 : memref<200x64xf32, #tpu.memory_space<vmem>>) target(%dma_start3A_373 : memref<200x64xf32, #tpu.memory_space<hbm>>) target_semaphore(%arg20 : memref<!tpu.dma_semaphore, #tpu.memory_space<semaphore_mem>>)
        %mul3A_374 = arith.constant 4 : i32
        %mul3A_375 = arith.muli %mul3A_374, %scan3A_181 : i32
        %add3A_376 = arith.constant 3 : i32
        %add3A_377 = arith.addi %mul3A_375, %add3A_376 : i32
        %add3A_378 = arith.constant 4 : i32
        %add3A_379 = arith.addi %add3A_377, %add3A_378 : i32
        %sub3A_380 = arith.constant 1 : i32
        %sub3A_381 = arith.subi %add3A_379, %sub3A_380 : i32
        %lt3A_382 = arith.constant 3 : i32
        %lt3A_383 = arith.cmpi slt, %scan3A_181, %lt3A_382 : i32
        %convert_element_type3A_384 = arith.extui %lt3A_383 : i1 to i32
        %cond3A_385 = arith.constant 0 : i32
        %cond3A_386 = arith.cmpi ne, %convert_element_type3A_384, %cond3A_385 : i32
        scf.if %cond3A_386 {
          %sub3A_431 = arith.constant 4 : i32
          %sub3A_432 = arith.subi %sub3A_381, %sub3A_431 : i32
          %add3A_433 = arith.addi %add3A, %sub3A_432 : i32
          %dma_wait3A_434 = arith.constant 0 : i32
          %dma_wait3A_435 = arith.constant 0 : i32
          %dma_wait3A_436 = tpu.memref_slice %arg6[%add3A_433, %dma_wait3A_434, %dma_wait3A_435] : memref<1024x200x64xf32, #tpu.memory_space<hbm>> -> memref<1x200x64xf32, #tpu.memory_space<hbm>>
          %dma_wait3A_437 = tpu.memref_squeeze %dma_wait3A_436 : memref<1x200x64xf32, #tpu.memory_space<hbm>> -> memref<200x64xf32, #tpu.memory_space<hbm>>
          %dma_wait3A_438 = arith.constant 0 : i32
          %dma_wait3A_439 = arith.constant 0 : i32
          %dma_wait3A_440 = tpu.memref_slice %arg6[%add3A_433, %dma_wait3A_438, %dma_wait3A_439] : memref<1024x200x64xf32, #tpu.memory_space<hbm>> -> memref<1x200x64xf32, #tpu.memory_space<hbm>>
          %dma_wait3A_441 = tpu.memref_squeeze %dma_wait3A_440 : memref<1x200x64xf32, #tpu.memory_space<hbm>> -> memref<200x64xf32, #tpu.memory_space<hbm>>
          tpu.wait_dma2 semaphore(%arg20 : memref<!tpu.dma_semaphore, #tpu.memory_space<semaphore_mem>>) src(%arg12 : memref<200x64xf32, #tpu.memory_space<vmem>>) dst(%dma_wait3A_441 : memref<200x64xf32, #tpu.memory_space<hbm>>)
          %mul3A_442 = arith.constant 2 : i32
          %mul3A_443 = arith.muli %mul3A_442, %sub3A_381 : i32
          %mul3A_444 = arith.constant 2 : i32
          %mul3A_445 = arith.muli %mul3A_444, %sub3A_381 : i32
          %add3A_446 = arith.constant 1 : i32
          %add3A_447 = arith.addi %mul3A_445, %add3A_446 : i32
          %dma_start3A_448 = arith.constant 0 : i32
          %dma_start3A_449 = arith.constant 0 : i32
          %dma_start3A_450 = tpu.memref_slice %arg12[%dma_start3A_448, %dma_start3A_449] : memref<200x64xf32, #tpu.memory_space<vmem>> -> memref<100x64xf32, #tpu.memory_space<vmem>>
          %dma_start3A_451 = arith.constant 0 : i32
          %dma_start3A_452 = tpu.memref_slice %arg7[%mul3A_443, %dma_start3A_451] : memref<96x100xi32, #tpu.memory_space<vmem>> -> memref<1x100xi32, #tpu.memory_space<vmem>>
          %dma_start3A_453 = tpu.memref_squeeze %dma_start3A_452 : memref<1x100xi32, #tpu.memory_space<vmem>> -> memref<100xi32, #tpu.memory_space<vmem>>
          %dma_start3A_454 = arith.constant 0 : i32
          %dma_start3A_455 = arith.constant 0 : i32
          %dma_start3A_456 = tpu.memref_slice %arg4[%dma_start3A_454, %dma_start3A_455] : memref<100000x64xf32, #tpu.memory_space<hbm>> -> memref<100000x64xf32, #tpu.memory_space<hbm>>
          tpu.enqueue_indirect_dma source(%dma_start3A_456 : memref<100000x64xf32, #tpu.memory_space<hbm>>) target(%dma_start3A_450 : memref<100x64xf32, #tpu.memory_space<vmem>>) offsets(%dma_start3A_453 : memref<100xi32, #tpu.memory_space<vmem>>) semaphore(%arg16 : memref<!tpu.dma_semaphore, #tpu.memory_space<semaphore_mem>>)
          %dma_start3A_457 = arith.constant 100 : i32
          %dma_start3A_458 = arith.constant 0 : i32
          %dma_start3A_459 = tpu.memref_slice %arg12[%dma_start3A_457, %dma_start3A_458] : memref<200x64xf32, #tpu.memory_space<vmem>> -> memref<100x64xf32, #tpu.memory_space<vmem>>
          %dma_start3A_460 = arith.constant 0 : i32
          %dma_start3A_461 = tpu.memref_slice %arg7[%add3A_447, %dma_start3A_460] : memref<96x100xi32, #tpu.memory_space<vmem>> -> memref<1x100xi32, #tpu.memory_space<vmem>>
          %dma_start3A_462 = tpu.memref_squeeze %dma_start3A_461 : memref<1x100xi32, #tpu.memory_space<vmem>> -> memref<100xi32, #tpu.memory_space<vmem>>
          %dma_start3A_463 = arith.constant 0 : i32
          %dma_start3A_464 = arith.constant 0 : i32
          %dma_start3A_465 = tpu.memref_slice %arg4[%dma_start3A_463, %dma_start3A_464] : memref<100000x64xf32, #tpu.memory_space<hbm>> -> memref<100000x64xf32, #tpu.memory_space<hbm>>
          tpu.enqueue_indirect_dma source(%dma_start3A_465 : memref<100000x64xf32, #tpu.memory_space<hbm>>) target(%dma_start3A_459 : memref<100x64xf32, #tpu.memory_space<vmem>>) offsets(%dma_start3A_462 : memref<100xi32, #tpu.memory_space<vmem>>) semaphore(%arg16 : memref<!tpu.dma_semaphore, #tpu.memory_space<semaphore_mem>>)
        } else {
        }
        %mul3A_387 = arith.constant 2 : i32
        %mul3A_388 = arith.muli %mul3A_387, %add3A_377 : i32
        %mul3A_389 = arith.constant 2 : i32
        %mul3A_390 = arith.muli %mul3A_389, %add3A_377 : i32
        %add3A_391 = arith.constant 1 : i32
        %add3A_392 = arith.addi %mul3A_390, %add3A_391 : i32
        %dma_wait3A_393 = arith.constant 0 : i32
        %dma_wait3A_394 = arith.constant 0 : i32
        %dma_wait3A_395 = tpu.memref_slice %arg13[%dma_wait3A_393, %dma_wait3A_394] : memref<200x64xf32, #tpu.memory_space<vmem>> -> memref<100x64xf32, #tpu.memory_space<vmem>>
        %dma_wait3A_396 = arith.constant 0 : i32
        %dma_wait3A_397 = tpu.memref_slice %arg7[%mul3A_388, %dma_wait3A_396] : memref<96x100xi32, #tpu.memory_space<vmem>> -> memref<1x100xi32, #tpu.memory_space<vmem>>
        %dma_wait3A_398 = tpu.memref_squeeze %dma_wait3A_397 : memref<1x100xi32, #tpu.memory_space<vmem>> -> memref<100xi32, #tpu.memory_space<vmem>>
        %dma_wait3A_399 = arith.constant 0 : i32
        %dma_wait3A_400 = arith.constant 0 : i32
        %dma_wait3A_401 = tpu.memref_slice %arg4[%dma_wait3A_399, %dma_wait3A_400] : memref<100000x64xf32, #tpu.memory_space<hbm>> -> memref<100000x64xf32, #tpu.memory_space<hbm>>
        tpu.wait_indirect_dma semaphore(%arg17 : memref<!tpu.dma_semaphore, #tpu.memory_space<semaphore_mem>>) src(%dma_wait3A_401 : memref<100000x64xf32, #tpu.memory_space<hbm>>) dst(%dma_wait3A_395 : memref<100x64xf32, #tpu.memory_space<vmem>>)
        %dma_wait3A_402 = arith.constant 100 : i32
        %dma_wait3A_403 = arith.constant 0 : i32
        %dma_wait3A_404 = tpu.memref_slice %arg13[%dma_wait3A_402, %dma_wait3A_403] : memref<200x64xf32, #tpu.memory_space<vmem>> -> memref<100x64xf32, #tpu.memory_space<vmem>>
        %dma_wait3A_405 = arith.constant 0 : i32
        %dma_wait3A_406 = tpu.memref_slice %arg7[%add3A_392, %dma_wait3A_405] : memref<96x100xi32, #tpu.memory_space<vmem>> -> memref<1x100xi32, #tpu.memory_space<vmem>>
        %dma_wait3A_407 = tpu.memref_squeeze %dma_wait3A_406 : memref<1x100xi32, #tpu.memory_space<vmem>> -> memref<100xi32, #tpu.memory_space<vmem>>
        %dma_wait3A_408 = arith.constant 0 : i32
        %dma_wait3A_409 = arith.constant 0 : i32
        %dma_wait3A_410 = tpu.memref_slice %arg4[%dma_wait3A_408, %dma_wait3A_409] : memref<100000x64xf32, #tpu.memory_space<hbm>> -> memref<100000x64xf32, #tpu.memory_space<hbm>>
        tpu.wait_indirect_dma semaphore(%arg17 : memref<!tpu.dma_semaphore, #tpu.memory_space<semaphore_mem>>) src(%dma_wait3A_410 : memref<100000x64xf32, #tpu.memory_space<hbm>>) dst(%dma_wait3A_404 : memref<100x64xf32, #tpu.memory_space<vmem>>)
        %mul3A_411 = arith.constant 200 : i32
        %mul3A_412 = arith.muli %add3A_377, %mul3A_411 : i32
        %convert_element_type3A_413 = arith.extui %eq3A_58 : i1 to i32
        %cond3A_414 = arith.constant 0 : i32
        %cond3A_415 = arith.cmpi ne, %convert_element_type3A_413, %cond3A_414 : i32
        scf.if %cond3A_415 {
          %scan3A_431 = arith.constant 0 : i32
          %scan3A_432 = arith.constant 0 : i32
          %scan3A_433 = arith.constant 200 : i32
          %scan3A_434 = arith.addi %scan3A_432, %scan3A_433 : i32
          %scan3A_435 = arith.constant 1 : i32
          scf.for %scan3A_437 = %scan3A_432 to %scan3A_434 step %scan3A_435  : i32 {
            %add3A_438 = arith.addi %mul3A_412, %scan3A_437 : i32
            %get3A = arith.index_cast %add3A_438 : i32 to index
            %get3A_439 = tpu.vector_load %arg8[%get3A] {strides = array<i32>} : memref<9616xi32, #tpu.memory_space<vmem>>, vector<16xi32>,
            %get3A_440 = vector.shape_cast %get3A_439 : vector<16xi32> to vector<16xi32>
            %slice3A_441 = vector.extract_strided_slice %get3A_440 {offsets = [0], sizes = [1], strides = [1]} : vector<16xi32> to vector<1xi32>
            %squeeze3A_442 = vector.extract %slice3A_441[0] : i32 from vector<1xi32>
            %eq3A_443 = arith.constant 0 : i32
            %eq3A_444 = arith.cmpi eq, %squeeze3A_442, %eq3A_443 : i32
            %convert_element_type3A_445 = arith.extui %eq3A_444 : i1 to i32
            %cond3A_446 = arith.constant 0 : i32
            %cond3A_447 = arith.cmpi ne, %convert_element_type3A_445, %cond3A_446 : i32
            scf.if %cond3A_447 {
              %broadcast_in_dim3A_448 = arith.constant 0.000000e+00 : f32
              %broadcast_in_dim3A_449 = vector.broadcast %broadcast_in_dim3A_448 : f32 to vector<16xf32>
              %swap3A = arith.index_cast %scan3A_437 : i32 to index
              %swap3A_450 = arith.constant 0 : index
              %swap3A_451 = tpu.vector_load %arg13[%swap3A, %swap3A_450] {strides = array<i32>} : memref<200x64xf32, #tpu.memory_space<vmem>>, vector<1x16xf32>,
              %swap3A_452 = vector.shape_cast %swap3A_451 : vector<1x16xf32> to vector<16xf32>
              %swap3A_453 = vector.shape_cast %broadcast_in_dim3A_449 : vector<16xf32> to vector<1x16xf32>
              tpu.vector_store %arg13[%swap3A, %swap3A_450], %swap3A_453 {strides = array<i32>} : memref<200x64xf32, #tpu.memory_space<vmem>>, vector<1x16xf32>,
              %swap3A_454 = arith.index_cast %scan3A_437 : i32 to index
              %swap3A_455 = arith.constant 16 : index
              %swap3A_456 = tpu.vector_load %arg13[%swap3A_454, %swap3A_455] {strides = array<i32>} : memref<200x64xf32, #tpu.memory_space<vmem>>, vector<1x16xf32>,
              %swap3A_457 = vector.shape_cast %swap3A_456 : vector<1x16xf32> to vector<16xf32>
              %swap3A_458 = vector.shape_cast %broadcast_in_dim3A_449 : vector<16xf32> to vector<1x16xf32>
              tpu.vector_store %arg13[%swap3A_454, %swap3A_455], %swap3A_458 {strides = array<i32>} : memref<200x64xf32, #tpu.memory_space<vmem>>, vector<1x16xf32>,
              %swap3A_459 = arith.index_cast %scan3A_437 : i32 to index
              %swap3A_460 = arith.constant 32 : index
              %swap3A_461 = tpu.vector_load %arg13[%swap3A_459, %swap3A_460] {strides = array<i32>} : memref<200x64xf32, #tpu.memory_space<vmem>>, vector<1x16xf32>,
              %swap3A_462 = vector.shape_cast %swap3A_461 : vector<1x16xf32> to vector<16xf32>
              %swap3A_463 = vector.shape_cast %broadcast_in_dim3A_449 : vector<16xf32> to vector<1x16xf32>
              tpu.vector_store %arg13[%swap3A_459, %swap3A_460], %swap3A_463 {strides = array<i32>} : memref<200x64xf32, #tpu.memory_space<vmem>>, vector<1x16xf32>,
              %swap3A_464 = arith.index_cast %scan3A_437 : i32 to index
              %swap3A_465 = arith.constant 48 : index
              %swap3A_466 = tpu.vector_load %arg13[%swap3A_464, %swap3A_465] {strides = array<i32>} : memref<200x64xf32, #tpu.memory_space<vmem>>, vector<1x16xf32>,
              %swap3A_467 = vector.shape_cast %swap3A_466 : vector<1x16xf32> to vector<16xf32>
              %swap3A_468 = vector.shape_cast %broadcast_in_dim3A_449 : vector<16xf32> to vector<1x16xf32>
              tpu.vector_store %arg13[%swap3A_464, %swap3A_465], %swap3A_468 {strides = array<i32>} : memref<200x64xf32, #tpu.memory_space<vmem>>, vector<1x16xf32>,
            } else {
            }
          }
          %scan3A_436 = arith.constant 200 : i32
        } else {
        }
        %scan3A_416 = arith.constant 0 : i32
        %scan3A_417 = arith.constant 0 : i32
        %scan3A_418 = arith.constant 200 : i32
        %scan3A_419 = arith.addi %scan3A_417, %scan3A_418 : i32
        %scan3A_420 = arith.constant 1 : i32
        scf.for %scan3A_431 = %scan3A_417 to %scan3A_419 step %scan3A_420  : i32 {
          %get3A = arith.index_cast %scan3A_431 : i32 to index
          %get3A_432 = arith.constant 0 : index
          %get3A_433 = tpu.vector_load %arg13[%get3A, %get3A_432] {strides = array<i32>} : memref<200x64xf32, #tpu.memory_space<vmem>>, vector<1x16xf32>,
          %get3A_434 = vector.shape_cast %get3A_433 : vector<1x16xf32> to vector<16xf32>
          %get3A_435 = arith.index_cast %scan3A_431 : i32 to index
          %get3A_436 = arith.constant 0 : index
          %get3A_437 = tpu.vector_load %arg9[%get3A_435, %get3A_436] {strides = array<i32>} : memref<200x64xf32, #tpu.memory_space<vmem>>, vector<1x16xf32>,
          %get3A_438 = vector.shape_cast %get3A_437 : vector<1x16xf32> to vector<16xf32>
          %add3A_439 = arith.addf %get3A_434, %get3A_438 : vector<16xf32>
          %swap3A = arith.index_cast %scan3A_431 : i32 to index
          %swap3A_440 = arith.constant 0 : index
          %swap3A_441 = tpu.vector_load %arg13[%swap3A, %swap3A_440] {strides = array<i32>} : memref<200x64xf32, #tpu.memory_space<vmem>>, vector<1x16xf32>,
          %swap3A_442 = vector.shape_cast %swap3A_441 : vector<1x16xf32> to vector<16xf32>
          %swap3A_443 = vector.shape_cast %add3A_439 : vector<16xf32> to vector<1x16xf32>
          tpu.vector_store %arg13[%swap3A, %swap3A_440], %swap3A_443 {strides = array<i32>} : memref<200x64xf32, #tpu.memory_space<vmem>>, vector<1x16xf32>,
          %get3A_444 = arith.index_cast %scan3A_431 : i32 to index
          %get3A_445 = arith.constant 16 : index
          %get3A_446 = tpu.vector_load %arg13[%get3A_444, %get3A_445] {strides = array<i32>} : memref<200x64xf32, #tpu.memory_space<vmem>>, vector<1x16xf32>,
          %get3A_447 = vector.shape_cast %get3A_446 : vector<1x16xf32> to vector<16xf32>
          %get3A_448 = arith.index_cast %scan3A_431 : i32 to index
          %get3A_449 = arith.constant 16 : index
          %get3A_450 = tpu.vector_load %arg9[%get3A_448, %get3A_449] {strides = array<i32>} : memref<200x64xf32, #tpu.memory_space<vmem>>, vector<1x16xf32>,
          %get3A_451 = vector.shape_cast %get3A_450 : vector<1x16xf32> to vector<16xf32>
          %add3A_452 = arith.addf %get3A_447, %get3A_451 : vector<16xf32>
          %swap3A_453 = arith.index_cast %scan3A_431 : i32 to index
          %swap3A_454 = arith.constant 16 : index
          %swap3A_455 = tpu.vector_load %arg13[%swap3A_453, %swap3A_454] {strides = array<i32>} : memref<200x64xf32, #tpu.memory_space<vmem>>, vector<1x16xf32>,
          %swap3A_456 = vector.shape_cast %swap3A_455 : vector<1x16xf32> to vector<16xf32>
          %swap3A_457 = vector.shape_cast %add3A_452 : vector<16xf32> to vector<1x16xf32>
          tpu.vector_store %arg13[%swap3A_453, %swap3A_454], %swap3A_457 {strides = array<i32>} : memref<200x64xf32, #tpu.memory_space<vmem>>, vector<1x16xf32>,
          %get3A_458 = arith.index_cast %scan3A_431 : i32 to index
          %get3A_459 = arith.constant 32 : index
          %get3A_460 = tpu.vector_load %arg13[%get3A_458, %get3A_459] {strides = array<i32>} : memref<200x64xf32, #tpu.memory_space<vmem>>, vector<1x16xf32>,
          %get3A_461 = vector.shape_cast %get3A_460 : vector<1x16xf32> to vector<16xf32>
          %get3A_462 = arith.index_cast %scan3A_431 : i32 to index
          %get3A_463 = arith.constant 32 : index
          %get3A_464 = tpu.vector_load %arg9[%get3A_462, %get3A_463] {strides = array<i32>} : memref<200x64xf32, #tpu.memory_space<vmem>>, vector<1x16xf32>,
          %get3A_465 = vector.shape_cast %get3A_464 : vector<1x16xf32> to vector<16xf32>
          %add3A_466 = arith.addf %get3A_461, %get3A_465 : vector<16xf32>
          %swap3A_467 = arith.index_cast %scan3A_431 : i32 to index
          %swap3A_468 = arith.constant 32 : index
          %swap3A_469 = tpu.vector_load %arg13[%swap3A_467, %swap3A_468] {strides = array<i32>} : memref<200x64xf32, #tpu.memory_space<vmem>>, vector<1x16xf32>,
          %swap3A_470 = vector.shape_cast %swap3A_469 : vector<1x16xf32> to vector<16xf32>
          %swap3A_471 = vector.shape_cast %add3A_466 : vector<16xf32> to vector<1x16xf32>
          tpu.vector_store %arg13[%swap3A_467, %swap3A_468], %swap3A_471 {strides = array<i32>} : memref<200x64xf32, #tpu.memory_space<vmem>>, vector<1x16xf32>,
          %get3A_472 = arith.index_cast %scan3A_431 : i32 to index
          %get3A_473 = arith.constant 48 : index
          %get3A_474 = tpu.vector_load %arg13[%get3A_472, %get3A_473] {strides = array<i32>} : memref<200x64xf32, #tpu.memory_space<vmem>>, vector<1x16xf32>,
          %get3A_475 = vector.shape_cast %get3A_474 : vector<1x16xf32> to vector<16xf32>
          %get3A_476 = arith.index_cast %scan3A_431 : i32 to index
          %get3A_477 = arith.constant 48 : index
          %get3A_478 = tpu.vector_load %arg9[%get3A_476, %get3A_477] {strides = array<i32>} : memref<200x64xf32, #tpu.memory_space<vmem>>, vector<1x16xf32>,
          %get3A_479 = vector.shape_cast %get3A_478 : vector<1x16xf32> to vector<16xf32>
          %add3A_480 = arith.addf %get3A_475, %get3A_479 : vector<16xf32>
          %swap3A_481 = arith.index_cast %scan3A_431 : i32 to index
          %swap3A_482 = arith.constant 48 : index
          %swap3A_483 = tpu.vector_load %arg13[%swap3A_481, %swap3A_482] {strides = array<i32>} : memref<200x64xf32, #tpu.memory_space<vmem>>, vector<1x16xf32>,
          %swap3A_484 = vector.shape_cast %swap3A_483 : vector<1x16xf32> to vector<16xf32>
          %swap3A_485 = vector.shape_cast %add3A_480 : vector<16xf32> to vector<1x16xf32>
          tpu.vector_store %arg13[%swap3A_481, %swap3A_482], %swap3A_485 {strides = array<i32>} : memref<200x64xf32, #tpu.memory_space<vmem>>, vector<1x16xf32>,
        }
        %scan3A_421 = arith.constant 200 : i32
        %add3A_422 = arith.addi %add3A, %add3A_377 : i32
        %dma_start3A_423 = arith.constant 0 : i32
        %dma_start3A_424 = arith.constant 0 : i32
        %dma_start3A_425 = tpu.memref_slice %arg6[%add3A_422, %dma_start3A_423, %dma_start3A_424] : memref<1024x200x64xf32, #tpu.memory_space<hbm>> -> memref<1x200x64xf32, #tpu.memory_space<hbm>>
        %dma_start3A_426 = tpu.memref_squeeze %dma_start3A_425 : memref<1x200x64xf32, #tpu.memory_space<hbm>> -> memref<200x64xf32, #tpu.memory_space<hbm>>
        %dma_start3A_427 = arith.constant 0 : i32
        %dma_start3A_428 = arith.constant 0 : i32
        %dma_start3A_429 = tpu.memref_slice %arg6[%add3A_422, %dma_start3A_427, %dma_start3A_428] : memref<1024x200x64xf32, #tpu.memory_space<hbm>> -> memref<1x200x64xf32, #tpu.memory_space<hbm>>
        %dma_start3A_430 = tpu.memref_squeeze %dma_start3A_429 : memref<1x200x64xf32, #tpu.memory_space<hbm>> -> memref<200x64xf32, #tpu.memory_space<hbm>>
        tpu.enqueue_dma source(%arg13 : memref<200x64xf32, #tpu.memory_space<vmem>>) target(%dma_start3A_430 : memref<200x64xf32, #tpu.memory_space<hbm>>) target_semaphore(%arg21 : memref<!tpu.dma_semaphore, #tpu.memory_space<semaphore_mem>>)
      }
      %scan3A_141 = arith.constant 4 : i32
      %add3A_142 = arith.constant 12 : i32
      %add3A_143 = arith.addi %add3A, %add3A_142 : i32
      %dma_wait3A = arith.constant 0 : i32
      %dma_wait3A_144 = arith.constant 0 : i32
      %dma_wait3A_145 = tpu.memref_slice %arg6[%add3A_143, %dma_wait3A, %dma_wait3A_144] : memref<1024x200x64xf32, #tpu.memory_space<hbm>> -> memref<1x200x64xf32, #tpu.memory_space<hbm>>
      %dma_wait3A_146 = tpu.memref_squeeze %dma_wait3A_145 : memref<1x200x64xf32, #tpu.memory_space<hbm>> -> memref<200x64xf32, #tpu.memory_space<hbm>>
      %dma_wait3A_147 = arith.constant 0 : i32
      %dma_wait3A_148 = arith.constant 0 : i32
      %dma_wait3A_149 = tpu.memref_slice %arg6[%add3A_143, %dma_wait3A_147, %dma_wait3A_148] : memref<1024x200x64xf32, #tpu.memory_space<hbm>> -> memref<1x200x64xf32, #tpu.memory_space<hbm>>
      %dma_wait3A_150 = tpu.memref_squeeze %dma_wait3A_149 : memref<1x200x64xf32, #tpu.memory_space<hbm>> -> memref<200x64xf32, #tpu.memory_space<hbm>>
      tpu.wait_dma2 semaphore(%arg18 : memref<!tpu.dma_semaphore, #tpu.memory_space<semaphore_mem>>) src(%arg10 : memref<200x64xf32, #tpu.memory_space<vmem>>) dst(%dma_wait3A_150 : memref<200x64xf32, #tpu.memory_space<hbm>>)
      %add3A_151 = arith.constant 13 : i32
      %add3A_152 = arith.addi %add3A, %add3A_151 : i32
      %dma_wait3A_153 = arith.constant 0 : i32
      %dma_wait3A_154 = arith.constant 0 : i32
      %dma_wait3A_155 = tpu.memref_slice %arg6[%add3A_152, %dma_wait3A_153, %dma_wait3A_154] : memref<1024x200x64xf32, #tpu.memory_space<hbm>> -> memref<1x200x64xf32, #tpu.memory_space<hbm>>
      %dma_wait3A_156 = tpu.memref_squeeze %dma_wait3A_155 : memref<1x200x64xf32, #tpu.memory_space<hbm>> -> memref<200x64xf32, #tpu.memory_space<hbm>>
      %dma_wait3A_157 = arith.constant 0 : i32
      %dma_wait3A_158 = arith.constant 0 : i32
      %dma_wait3A_159 = tpu.memref_slice %arg6[%add3A_152, %dma_wait3A_157, %dma_wait3A_158] : memref<1024x200x64xf32, #tpu.memory_space<hbm>> -> memref<1x200x64xf32, #tpu.memory_space<hbm>>
      %dma_wait3A_160 = tpu.memref_squeeze %dma_wait3A_159 : memref<1x200x64xf32, #tpu.memory_space<hbm>> -> memref<200x64xf32, #tpu.memory_space<hbm>>
      tpu.wait_dma2 semaphore(%arg19 : memref<!tpu.dma_semaphore, #tpu.memory_space<semaphore_mem>>) src(%arg11 : memref<200x64xf32, #tpu.memory_space<vmem>>) dst(%dma_wait3A_160 : memref<200x64xf32, #tpu.memory_space<hbm>>)
      %add3A_161 = arith.constant 14 : i32
      %add3A_162 = arith.addi %add3A, %add3A_161 : i32
      %dma_wait3A_163 = arith.constant 0 : i32
      %dma_wait3A_164 = arith.constant 0 : i32
      %dma_wait3A_165 = tpu.memref_slice %arg6[%add3A_162, %dma_wait3A_163, %dma_wait3A_164] : memref<1024x200x64xf32, #tpu.memory_space<hbm>> -> memref<1x200x64xf32, #tpu.memory_space<hbm>>
      %dma_wait3A_166 = tpu.memref_squeeze %dma_wait3A_165 : memref<1x200x64xf32, #tpu.memory_space<hbm>> -> memref<200x64xf32, #tpu.memory_space<hbm>>
      %dma_wait3A_167 = arith.constant 0 : i32
      %dma_wait3A_168 = arith.constant 0 : i32
      %dma_wait3A_169 = tpu.memref_slice %arg6[%add3A_162, %dma_wait3A_167, %dma_wait3A_168] : memref<1024x200x64xf32, #tpu.memory_space<hbm>> -> memref<1x200x64xf32, #tpu.memory_space<hbm>>
      %dma_wait3A_170 = tpu.memref_squeeze %dma_wait3A_169 : memref<1x200x64xf32, #tpu.memory_space<hbm>> -> memref<200x64xf32, #tpu.memory_space<hbm>>
      tpu.wait_dma2 semaphore(%arg20 : memref<!tpu.dma_semaphore, #tpu.memory_space<semaphore_mem>>) src(%arg12 : memref<200x64xf32, #tpu.memory_space<vmem>>) dst(%dma_wait3A_170 : memref<200x64xf32, #tpu.memory_space<hbm>>)
      %add3A_171 = arith.constant 15 : i32
      %add3A_172 = arith.addi %add3A, %add3A_171 : i32
      %dma_wait3A_173 = arith.constant 0 : i32
      %dma_wait3A_174 = arith.constant 0 : i32
      %dma_wait3A_175 = tpu.memref_slice %arg6[%add3A_172, %dma_wait3A_173, %dma_wait3A_174] : memref<1024x200x64xf32, #tpu.memory_space<hbm>> -> memref<1x200x64xf32, #tpu.memory_space<hbm>>
      %dma_wait3A_176 = tpu.memref_squeeze %dma_wait3A_175 : memref<1x200x64xf32, #tpu.memory_space<hbm>> -> memref<200x64xf32, #tpu.memory_space<hbm>>
      %dma_wait3A_177 = arith.constant 0 : i32
      %dma_wait3A_178 = arith.constant 0 : i32
      %dma_wait3A_179 = tpu.memref_slice %arg6[%add3A_172, %dma_wait3A_177, %dma_wait3A_178] : memref<1024x200x64xf32, #tpu.memory_space<hbm>> -> memref<1x200x64xf32, #tpu.memory_space<hbm>>
      %dma_wait3A_180 = tpu.memref_squeeze %dma_wait3A_179 : memref<1x200x64xf32, #tpu.memory_space<hbm>> -> memref<200x64xf32, #tpu.memory_space<hbm>>
      tpu.wait_dma2 semaphore(%arg21 : memref<!tpu.dma_semaphore, #tpu.memory_space<semaphore_mem>>) src(%arg13 : memref<200x64xf32, #tpu.memory_space<vmem>>) dst(%dma_wait3A_180 : memref<200x64xf32, #tpu.memory_space<hbm>>)
    } else {
    }
    %eq3A_9 = arith.constant 1 : i32
    %eq3A_10 = arith.cmpi eq, %arg0, %eq3A_9 : i32
    %convert_element_type3A_11 = arith.extui %eq3A_10 : i1 to i32
    %cond3A_12 = arith.constant 0 : i32
    %cond3A_13 = arith.cmpi ne, %convert_element_type3A_11, %cond3A_12 : i32
    scf.if %cond3A_13 {
      %broadcast_in_dim3A = arith.constant 2147483647 : i32
      %broadcast_in_dim3A_14 = vector.broadcast %broadcast_in_dim3A : i32 to vector<16xi32>
      %scan3A = arith.constant 0 : i32
      %scan3A_15 = arith.constant 600 : i32
      %scan3A_16 = arith.addi %scan3A, %scan3A_15 : i32
      %scan3A_17 = arith.constant 1 : i32
      %scan3A_18 = scf.for %scan3A_181 = %scan3A to %scan3A_16 step %scan3A_17 iter_args(%scan3A_182 = %broadcast_in_dim3A_14) -> (vector<16xi32>)  : i32 {
        %mul3A_183 = arith.constant 16 : i32
        %mul3A_184 = arith.muli %scan3A_181, %mul3A_183 : i32
        %get3A = arith.index_cast %mul3A_184 : i32 to index
        %get3A_185 = tpu.vector_load %arg8[%get3A] {strides = array<i32>} : memref<9616xi32, #tpu.memory_space<vmem>>, vector<16xi32>,
        %get3A_186 = vector.shape_cast %get3A_185 : vector<16xi32> to vector<16xi32>
        %min3A_187 = arith.minsi %scan3A_182, %get3A_186 : vector<16xi32>
        scf.yield %min3A_187 : vector<16xi32>
      }
      %scan3A_19 = arith.constant 600 : i32
      %iota3A = tpu.iota {dimensions = array<i32: 0>} : vector<16xi32>
      %add3A_20 = arith.constant 8 : i32
      %add3A_21 = vector.broadcast %add3A_20 : i32 to vector<16xi32>
      %add3A_22 = arith.addi %iota3A, %add3A_21 : vector<16xi32>
      %rem3A = arith.constant 16 : i32
      %rem3A_23 = vector.broadcast %rem3A : i32 to vector<16xi32>
      %rem3A_24 = arith.remsi %add3A_22, %rem3A_23 : vector<16xi32>
      %broadcast_in_dim3A_25 = vector.shape_cast %rem3A_24 : vector<16xi32> to vector<16x1xi32>
      %gather3A = vector.shape_cast %broadcast_in_dim3A_25 : vector<16x1xi32> to vector<16xi32>
      %gather3A_26 = tpu.dynamic_gather %scan3A_18[%gather3A] in [0] : vector<16xi32>, vector<16xi32> -> vector<16xi32>
      %min3A = arith.minsi %scan3A_18, %gather3A_26 : vector<16xi32>
      %add3A_27 = arith.constant 4 : i32
      %add3A_28 = vector.broadcast %add3A_27 : i32 to vector<16xi32>
      %add3A_29 = arith.addi %iota3A, %add3A_28 : vector<16xi32>
      %rem3A_30 = arith.constant 16 : i32
      %rem3A_31 = vector.broadcast %rem3A_30 : i32 to vector<16xi32>
      %rem3A_32 = arith.remsi %add3A_29, %rem3A_31 : vector<16xi32>
      %broadcast_in_dim3A_33 = vector.shape_cast %rem3A_32 : vector<16xi32> to vector<16x1xi32>
      %gather3A_34 = vector.shape_cast %broadcast_in_dim3A_33 : vector<16x1xi32> to vector<16xi32>
      %gather3A_35 = tpu.dynamic_gather %min3A[%gather3A_34] in [0] : vector<16xi32>, vector<16xi32> -> vector<16xi32>
      %min3A_36 = arith.minsi %min3A, %gather3A_35 : vector<16xi32>
      %add3A_37 = arith.constant 2 : i32
      %add3A_38 = vector.broadcast %add3A_37 : i32 to vector<16xi32>
      %add3A_39 = arith.addi %iota3A, %add3A_38 : vector<16xi32>
      %rem3A_40 = arith.constant 16 : i32
      %rem3A_41 = vector.broadcast %rem3A_40 : i32 to vector<16xi32>
      %rem3A_42 = arith.remsi %add3A_39, %rem3A_41 : vector<16xi32>
      %broadcast_in_dim3A_43 = vector.shape_cast %rem3A_42 : vector<16xi32> to vector<16x1xi32>
      %gather3A_44 = vector.shape_cast %broadcast_in_dim3A_43 : vector<16x1xi32> to vector<16xi32>
      %gather3A_45 = tpu.dynamic_gather %min3A_36[%gather3A_44] in [0] : vector<16xi32>, vector<16xi32> -> vector<16xi32>
      %min3A_46 = arith.minsi %min3A_36, %gather3A_45 : vector<16xi32>
      %add3A_47 = arith.constant 1 : i32
      %add3A_48 = vector.broadcast %add3A_47 : i32 to vector<16xi32>
      %add3A_49 = arith.addi %iota3A, %add3A_48 : vector<16xi32>
      %rem3A_50 = arith.constant 16 : i32
      %rem3A_51 = vector.broadcast %rem3A_50 : i32 to vector<16xi32>
      %rem3A_52 = arith.remsi %add3A_49, %rem3A_51 : vector<16xi32>
      %broadcast_in_dim3A_53 = vector.shape_cast %rem3A_52 : vector<16xi32> to vector<16x1xi32>
      %gather3A_54 = vector.shape_cast %broadcast_in_dim3A_53 : vector<16x1xi32> to vector<16xi32>
      %gather3A_55 = tpu.dynamic_gather %min3A_46[%gather3A_54] in [0] : vector<16xi32>, vector<16xi32> -> vector<16xi32>
      %min3A_56 = arith.minsi %min3A_46, %gather3A_55 : vector<16xi32>
      %slice3A = vector.extract_strided_slice %min3A_56 {offsets = [0], sizes = [1], strides = [1]} : vector<16xi32> to vector<1xi32>
      %squeeze3A = vector.extract %slice3A[0] : i32 from vector<1xi32>
      %eq3A_57 = arith.constant 0 : i32
      %eq3A_58 = arith.cmpi eq, %squeeze3A, %eq3A_57 : i32
      %mul3A_59 = arith.constant 2 : i32
      %mul3A_60 = arith.constant 0 : i32
      %mul3A_61 = arith.muli %mul3A_59, %mul3A_60 : i32
      %mul3A_62 = arith.constant 2 : i32
      %mul3A_63 = arith.constant 0 : i32
      %mul3A_64 = arith.muli %mul3A_62, %mul3A_63 : i32
      %add3A_65 = arith.constant 1 : i32
      %add3A_66 = arith.addi %mul3A_64, %add3A_65 : i32
      %dma_start3A = arith.constant 0 : i32
      %dma_start3A_67 = arith.constant 0 : i32
      %dma_start3A_68 = tpu.memref_slice %arg10[%dma_start3A, %dma_start3A_67] : memref<200x64xf32, #tpu.memory_space<vmem>> -> memref<100x64xf32, #tpu.memory_space<vmem>>
      %dma_start3A_69 = arith.constant 0 : i32
      %dma_start3A_70 = tpu.memref_slice %arg7[%mul3A_61, %dma_start3A_69] : memref<96x100xi32, #tpu.memory_space<vmem>> -> memref<1x100xi32, #tpu.memory_space<vmem>>
      %dma_start3A_71 = tpu.memref_squeeze %dma_start3A_70 : memref<1x100xi32, #tpu.memory_space<vmem>> -> memref<100xi32, #tpu.memory_space<vmem>>
      %dma_start3A_72 = arith.constant 0 : i32
      %dma_start3A_73 = arith.constant 0 : i32
      %dma_start3A_74 = tpu.memref_slice %arg4[%dma_start3A_72, %dma_start3A_73] : memref<100000x64xf32, #tpu.memory_space<hbm>> -> memref<100000x64xf32, #tpu.memory_space<hbm>>
      tpu.enqueue_indirect_dma source(%dma_start3A_74 : memref<100000x64xf32, #tpu.memory_space<hbm>>) target(%dma_start3A_68 : memref<100x64xf32, #tpu.memory_space<vmem>>) offsets(%dma_start3A_71 : memref<100xi32, #tpu.memory_space<vmem>>) semaphore(%arg14 : memref<!tpu.dma_semaphore, #tpu.memory_space<semaphore_mem>>)
      %dma_start3A_75 = arith.constant 100 : i32
      %dma_start3A_76 = arith.constant 0 : i32
      %dma_start3A_77 = tpu.memref_slice %arg10[%dma_start3A_75, %dma_start3A_76] : memref<200x64xf32, #tpu.memory_space<vmem>> -> memref<100x64xf32, #tpu.memory_space<vmem>>
      %dma_start3A_78 = arith.constant 0 : i32
      %dma_start3A_79 = tpu.memref_slice %arg7[%add3A_66, %dma_start3A_78] : memref<96x100xi32, #tpu.memory_space<vmem>> -> memref<1x100xi32, #tpu.memory_space<vmem>>
      %dma_start3A_80 = tpu.memref_squeeze %dma_start3A_79 : memref<1x100xi32, #tpu.memory_space<vmem>> -> memref<100xi32, #tpu.memory_space<vmem>>
      %dma_start3A_81 = arith.constant 0 : i32
      %dma_start3A_82 = arith.constant 0 : i32
      %dma_start3A_83 = tpu.memref_slice %arg4[%dma_start3A_81, %dma_start3A_82] : memref<100000x64xf32, #tpu.memory_space<hbm>> -> memref<100000x64xf32, #tpu.memory_space<hbm>>
      tpu.enqueue_indirect_dma source(%dma_start3A_83 : memref<100000x64xf32, #tpu.memory_space<hbm>>) target(%dma_start3A_77 : memref<100x64xf32, #tpu.memory_space<vmem>>) offsets(%dma_start3A_80 : memref<100xi32, #tpu.memory_space<vmem>>) semaphore(%arg14 : memref<!tpu.dma_semaphore, #tpu.memory_space<semaphore_mem>>)
      %mul3A_84 = arith.constant 2 : i32
      %mul3A_85 = arith.constant 1 : i32
      %mul3A_86 = arith.muli %mul3A_84, %mul3A_85 : i32
      %mul3A_87 = arith.constant 2 : i32
      %mul3A_88 = arith.constant 1 : i32
      %mul3A_89 = arith.muli %mul3A_87, %mul3A_88 : i32
      %add3A_90 = arith.constant 1 : i32
      %add3A_91 = arith.addi %mul3A_89, %add3A_90 : i32
      %dma_start3A_92 = arith.constant 0 : i32
      %dma_start3A_93 = arith.constant 0 : i32
      %dma_start3A_94 = tpu.memref_slice %arg11[%dma_start3A_92, %dma_start3A_93] : memref<200x64xf32, #tpu.memory_space<vmem>> -> memref<100x64xf32, #tpu.memory_space<vmem>>
      %dma_start3A_95 = arith.constant 0 : i32
      %dma_start3A_96 = tpu.memref_slice %arg7[%mul3A_86, %dma_start3A_95] : memref<96x100xi32, #tpu.memory_space<vmem>> -> memref<1x100xi32, #tpu.memory_space<vmem>>
      %dma_start3A_97 = tpu.memref_squeeze %dma_start3A_96 : memref<1x100xi32, #tpu.memory_space<vmem>> -> memref<100xi32, #tpu.memory_space<vmem>>
      %dma_start3A_98 = arith.constant 0 : i32
      %dma_start3A_99 = arith.constant 0 : i32
      %dma_start3A_100 = tpu.memref_slice %arg4[%dma_start3A_98, %dma_start3A_99] : memref<100000x64xf32, #tpu.memory_space<hbm>> -> memref<100000x64xf32, #tpu.memory_space<hbm>>
      tpu.enqueue_indirect_dma source(%dma_start3A_100 : memref<100000x64xf32, #tpu.memory_space<hbm>>) target(%dma_start3A_94 : memref<100x64xf32, #tpu.memory_space<vmem>>) offsets(%dma_start3A_97 : memref<100xi32, #tpu.memory_space<vmem>>) semaphore(%arg15 : memref<!tpu.dma_semaphore, #tpu.memory_space<semaphore_mem>>)
      %dma_start3A_101 = arith.constant 100 : i32
      %dma_start3A_102 = arith.constant 0 : i32
      %dma_start3A_103 = tpu.memref_slice %arg11[%dma_start3A_101, %dma_start3A_102] : memref<200x64xf32, #tpu.memory_space<vmem>> -> memref<100x64xf32, #tpu.memory_space<vmem>>
      %dma_start3A_104 = arith.constant 0 : i32
      %dma_start3A_105 = tpu.memref_slice %arg7[%add3A_91, %dma_start3A_104] : memref<96x100xi32, #tpu.memory_space<vmem>> -> memref<1x100xi32, #tpu.memory_space<vmem>>
      %dma_start3A_106 = tpu.memref_squeeze %dma_start3A_105 : memref<1x100xi32, #tpu.memory_space<vmem>> -> memref<100xi32, #tpu.memory_space<vmem>>
      %dma_start3A_107 = arith.constant 0 : i32
      %dma_start3A_108 = arith.constant 0 : i32
      %dma_start3A_109 = tpu.memref_slice %arg4[%dma_start3A_107, %dma_start3A_108] : memref<100000x64xf32, #tpu.memory_space<hbm>> -> memref<100000x64xf32, #tpu.memory_space<hbm>>
      tpu.enqueue_indirect_dma source(%dma_start3A_109 : memref<100000x64xf32, #tpu.memory_space<hbm>>) target(%dma_start3A_103 : memref<100x64xf32, #tpu.memory_space<vmem>>) offsets(%dma_start3A_106 : memref<100xi32, #tpu.memory_space<vmem>>) semaphore(%arg15 : memref<!tpu.dma_semaphore, #tpu.memory_space<semaphore_mem>>)
      %mul3A_110 = arith.constant 2 : i32
      %mul3A_111 = arith.constant 2 : i32
      %mul3A_112 = arith.muli %mul3A_110, %mul3A_111 : i32
      %mul3A_113 = arith.constant 2 : i32
      %mul3A_114 = arith.constant 2 : i32
      %mul3A_115 = arith.muli %mul3A_113, %mul3A_114 : i32
      %add3A_116 = arith.constant 1 : i32
      %add3A_117 = arith.addi %mul3A_115, %add3A_116 : i32
      %dma_start3A_118 = arith.constant 0 : i32
      %dma_start3A_119 = arith.constant 0 : i32
      %dma_start3A_120 = tpu.memref_slice %arg12[%dma_start3A_118, %dma_start3A_119] : memref<200x64xf32, #tpu.memory_space<vmem>> -> memref<100x64xf32, #tpu.memory_space<vmem>>
      %dma_start3A_121 = arith.constant 0 : i32
      %dma_start3A_122 = tpu.memref_slice %arg7[%mul3A_112, %dma_start3A_121] : memref<96x100xi32, #tpu.memory_space<vmem>> -> memref<1x100xi32, #tpu.memory_space<vmem>>
      %dma_start3A_123 = tpu.memref_squeeze %dma_start3A_122 : memref<1x100xi32, #tpu.memory_space<vmem>> -> memref<100xi32, #tpu.memory_space<vmem>>
      %dma_start3A_124 = arith.constant 0 : i32
      %dma_start3A_125 = arith.constant 0 : i32
      %dma_start3A_126 = tpu.memref_slice %arg4[%dma_start3A_124, %dma_start3A_125] : memref<100000x64xf32, #tpu.memory_space<hbm>> -> memref<100000x64xf32, #tpu.memory_space<hbm>>
      tpu.enqueue_indirect_dma source(%dma_start3A_126 : memref<100000x64xf32, #tpu.memory_space<hbm>>) target(%dma_start3A_120 : memref<100x64xf32, #tpu.memory_space<vmem>>) offsets(%dma_start3A_123 : memref<100xi32, #tpu.memory_space<vmem>>) semaphore(%arg16 : memref<!tpu.dma_semaphore, #tpu.memory_space<semaphore_mem>>)
      %dma_start3A_127 = arith.constant 100 : i32
      %dma_start3A_128 = arith.constant 0 : i32
      %dma_start3A_129 = tpu.memref_slice %arg12[%dma_start3A_127, %dma_start3A_128] : memref<200x64xf32, #tpu.memory_space<vmem>> -> memref<100x64xf32, #tpu.memory_space<vmem>>
      %dma_start3A_130 = arith.constant 0 : i32
      %dma_start3A_131 = tpu.memref_slice %arg7[%add3A_117, %dma_start3A_130] : memref<96x100xi32, #tpu.memory_space<vmem>> -> memref<1x100xi32, #tpu.memory_space<vmem>>
      %dma_start3A_132 = tpu.memref_squeeze %dma_start3A_131 : memref<1x100xi32, #tpu.memory_space<vmem>> -> memref<100xi32, #tpu.memory_space<vmem>>
      %dma_start3A_133 = arith.constant 0 : i32
      %dma_start3A_134 = arith.constant 0 : i32
      %dma_start3A_135 = tpu.memref_slice %arg4[%dma_start3A_133, %dma_start3A_134] : memref<100000x64xf32, #tpu.memory_space<hbm>> -> memref<100000x64xf32, #tpu.memory_space<hbm>>
      tpu.enqueue_indirect_dma source(%dma_start3A_135 : memref<100000x64xf32, #tpu.memory_space<hbm>>) target(%dma_start3A_129 : memref<100x64xf32, #tpu.memory_space<vmem>>) offsets(%dma_start3A_132 : memref<100xi32, #tpu.memory_space<vmem>>) semaphore(%arg16 : memref<!tpu.dma_semaphore, #tpu.memory_space<semaphore_mem>>)
      %scan3A_136 = arith.constant 0 : i32
      %scan3A_137 = arith.constant 0 : i32
      %scan3A_138 = arith.constant 12 : i32
      %scan3A_139 = arith.addi %scan3A_137, %scan3A_138 : i32
      %scan3A_140 = arith.constant 1 : i32
      scf.for %scan3A_181 = %scan3A_137 to %scan3A_139 step %scan3A_140  : i32 {
        %mul3A_182 = arith.constant 4 : i32
        %mul3A_183 = arith.muli %mul3A_182, %scan3A_181 : i32
        %add3A_184 = arith.constant 0 : i32
        %add3A_185 = arith.addi %mul3A_183, %add3A_184 : i32
        %add3A_186 = arith.constant 4 : i32
        %add3A_187 = arith.addi %add3A_185, %add3A_186 : i32
        %sub3A = arith.constant 1 : i32
        %sub3A_188 = arith.subi %add3A_187, %sub3A : i32
        %gt3A = arith.constant 0 : i32
        %gt3A_189 = arith.cmpi sgt, %scan3A_181, %gt3A : i32
        %convert_element_type3A_190 = arith.extui %gt3A_189 : i1 to i32
        %cond3A_191 = arith.constant 0 : i32
        %cond3A_192 = arith.cmpi ne, %convert_element_type3A_190, %cond3A_191 : i32
        scf.if %cond3A_192 {
          %sub3A_431 = arith.constant 4 : i32
          %sub3A_432 = arith.subi %sub3A_188, %sub3A_431 : i32
          %add3A_433 = arith.addi %add3A, %sub3A_432 : i32
          %dma_wait3A_434 = arith.constant 0 : i32
          %dma_wait3A_435 = arith.constant 0 : i32
          %dma_wait3A_436 = tpu.memref_slice %arg6[%add3A_433, %dma_wait3A_434, %dma_wait3A_435] : memref<1024x200x64xf32, #tpu.memory_space<hbm>> -> memref<1x200x64xf32, #tpu.memory_space<hbm>>
          %dma_wait3A_437 = tpu.memref_squeeze %dma_wait3A_436 : memref<1x200x64xf32, #tpu.memory_space<hbm>> -> memref<200x64xf32, #tpu.memory_space<hbm>>
          %dma_wait3A_438 = arith.constant 0 : i32
          %dma_wait3A_439 = arith.constant 0 : i32
          %dma_wait3A_440 = tpu.memref_slice %arg6[%add3A_433, %dma_wait3A_438, %dma_wait3A_439] : memref<1024x200x64xf32, #tpu.memory_space<hbm>> -> memref<1x200x64xf32, #tpu.memory_space<hbm>>
          %dma_wait3A_441 = tpu.memref_squeeze %dma_wait3A_440 : memref<1x200x64xf32, #tpu.memory_space<hbm>> -> memref<200x64xf32, #tpu.memory_space<hbm>>
          tpu.wait_dma2 semaphore(%arg21 : memref<!tpu.dma_semaphore, #tpu.memory_space<semaphore_mem>>) src(%arg13 : memref<200x64xf32, #tpu.memory_space<vmem>>) dst(%dma_wait3A_441 : memref<200x64xf32, #tpu.memory_space<hbm>>)
        } else {
        }
        %mul3A_193 = arith.constant 2 : i32
        %mul3A_194 = arith.muli %mul3A_193, %sub3A_188 : i32
        %mul3A_195 = arith.constant 2 : i32
        %mul3A_196 = arith.muli %mul3A_195, %sub3A_188 : i32
        %add3A_197 = arith.constant 1 : i32
        %add3A_198 = arith.addi %mul3A_196, %add3A_197 : i32
        %dma_start3A_199 = arith.constant 0 : i32
        %dma_start3A_200 = arith.constant 0 : i32
        %dma_start3A_201 = tpu.memref_slice %arg13[%dma_start3A_199, %dma_start3A_200] : memref<200x64xf32, #tpu.memory_space<vmem>> -> memref<100x64xf32, #tpu.memory_space<vmem>>
        %dma_start3A_202 = arith.constant 0 : i32
        %dma_start3A_203 = tpu.memref_slice %arg7[%mul3A_194, %dma_start3A_202] : memref<96x100xi32, #tpu.memory_space<vmem>> -> memref<1x100xi32, #tpu.memory_space<vmem>>
        %dma_start3A_204 = tpu.memref_squeeze %dma_start3A_203 : memref<1x100xi32, #tpu.memory_space<vmem>> -> memref<100xi32, #tpu.memory_space<vmem>>
        %dma_start3A_205 = arith.constant 0 : i32
        %dma_start3A_206 = arith.constant 0 : i32
        %dma_start3A_207 = tpu.memref_slice %arg4[%dma_start3A_205, %dma_start3A_206] : memref<100000x64xf32, #tpu.memory_space<hbm>> -> memref<100000x64xf32, #tpu.memory_space<hbm>>
        tpu.enqueue_indirect_dma source(%dma_start3A_207 : memref<100000x64xf32, #tpu.memory_space<hbm>>) target(%dma_start3A_201 : memref<100x64xf32, #tpu.memory_space<vmem>>) offsets(%dma_start3A_204 : memref<100xi32, #tpu.memory_space<vmem>>) semaphore(%arg17 : memref<!tpu.dma_semaphore, #tpu.memory_space<semaphore_mem>>)
        %dma_start3A_208 = arith.constant 100 : i32
        %dma_start3A_209 = arith.constant 0 : i32
        %dma_start3A_210 = tpu.memref_slice %arg13[%dma_start3A_208, %dma_start3A_209] : memref<200x64xf32, #tpu.memory_space<vmem>> -> memref<100x64xf32, #tpu.memory_space<vmem>>
        %dma_start3A_211 = arith.constant 0 : i32
        %dma_start3A_212 = tpu.memref_slice %arg7[%add3A_198, %dma_start3A_211] : memref<96x100xi32, #tpu.memory_space<vmem>> -> memref<1x100xi32, #tpu.memory_space<vmem>>
        %dma_start3A_213 = tpu.memref_squeeze %dma_start3A_212 : memref<1x100xi32, #tpu.memory_space<vmem>> -> memref<100xi32, #tpu.memory_space<vmem>>
        %dma_start3A_214 = arith.constant 0 : i32
        %dma_start3A_215 = arith.constant 0 : i32
        %dma_start3A_216 = tpu.memref_slice %arg4[%dma_start3A_214, %dma_start3A_215] : memref<100000x64xf32, #tpu.memory_space<hbm>> -> memref<100000x64xf32, #tpu.memory_space<hbm>>
        tpu.enqueue_indirect_dma source(%dma_start3A_216 : memref<100000x64xf32, #tpu.memory_space<hbm>>) target(%dma_start3A_210 : memref<100x64xf32, #tpu.memory_space<vmem>>) offsets(%dma_start3A_213 : memref<100xi32, #tpu.memory_space<vmem>>) semaphore(%arg17 : memref<!tpu.dma_semaphore, #tpu.memory_space<semaphore_mem>>)
        %mul3A_217 = arith.constant 2 : i32
        %mul3A_218 = arith.muli %mul3A_217, %add3A_185 : i32
        %mul3A_219 = arith.constant 2 : i32
        %mul3A_220 = arith.muli %mul3A_219, %add3A_185 : i32
        %add3A_221 = arith.constant 1 : i32
        %add3A_222 = arith.addi %mul3A_220, %add3A_221 : i32
        %dma_wait3A_223 = arith.constant 0 : i32
        %dma_wait3A_224 = arith.constant 0 : i32
        %dma_wait3A_225 = tpu.memref_slice %arg10[%dma_wait3A_223, %dma_wait3A_224] : memref<200x64xf32, #tpu.memory_space<vmem>> -> memref<100x64xf32, #tpu.memory_space<vmem>>
        %dma_wait3A_226 = arith.constant 0 : i32
        %dma_wait3A_227 = tpu.memref_slice %arg7[%mul3A_218, %dma_wait3A_226] : memref<96x100xi32, #tpu.memory_space<vmem>> -> memref<1x100xi32, #tpu.memory_space<vmem>>
        %dma_wait3A_228 = tpu.memref_squeeze %dma_wait3A_227 : memref<1x100xi32, #tpu.memory_space<vmem>> -> memref<100xi32, #tpu.memory_space<vmem>>
        %dma_wait3A_229 = arith.constant 0 : i32
        %dma_wait3A_230 = arith.constant 0 : i32
        %dma_wait3A_231 = tpu.memref_slice %arg4[%dma_wait3A_229, %dma_wait3A_230] : memref<100000x64xf32, #tpu.memory_space<hbm>> -> memref<100000x64xf32, #tpu.memory_space<hbm>>
        tpu.wait_indirect_dma semaphore(%arg14 : memref<!tpu.dma_semaphore, #tpu.memory_space<semaphore_mem>>) src(%dma_wait3A_231 : memref<100000x64xf32, #tpu.memory_space<hbm>>) dst(%dma_wait3A_225 : memref<100x64xf32, #tpu.memory_space<vmem>>)
        %dma_wait3A_232 = arith.constant 100 : i32
        %dma_wait3A_233 = arith.constant 0 : i32
        %dma_wait3A_234 = tpu.memref_slice %arg10[%dma_wait3A_232, %dma_wait3A_233] : memref<200x64xf32, #tpu.memory_space<vmem>> -> memref<100x64xf32, #tpu.memory_space<vmem>>
        %dma_wait3A_235 = arith.constant 0 : i32
        %dma_wait3A_236 = tpu.memref_slice %arg7[%add3A_222, %dma_wait3A_235] : memref<96x100xi32, #tpu.memory_space<vmem>> -> memref<1x100xi32, #tpu.memory_space<vmem>>
        %dma_wait3A_237 = tpu.memref_squeeze %dma_wait3A_236 : memref<1x100xi32, #tpu.memory_space<vmem>> -> memref<100xi32, #tpu.memory_space<vmem>>
        %dma_wait3A_238 = arith.constant 0 : i32
        %dma_wait3A_239 = arith.constant 0 : i32
        %dma_wait3A_240 = tpu.memref_slice %arg4[%dma_wait3A_238, %dma_wait3A_239] : memref<100000x64xf32, #tpu.memory_space<hbm>> -> memref<100000x64xf32, #tpu.memory_space<hbm>>
        tpu.wait_indirect_dma semaphore(%arg14 : memref<!tpu.dma_semaphore, #tpu.memory_space<semaphore_mem>>) src(%dma_wait3A_240 : memref<100000x64xf32, #tpu.memory_space<hbm>>) dst(%dma_wait3A_234 : memref<100x64xf32, #tpu.memory_space<vmem>>)
        %mul3A_241 = arith.constant 200 : i32
        %mul3A_242 = arith.muli %add3A_185, %mul3A_241 : i32
        %convert_element_type3A_243 = arith.extui %eq3A_58 : i1 to i32
        %cond3A_244 = arith.constant 0 : i32
        %cond3A_245 = arith.cmpi ne, %convert_element_type3A_243, %cond3A_244 : i32
        scf.if %cond3A_245 {
          %scan3A_431 = arith.constant 0 : i32
          %scan3A_432 = arith.constant 0 : i32
          %scan3A_433 = arith.constant 200 : i32
          %scan3A_434 = arith.addi %scan3A_432, %scan3A_433 : i32
          %scan3A_435 = arith.constant 1 : i32
          scf.for %scan3A_437 = %scan3A_432 to %scan3A_434 step %scan3A_435  : i32 {
            %add3A_438 = arith.addi %mul3A_242, %scan3A_437 : i32
            %get3A = arith.index_cast %add3A_438 : i32 to index
            %get3A_439 = tpu.vector_load %arg8[%get3A] {strides = array<i32>} : memref<9616xi32, #tpu.memory_space<vmem>>, vector<16xi32>,
            %get3A_440 = vector.shape_cast %get3A_439 : vector<16xi32> to vector<16xi32>
            %slice3A_441 = vector.extract_strided_slice %get3A_440 {offsets = [0], sizes = [1], strides = [1]} : vector<16xi32> to vector<1xi32>
            %squeeze3A_442 = vector.extract %slice3A_441[0] : i32 from vector<1xi32>
            %eq3A_443 = arith.constant 0 : i32
            %eq3A_444 = arith.cmpi eq, %squeeze3A_442, %eq3A_443 : i32
            %convert_element_type3A_445 = arith.extui %eq3A_444 : i1 to i32
            %cond3A_446 = arith.constant 0 : i32
            %cond3A_447 = arith.cmpi ne, %convert_element_type3A_445, %cond3A_446 : i32
            scf.if %cond3A_447 {
              %broadcast_in_dim3A_448 = arith.constant 0.000000e+00 : f32
              %broadcast_in_dim3A_449 = vector.broadcast %broadcast_in_dim3A_448 : f32 to vector<16xf32>
              %swap3A = arith.index_cast %scan3A_437 : i32 to index
              %swap3A_450 = arith.constant 0 : index
              %swap3A_451 = tpu.vector_load %arg10[%swap3A, %swap3A_450] {strides = array<i32>} : memref<200x64xf32, #tpu.memory_space<vmem>>, vector<1x16xf32>,
              %swap3A_452 = vector.shape_cast %swap3A_451 : vector<1x16xf32> to vector<16xf32>
              %swap3A_453 = vector.shape_cast %broadcast_in_dim3A_449 : vector<16xf32> to vector<1x16xf32>
              tpu.vector_store %arg10[%swap3A, %swap3A_450], %swap3A_453 {strides = array<i32>} : memref<200x64xf32, #tpu.memory_space<vmem>>, vector<1x16xf32>,
              %swap3A_454 = arith.index_cast %scan3A_437 : i32 to index
              %swap3A_455 = arith.constant 16 : index
              %swap3A_456 = tpu.vector_load %arg10[%swap3A_454, %swap3A_455] {strides = array<i32>} : memref<200x64xf32, #tpu.memory_space<vmem>>, vector<1x16xf32>,
              %swap3A_457 = vector.shape_cast %swap3A_456 : vector<1x16xf32> to vector<16xf32>
              %swap3A_458 = vector.shape_cast %broadcast_in_dim3A_449 : vector<16xf32> to vector<1x16xf32>
              tpu.vector_store %arg10[%swap3A_454, %swap3A_455], %swap3A_458 {strides = array<i32>} : memref<200x64xf32, #tpu.memory_space<vmem>>, vector<1x16xf32>,
              %swap3A_459 = arith.index_cast %scan3A_437 : i32 to index
              %swap3A_460 = arith.constant 32 : index
              %swap3A_461 = tpu.vector_load %arg10[%swap3A_459, %swap3A_460] {strides = array<i32>} : memref<200x64xf32, #tpu.memory_space<vmem>>, vector<1x16xf32>,
              %swap3A_462 = vector.shape_cast %swap3A_461 : vector<1x16xf32> to vector<16xf32>
              %swap3A_463 = vector.shape_cast %broadcast_in_dim3A_449 : vector<16xf32> to vector<1x16xf32>
              tpu.vector_store %arg10[%swap3A_459, %swap3A_460], %swap3A_463 {strides = array<i32>} : memref<200x64xf32, #tpu.memory_space<vmem>>, vector<1x16xf32>,
              %swap3A_464 = arith.index_cast %scan3A_437 : i32 to index
              %swap3A_465 = arith.constant 48 : index
              %swap3A_466 = tpu.vector_load %arg10[%swap3A_464, %swap3A_465] {strides = array<i32>} : memref<200x64xf32, #tpu.memory_space<vmem>>, vector<1x16xf32>,
              %swap3A_467 = vector.shape_cast %swap3A_466 : vector<1x16xf32> to vector<16xf32>
              %swap3A_468 = vector.shape_cast %broadcast_in_dim3A_449 : vector<16xf32> to vector<1x16xf32>
              tpu.vector_store %arg10[%swap3A_464, %swap3A_465], %swap3A_468 {strides = array<i32>} : memref<200x64xf32, #tpu.memory_space<vmem>>, vector<1x16xf32>,
            } else {
            }
          }
          %scan3A_436 = arith.constant 200 : i32
        } else {
        }
        %scan3A_246 = arith.constant 0 : i32
        %scan3A_247 = arith.constant 0 : i32
        %scan3A_248 = arith.constant 200 : i32
        %scan3A_249 = arith.addi %scan3A_247, %scan3A_248 : i32
        %scan3A_250 = arith.constant 1 : i32
        scf.for %scan3A_431 = %scan3A_247 to %scan3A_249 step %scan3A_250  : i32 {
          %get3A = arith.index_cast %scan3A_431 : i32 to index
          %get3A_432 = arith.constant 0 : index
          %get3A_433 = tpu.vector_load %arg10[%get3A, %get3A_432] {strides = array<i32>} : memref<200x64xf32, #tpu.memory_space<vmem>>, vector<1x16xf32>,
          %get3A_434 = vector.shape_cast %get3A_433 : vector<1x16xf32> to vector<16xf32>
          %get3A_435 = arith.index_cast %scan3A_431 : i32 to index
          %get3A_436 = arith.constant 0 : index
          %get3A_437 = tpu.vector_load %arg9[%get3A_435, %get3A_436] {strides = array<i32>} : memref<200x64xf32, #tpu.memory_space<vmem>>, vector<1x16xf32>,
          %get3A_438 = vector.shape_cast %get3A_437 : vector<1x16xf32> to vector<16xf32>
          %add3A_439 = arith.addf %get3A_434, %get3A_438 : vector<16xf32>
          %swap3A = arith.index_cast %scan3A_431 : i32 to index
          %swap3A_440 = arith.constant 0 : index
          %swap3A_441 = tpu.vector_load %arg10[%swap3A, %swap3A_440] {strides = array<i32>} : memref<200x64xf32, #tpu.memory_space<vmem>>, vector<1x16xf32>,
          %swap3A_442 = vector.shape_cast %swap3A_441 : vector<1x16xf32> to vector<16xf32>
          %swap3A_443 = vector.shape_cast %add3A_439 : vector<16xf32> to vector<1x16xf32>
          tpu.vector_store %arg10[%swap3A, %swap3A_440], %swap3A_443 {strides = array<i32>} : memref<200x64xf32, #tpu.memory_space<vmem>>, vector<1x16xf32>,
          %get3A_444 = arith.index_cast %scan3A_431 : i32 to index
          %get3A_445 = arith.constant 16 : index
          %get3A_446 = tpu.vector_load %arg10[%get3A_444, %get3A_445] {strides = array<i32>} : memref<200x64xf32, #tpu.memory_space<vmem>>, vector<1x16xf32>,
          %get3A_447 = vector.shape_cast %get3A_446 : vector<1x16xf32> to vector<16xf32>
          %get3A_448 = arith.index_cast %scan3A_431 : i32 to index
          %get3A_449 = arith.constant 16 : index
          %get3A_450 = tpu.vector_load %arg9[%get3A_448, %get3A_449] {strides = array<i32>} : memref<200x64xf32, #tpu.memory_space<vmem>>, vector<1x16xf32>,
          %get3A_451 = vector.shape_cast %get3A_450 : vector<1x16xf32> to vector<16xf32>
          %add3A_452 = arith.addf %get3A_447, %get3A_451 : vector<16xf32>
          %swap3A_453 = arith.index_cast %scan3A_431 : i32 to index
          %swap3A_454 = arith.constant 16 : index
          %swap3A_455 = tpu.vector_load %arg10[%swap3A_453, %swap3A_454] {strides = array<i32>} : memref<200x64xf32, #tpu.memory_space<vmem>>, vector<1x16xf32>,
          %swap3A_456 = vector.shape_cast %swap3A_455 : vector<1x16xf32> to vector<16xf32>
          %swap3A_457 = vector.shape_cast %add3A_452 : vector<16xf32> to vector<1x16xf32>
          tpu.vector_store %arg10[%swap3A_453, %swap3A_454], %swap3A_457 {strides = array<i32>} : memref<200x64xf32, #tpu.memory_space<vmem>>, vector<1x16xf32>,
          %get3A_458 = arith.index_cast %scan3A_431 : i32 to index
          %get3A_459 = arith.constant 32 : index
          %get3A_460 = tpu.vector_load %arg10[%get3A_458, %get3A_459] {strides = array<i32>} : memref<200x64xf32, #tpu.memory_space<vmem>>, vector<1x16xf32>,
          %get3A_461 = vector.shape_cast %get3A_460 : vector<1x16xf32> to vector<16xf32>
          %get3A_462 = arith.index_cast %scan3A_431 : i32 to index
          %get3A_463 = arith.constant 32 : index
          %get3A_464 = tpu.vector_load %arg9[%get3A_462, %get3A_463] {strides = array<i32>} : memref<200x64xf32, #tpu.memory_space<vmem>>, vector<1x16xf32>,
          %get3A_465 = vector.shape_cast %get3A_464 : vector<1x16xf32> to vector<16xf32>
          %add3A_466 = arith.addf %get3A_461, %get3A_465 : vector<16xf32>
          %swap3A_467 = arith.index_cast %scan3A_431 : i32 to index
          %swap3A_468 = arith.constant 32 : index
          %swap3A_469 = tpu.vector_load %arg10[%swap3A_467, %swap3A_468] {strides = array<i32>} : memref<200x64xf32, #tpu.memory_space<vmem>>, vector<1x16xf32>,
          %swap3A_470 = vector.shape_cast %swap3A_469 : vector<1x16xf32> to vector<16xf32>
          %swap3A_471 = vector.shape_cast %add3A_466 : vector<16xf32> to vector<1x16xf32>
          tpu.vector_store %arg10[%swap3A_467, %swap3A_468], %swap3A_471 {strides = array<i32>} : memref<200x64xf32, #tpu.memory_space<vmem>>, vector<1x16xf32>,
          %get3A_472 = arith.index_cast %scan3A_431 : i32 to index
          %get3A_473 = arith.constant 48 : index
          %get3A_474 = tpu.vector_load %arg10[%get3A_472, %get3A_473] {strides = array<i32>} : memref<200x64xf32, #tpu.memory_space<vmem>>, vector<1x16xf32>,
          %get3A_475 = vector.shape_cast %get3A_474 : vector<1x16xf32> to vector<16xf32>
          %get3A_476 = arith.index_cast %scan3A_431 : i32 to index
          %get3A_477 = arith.constant 48 : index
          %get3A_478 = tpu.vector_load %arg9[%get3A_476, %get3A_477] {strides = array<i32>} : memref<200x64xf32, #tpu.memory_space<vmem>>, vector<1x16xf32>,
          %get3A_479 = vector.shape_cast %get3A_478 : vector<1x16xf32> to vector<16xf32>
          %add3A_480 = arith.addf %get3A_475, %get3A_479 : vector<16xf32>
          %swap3A_481 = arith.index_cast %scan3A_431 : i32 to index
          %swap3A_482 = arith.constant 48 : index
          %swap3A_483 = tpu.vector_load %arg10[%swap3A_481, %swap3A_482] {strides = array<i32>} : memref<200x64xf32, #tpu.memory_space<vmem>>, vector<1x16xf32>,
          %swap3A_484 = vector.shape_cast %swap3A_483 : vector<1x16xf32> to vector<16xf32>
          %swap3A_485 = vector.shape_cast %add3A_480 : vector<16xf32> to vector<1x16xf32>
          tpu.vector_store %arg10[%swap3A_481, %swap3A_482], %swap3A_485 {strides = array<i32>} : memref<200x64xf32, #tpu.memory_space<vmem>>, vector<1x16xf32>,
        }
        %scan3A_251 = arith.constant 200 : i32
        %add3A_252 = arith.addi %add3A, %add3A_185 : i32
        %dma_start3A_253 = arith.constant 0 : i32
        %dma_start3A_254 = arith.constant 0 : i32
        %dma_start3A_255 = tpu.memref_slice %arg6[%add3A_252, %dma_start3A_253, %dma_start3A_254] : memref<1024x200x64xf32, #tpu.memory_space<hbm>> -> memref<1x200x64xf32, #tpu.memory_space<hbm>>
        %dma_start3A_256 = tpu.memref_squeeze %dma_start3A_255 : memref<1x200x64xf32, #tpu.memory_space<hbm>> -> memref<200x64xf32, #tpu.memory_space<hbm>>
        %dma_start3A_257 = arith.constant 0 : i32
        %dma_start3A_258 = arith.constant 0 : i32
        %dma_start3A_259 = tpu.memref_slice %arg6[%add3A_252, %dma_start3A_257, %dma_start3A_258] : memref<1024x200x64xf32, #tpu.memory_space<hbm>> -> memref<1x200x64xf32, #tpu.memory_space<hbm>>
        %dma_start3A_260 = tpu.memref_squeeze %dma_start3A_259 : memref<1x200x64xf32, #tpu.memory_space<hbm>> -> memref<200x64xf32, #tpu.memory_space<hbm>>
        tpu.enqueue_dma source(%arg10 : memref<200x64xf32, #tpu.memory_space<vmem>>) target(%dma_start3A_260 : memref<200x64xf32, #tpu.memory_space<hbm>>) target_semaphore(%arg18 : memref<!tpu.dma_semaphore, #tpu.memory_space<semaphore_mem>>)
        %mul3A_261 = arith.constant 4 : i32
        %mul3A_262 = arith.muli %mul3A_261, %scan3A_181 : i32
        %add3A_263 = arith.constant 1 : i32
        %add3A_264 = arith.addi %mul3A_262, %add3A_263 : i32
        %add3A_265 = arith.constant 4 : i32
        %add3A_266 = arith.addi %add3A_264, %add3A_265 : i32
        %sub3A_267 = arith.constant 1 : i32
        %sub3A_268 = arith.subi %add3A_266, %sub3A_267 : i32
        %lt3A = arith.constant 11 : i32
        %lt3A_269 = arith.cmpi slt, %scan3A_181, %lt3A : i32
        %convert_element_type3A_270 = arith.extui %lt3A_269 : i1 to i32
        %cond3A_271 = arith.constant 0 : i32
        %cond3A_272 = arith.cmpi ne, %convert_element_type3A_270, %cond3A_271 : i32
        scf.if %cond3A_272 {
          %sub3A_431 = arith.constant 4 : i32
          %sub3A_432 = arith.subi %sub3A_268, %sub3A_431 : i32
          %add3A_433 = arith.addi %add3A, %sub3A_432 : i32
          %dma_wait3A_434 = arith.constant 0 : i32
          %dma_wait3A_435 = arith.constant 0 : i32
          %dma_wait3A_436 = tpu.memref_slice %arg6[%add3A_433, %dma_wait3A_434, %dma_wait3A_435] : memref<1024x200x64xf32, #tpu.memory_space<hbm>> -> memref<1x200x64xf32, #tpu.memory_space<hbm>>
          %dma_wait3A_437 = tpu.memref_squeeze %dma_wait3A_436 : memref<1x200x64xf32, #tpu.memory_space<hbm>> -> memref<200x64xf32, #tpu.memory_space<hbm>>
          %dma_wait3A_438 = arith.constant 0 : i32
          %dma_wait3A_439 = arith.constant 0 : i32
          %dma_wait3A_440 = tpu.memref_slice %arg6[%add3A_433, %dma_wait3A_438, %dma_wait3A_439] : memref<1024x200x64xf32, #tpu.memory_space<hbm>> -> memref<1x200x64xf32, #tpu.memory_space<hbm>>
          %dma_wait3A_441 = tpu.memref_squeeze %dma_wait3A_440 : memref<1x200x64xf32, #tpu.memory_space<hbm>> -> memref<200x64xf32, #tpu.memory_space<hbm>>
          tpu.wait_dma2 semaphore(%arg18 : memref<!tpu.dma_semaphore, #tpu.memory_space<semaphore_mem>>) src(%arg10 : memref<200x64xf32, #tpu.memory_space<vmem>>) dst(%dma_wait3A_441 : memref<200x64xf32, #tpu.memory_space<hbm>>)
          %mul3A_442 = arith.constant 2 : i32
          %mul3A_443 = arith.muli %mul3A_442, %sub3A_268 : i32
          %mul3A_444 = arith.constant 2 : i32
          %mul3A_445 = arith.muli %mul3A_444, %sub3A_268 : i32
          %add3A_446 = arith.constant 1 : i32
          %add3A_447 = arith.addi %mul3A_445, %add3A_446 : i32
          %dma_start3A_448 = arith.constant 0 : i32
          %dma_start3A_449 = arith.constant 0 : i32
          %dma_start3A_450 = tpu.memref_slice %arg10[%dma_start3A_448, %dma_start3A_449] : memref<200x64xf32, #tpu.memory_space<vmem>> -> memref<100x64xf32, #tpu.memory_space<vmem>>
          %dma_start3A_451 = arith.constant 0 : i32
          %dma_start3A_452 = tpu.memref_slice %arg7[%mul3A_443, %dma_start3A_451] : memref<96x100xi32, #tpu.memory_space<vmem>> -> memref<1x100xi32, #tpu.memory_space<vmem>>
          %dma_start3A_453 = tpu.memref_squeeze %dma_start3A_452 : memref<1x100xi32, #tpu.memory_space<vmem>> -> memref<100xi32, #tpu.memory_space<vmem>>
          %dma_start3A_454 = arith.constant 0 : i32
          %dma_start3A_455 = arith.constant 0 : i32
          %dma_start3A_456 = tpu.memref_slice %arg4[%dma_start3A_454, %dma_start3A_455] : memref<100000x64xf32, #tpu.memory_space<hbm>> -> memref<100000x64xf32, #tpu.memory_space<hbm>>
          tpu.enqueue_indirect_dma source(%dma_start3A_456 : memref<100000x64xf32, #tpu.memory_space<hbm>>) target(%dma_start3A_450 : memref<100x64xf32, #tpu.memory_space<vmem>>) offsets(%dma_start3A_453 : memref<100xi32, #tpu.memory_space<vmem>>) semaphore(%arg14 : memref<!tpu.dma_semaphore, #tpu.memory_space<semaphore_mem>>)
          %dma_start3A_457 = arith.constant 100 : i32
          %dma_start3A_458 = arith.constant 0 : i32
          %dma_start3A_459 = tpu.memref_slice %arg10[%dma_start3A_457, %dma_start3A_458] : memref<200x64xf32, #tpu.memory_space<vmem>> -> memref<100x64xf32, #tpu.memory_space<vmem>>
          %dma_start3A_460 = arith.constant 0 : i32
          %dma_start3A_461 = tpu.memref_slice %arg7[%add3A_447, %dma_start3A_460] : memref<96x100xi32, #tpu.memory_space<vmem>> -> memref<1x100xi32, #tpu.memory_space<vmem>>
          %dma_start3A_462 = tpu.memref_squeeze %dma_start3A_461 : memref<1x100xi32, #tpu.memory_space<vmem>> -> memref<100xi32, #tpu.memory_space<vmem>>
          %dma_start3A_463 = arith.constant 0 : i32
          %dma_start3A_464 = arith.constant 0 : i32
          %dma_start3A_465 = tpu.memref_slice %arg4[%dma_start3A_463, %dma_start3A_464] : memref<100000x64xf32, #tpu.memory_space<hbm>> -> memref<100000x64xf32, #tpu.memory_space<hbm>>
          tpu.enqueue_indirect_dma source(%dma_start3A_465 : memref<100000x64xf32, #tpu.memory_space<hbm>>) target(%dma_start3A_459 : memref<100x64xf32, #tpu.memory_space<vmem>>) offsets(%dma_start3A_462 : memref<100xi32, #tpu.memory_space<vmem>>) semaphore(%arg14 : memref<!tpu.dma_semaphore, #tpu.memory_space<semaphore_mem>>)
        } else {
        }
        %mul3A_273 = arith.constant 2 : i32
        %mul3A_274 = arith.muli %mul3A_273, %add3A_264 : i32
        %mul3A_275 = arith.constant 2 : i32
        %mul3A_276 = arith.muli %mul3A_275, %add3A_264 : i32
        %add3A_277 = arith.constant 1 : i32
        %add3A_278 = arith.addi %mul3A_276, %add3A_277 : i32
        %dma_wait3A_279 = arith.constant 0 : i32
        %dma_wait3A_280 = arith.constant 0 : i32
        %dma_wait3A_281 = tpu.memref_slice %arg11[%dma_wait3A_279, %dma_wait3A_280] : memref<200x64xf32, #tpu.memory_space<vmem>> -> memref<100x64xf32, #tpu.memory_space<vmem>>
        %dma_wait3A_282 = arith.constant 0 : i32
        %dma_wait3A_283 = tpu.memref_slice %arg7[%mul3A_274, %dma_wait3A_282] : memref<96x100xi32, #tpu.memory_space<vmem>> -> memref<1x100xi32, #tpu.memory_space<vmem>>
        %dma_wait3A_284 = tpu.memref_squeeze %dma_wait3A_283 : memref<1x100xi32, #tpu.memory_space<vmem>> -> memref<100xi32, #tpu.memory_space<vmem>>
        %dma_wait3A_285 = arith.constant 0 : i32
        %dma_wait3A_286 = arith.constant 0 : i32
        %dma_wait3A_287 = tpu.memref_slice %arg4[%dma_wait3A_285, %dma_wait3A_286] : memref<100000x64xf32, #tpu.memory_space<hbm>> -> memref<100000x64xf32, #tpu.memory_space<hbm>>
        tpu.wait_indirect_dma semaphore(%arg15 : memref<!tpu.dma_semaphore, #tpu.memory_space<semaphore_mem>>) src(%dma_wait3A_287 : memref<100000x64xf32, #tpu.memory_space<hbm>>) dst(%dma_wait3A_281 : memref<100x64xf32, #tpu.memory_space<vmem>>)
        %dma_wait3A_288 = arith.constant 100 : i32
        %dma_wait3A_289 = arith.constant 0 : i32
        %dma_wait3A_290 = tpu.memref_slice %arg11[%dma_wait3A_288, %dma_wait3A_289] : memref<200x64xf32, #tpu.memory_space<vmem>> -> memref<100x64xf32, #tpu.memory_space<vmem>>
        %dma_wait3A_291 = arith.constant 0 : i32
        %dma_wait3A_292 = tpu.memref_slice %arg7[%add3A_278, %dma_wait3A_291] : memref<96x100xi32, #tpu.memory_space<vmem>> -> memref<1x100xi32, #tpu.memory_space<vmem>>
        %dma_wait3A_293 = tpu.memref_squeeze %dma_wait3A_292 : memref<1x100xi32, #tpu.memory_space<vmem>> -> memref<100xi32, #tpu.memory_space<vmem>>
        %dma_wait3A_294 = arith.constant 0 : i32
        %dma_wait3A_295 = arith.constant 0 : i32
        %dma_wait3A_296 = tpu.memref_slice %arg4[%dma_wait3A_294, %dma_wait3A_295] : memref<100000x64xf32, #tpu.memory_space<hbm>> -> memref<100000x64xf32, #tpu.memory_space<hbm>>
        tpu.wait_indirect_dma semaphore(%arg15 : memref<!tpu.dma_semaphore, #tpu.memory_space<semaphore_mem>>) src(%dma_wait3A_296 : memref<100000x64xf32, #tpu.memory_space<hbm>>) dst(%dma_wait3A_290 : memref<100x64xf32, #tpu.memory_space<vmem>>)
        %mul3A_297 = arith.constant 200 : i32
        %mul3A_298 = arith.muli %add3A_264, %mul3A_297 : i32
        %convert_element_type3A_299 = arith.extui %eq3A_58 : i1 to i32
        %cond3A_300 = arith.constant 0 : i32
        %cond3A_301 = arith.cmpi ne, %convert_element_type3A_299, %cond3A_300 : i32
        scf.if %cond3A_301 {
          %scan3A_431 = arith.constant 0 : i32
          %scan3A_432 = arith.constant 0 : i32
          %scan3A_433 = arith.constant 200 : i32
          %scan3A_434 = arith.addi %scan3A_432, %scan3A_433 : i32
          %scan3A_435 = arith.constant 1 : i32
          scf.for %scan3A_437 = %scan3A_432 to %scan3A_434 step %scan3A_435  : i32 {
            %add3A_438 = arith.addi %mul3A_298, %scan3A_437 : i32
            %get3A = arith.index_cast %add3A_438 : i32 to index
            %get3A_439 = tpu.vector_load %arg8[%get3A] {strides = array<i32>} : memref<9616xi32, #tpu.memory_space<vmem>>, vector<16xi32>,
            %get3A_440 = vector.shape_cast %get3A_439 : vector<16xi32> to vector<16xi32>
            %slice3A_441 = vector.extract_strided_slice %get3A_440 {offsets = [0], sizes = [1], strides = [1]} : vector<16xi32> to vector<1xi32>
            %squeeze3A_442 = vector.extract %slice3A_441[0] : i32 from vector<1xi32>
            %eq3A_443 = arith.constant 0 : i32
            %eq3A_444 = arith.cmpi eq, %squeeze3A_442, %eq3A_443 : i32
            %convert_element_type3A_445 = arith.extui %eq3A_444 : i1 to i32
            %cond3A_446 = arith.constant 0 : i32
            %cond3A_447 = arith.cmpi ne, %convert_element_type3A_445, %cond3A_446 : i32
            scf.if %cond3A_447 {
              %broadcast_in_dim3A_448 = arith.constant 0.000000e+00 : f32
              %broadcast_in_dim3A_449 = vector.broadcast %broadcast_in_dim3A_448 : f32 to vector<16xf32>
              %swap3A = arith.index_cast %scan3A_437 : i32 to index
              %swap3A_450 = arith.constant 0 : index
              %swap3A_451 = tpu.vector_load %arg11[%swap3A, %swap3A_450] {strides = array<i32>} : memref<200x64xf32, #tpu.memory_space<vmem>>, vector<1x16xf32>,
              %swap3A_452 = vector.shape_cast %swap3A_451 : vector<1x16xf32> to vector<16xf32>
              %swap3A_453 = vector.shape_cast %broadcast_in_dim3A_449 : vector<16xf32> to vector<1x16xf32>
              tpu.vector_store %arg11[%swap3A, %swap3A_450], %swap3A_453 {strides = array<i32>} : memref<200x64xf32, #tpu.memory_space<vmem>>, vector<1x16xf32>,
              %swap3A_454 = arith.index_cast %scan3A_437 : i32 to index
              %swap3A_455 = arith.constant 16 : index
              %swap3A_456 = tpu.vector_load %arg11[%swap3A_454, %swap3A_455] {strides = array<i32>} : memref<200x64xf32, #tpu.memory_space<vmem>>, vector<1x16xf32>,
              %swap3A_457 = vector.shape_cast %swap3A_456 : vector<1x16xf32> to vector<16xf32>
              %swap3A_458 = vector.shape_cast %broadcast_in_dim3A_449 : vector<16xf32> to vector<1x16xf32>
              tpu.vector_store %arg11[%swap3A_454, %swap3A_455], %swap3A_458 {strides = array<i32>} : memref<200x64xf32, #tpu.memory_space<vmem>>, vector<1x16xf32>,
              %swap3A_459 = arith.index_cast %scan3A_437 : i32 to index
              %swap3A_460 = arith.constant 32 : index
              %swap3A_461 = tpu.vector_load %arg11[%swap3A_459, %swap3A_460] {strides = array<i32>} : memref<200x64xf32, #tpu.memory_space<vmem>>, vector<1x16xf32>,
              %swap3A_462 = vector.shape_cast %swap3A_461 : vector<1x16xf32> to vector<16xf32>
              %swap3A_463 = vector.shape_cast %broadcast_in_dim3A_449 : vector<16xf32> to vector<1x16xf32>
              tpu.vector_store %arg11[%swap3A_459, %swap3A_460], %swap3A_463 {strides = array<i32>} : memref<200x64xf32, #tpu.memory_space<vmem>>, vector<1x16xf32>,
              %swap3A_464 = arith.index_cast %scan3A_437 : i32 to index
              %swap3A_465 = arith.constant 48 : index
              %swap3A_466 = tpu.vector_load %arg11[%swap3A_464, %swap3A_465] {strides = array<i32>} : memref<200x64xf32, #tpu.memory_space<vmem>>, vector<1x16xf32>,
              %swap3A_467 = vector.shape_cast %swap3A_466 : vector<1x16xf32> to vector<16xf32>
              %swap3A_468 = vector.shape_cast %broadcast_in_dim3A_449 : vector<16xf32> to vector<1x16xf32>
              tpu.vector_store %arg11[%swap3A_464, %swap3A_465], %swap3A_468 {strides = array<i32>} : memref<200x64xf32, #tpu.memory_space<vmem>>, vector<1x16xf32>,
            } else {
            }
          }
          %scan3A_436 = arith.constant 200 : i32
        } else {
        }
        %scan3A_302 = arith.constant 0 : i32
        %scan3A_303 = arith.constant 0 : i32
        %scan3A_304 = arith.constant 200 : i32
        %scan3A_305 = arith.addi %scan3A_303, %scan3A_304 : i32
        %scan3A_306 = arith.constant 1 : i32
        scf.for %scan3A_431 = %scan3A_303 to %scan3A_305 step %scan3A_306  : i32 {
          %get3A = arith.index_cast %scan3A_431 : i32 to index
          %get3A_432 = arith.constant 0 : index
          %get3A_433 = tpu.vector_load %arg11[%get3A, %get3A_432] {strides = array<i32>} : memref<200x64xf32, #tpu.memory_space<vmem>>, vector<1x16xf32>,
          %get3A_434 = vector.shape_cast %get3A_433 : vector<1x16xf32> to vector<16xf32>
          %get3A_435 = arith.index_cast %scan3A_431 : i32 to index
          %get3A_436 = arith.constant 0 : index
          %get3A_437 = tpu.vector_load %arg9[%get3A_435, %get3A_436] {strides = array<i32>} : memref<200x64xf32, #tpu.memory_space<vmem>>, vector<1x16xf32>,
          %get3A_438 = vector.shape_cast %get3A_437 : vector<1x16xf32> to vector<16xf32>
          %add3A_439 = arith.addf %get3A_434, %get3A_438 : vector<16xf32>
          %swap3A = arith.index_cast %scan3A_431 : i32 to index
          %swap3A_440 = arith.constant 0 : index
          %swap3A_441 = tpu.vector_load %arg11[%swap3A, %swap3A_440] {strides = array<i32>} : memref<200x64xf32, #tpu.memory_space<vmem>>, vector<1x16xf32>,
          %swap3A_442 = vector.shape_cast %swap3A_441 : vector<1x16xf32> to vector<16xf32>
          %swap3A_443 = vector.shape_cast %add3A_439 : vector<16xf32> to vector<1x16xf32>
          tpu.vector_store %arg11[%swap3A, %swap3A_440], %swap3A_443 {strides = array<i32>} : memref<200x64xf32, #tpu.memory_space<vmem>>, vector<1x16xf32>,
          %get3A_444 = arith.index_cast %scan3A_431 : i32 to index
          %get3A_445 = arith.constant 16 : index
          %get3A_446 = tpu.vector_load %arg11[%get3A_444, %get3A_445] {strides = array<i32>} : memref<200x64xf32, #tpu.memory_space<vmem>>, vector<1x16xf32>,
          %get3A_447 = vector.shape_cast %get3A_446 : vector<1x16xf32> to vector<16xf32>
          %get3A_448 = arith.index_cast %scan3A_431 : i32 to index
          %get3A_449 = arith.constant 16 : index
          %get3A_450 = tpu.vector_load %arg9[%get3A_448, %get3A_449] {strides = array<i32>} : memref<200x64xf32, #tpu.memory_space<vmem>>, vector<1x16xf32>,
          %get3A_451 = vector.shape_cast %get3A_450 : vector<1x16xf32> to vector<16xf32>
          %add3A_452 = arith.addf %get3A_447, %get3A_451 : vector<16xf32>
          %swap3A_453 = arith.index_cast %scan3A_431 : i32 to index
          %swap3A_454 = arith.constant 16 : index
          %swap3A_455 = tpu.vector_load %arg11[%swap3A_453, %swap3A_454] {strides = array<i32>} : memref<200x64xf32, #tpu.memory_space<vmem>>, vector<1x16xf32>,
          %swap3A_456 = vector.shape_cast %swap3A_455 : vector<1x16xf32> to vector<16xf32>
          %swap3A_457 = vector.shape_cast %add3A_452 : vector<16xf32> to vector<1x16xf32>
          tpu.vector_store %arg11[%swap3A_453, %swap3A_454], %swap3A_457 {strides = array<i32>} : memref<200x64xf32, #tpu.memory_space<vmem>>, vector<1x16xf32>,
          %get3A_458 = arith.index_cast %scan3A_431 : i32 to index
          %get3A_459 = arith.constant 32 : index
          %get3A_460 = tpu.vector_load %arg11[%get3A_458, %get3A_459] {strides = array<i32>} : memref<200x64xf32, #tpu.memory_space<vmem>>, vector<1x16xf32>,
          %get3A_461 = vector.shape_cast %get3A_460 : vector<1x16xf32> to vector<16xf32>
          %get3A_462 = arith.index_cast %scan3A_431 : i32 to index
          %get3A_463 = arith.constant 32 : index
          %get3A_464 = tpu.vector_load %arg9[%get3A_462, %get3A_463] {strides = array<i32>} : memref<200x64xf32, #tpu.memory_space<vmem>>, vector<1x16xf32>,
          %get3A_465 = vector.shape_cast %get3A_464 : vector<1x16xf32> to vector<16xf32>
          %add3A_466 = arith.addf %get3A_461, %get3A_465 : vector<16xf32>
          %swap3A_467 = arith.index_cast %scan3A_431 : i32 to index
          %swap3A_468 = arith.constant 32 : index
          %swap3A_469 = tpu.vector_load %arg11[%swap3A_467, %swap3A_468] {strides = array<i32>} : memref<200x64xf32, #tpu.memory_space<vmem>>, vector<1x16xf32>,
          %swap3A_470 = vector.shape_cast %swap3A_469 : vector<1x16xf32> to vector<16xf32>
          %swap3A_471 = vector.shape_cast %add3A_466 : vector<16xf32> to vector<1x16xf32>
          tpu.vector_store %arg11[%swap3A_467, %swap3A_468], %swap3A_471 {strides = array<i32>} : memref<200x64xf32, #tpu.memory_space<vmem>>, vector<1x16xf32>,
          %get3A_472 = arith.index_cast %scan3A_431 : i32 to index
          %get3A_473 = arith.constant 48 : index
          %get3A_474 = tpu.vector_load %arg11[%get3A_472, %get3A_473] {strides = array<i32>} : memref<200x64xf32, #tpu.memory_space<vmem>>, vector<1x16xf32>,
          %get3A_475 = vector.shape_cast %get3A_474 : vector<1x16xf32> to vector<16xf32>
          %get3A_476 = arith.index_cast %scan3A_431 : i32 to index
          %get3A_477 = arith.constant 48 : index
          %get3A_478 = tpu.vector_load %arg9[%get3A_476, %get3A_477] {strides = array<i32>} : memref<200x64xf32, #tpu.memory_space<vmem>>, vector<1x16xf32>,
          %get3A_479 = vector.shape_cast %get3A_478 : vector<1x16xf32> to vector<16xf32>
          %add3A_480 = arith.addf %get3A_475, %get3A_479 : vector<16xf32>
          %swap3A_481 = arith.index_cast %scan3A_431 : i32 to index
          %swap3A_482 = arith.constant 48 : index
          %swap3A_483 = tpu.vector_load %arg11[%swap3A_481, %swap3A_482] {strides = array<i32>} : memref<200x64xf32, #tpu.memory_space<vmem>>, vector<1x16xf32>,
          %swap3A_484 = vector.shape_cast %swap3A_483 : vector<1x16xf32> to vector<16xf32>
          %swap3A_485 = vector.shape_cast %add3A_480 : vector<16xf32> to vector<1x16xf32>
          tpu.vector_store %arg11[%swap3A_481, %swap3A_482], %swap3A_485 {strides = array<i32>} : memref<200x64xf32, #tpu.memory_space<vmem>>, vector<1x16xf32>,
        }
        %scan3A_307 = arith.constant 200 : i32
        %add3A_308 = arith.addi %add3A, %add3A_264 : i32
        %dma_start3A_309 = arith.constant 0 : i32
        %dma_start3A_310 = arith.constant 0 : i32
        %dma_start3A_311 = tpu.memref_slice %arg6[%add3A_308, %dma_start3A_309, %dma_start3A_310] : memref<1024x200x64xf32, #tpu.memory_space<hbm>> -> memref<1x200x64xf32, #tpu.memory_space<hbm>>
        %dma_start3A_312 = tpu.memref_squeeze %dma_start3A_311 : memref<1x200x64xf32, #tpu.memory_space<hbm>> -> memref<200x64xf32, #tpu.memory_space<hbm>>
        %dma_start3A_313 = arith.constant 0 : i32
        %dma_start3A_314 = arith.constant 0 : i32
        %dma_start3A_315 = tpu.memref_slice %arg6[%add3A_308, %dma_start3A_313, %dma_start3A_314] : memref<1024x200x64xf32, #tpu.memory_space<hbm>> -> memref<1x200x64xf32, #tpu.memory_space<hbm>>
        %dma_start3A_316 = tpu.memref_squeeze %dma_start3A_315 : memref<1x200x64xf32, #tpu.memory_space<hbm>> -> memref<200x64xf32, #tpu.memory_space<hbm>>
        tpu.enqueue_dma source(%arg11 : memref<200x64xf32, #tpu.memory_space<vmem>>) target(%dma_start3A_316 : memref<200x64xf32, #tpu.memory_space<hbm>>) target_semaphore(%arg19 : memref<!tpu.dma_semaphore, #tpu.memory_space<semaphore_mem>>)
        %mul3A_317 = arith.constant 4 : i32
        %mul3A_318 = arith.muli %mul3A_317, %scan3A_181 : i32
        %add3A_319 = arith.constant 2 : i32
        %add3A_320 = arith.addi %mul3A_318, %add3A_319 : i32
        %add3A_321 = arith.constant 4 : i32
        %add3A_322 = arith.addi %add3A_320, %add3A_321 : i32
        %sub3A_323 = arith.constant 1 : i32
        %sub3A_324 = arith.subi %add3A_322, %sub3A_323 : i32
        %lt3A_325 = arith.constant 11 : i32
        %lt3A_326 = arith.cmpi slt, %scan3A_181, %lt3A_325 : i32
        %convert_element_type3A_327 = arith.extui %lt3A_326 : i1 to i32
        %cond3A_328 = arith.constant 0 : i32
        %cond3A_329 = arith.cmpi ne, %convert_element_type3A_327, %cond3A_328 : i32
        scf.if %cond3A_329 {
          %sub3A_431 = arith.constant 4 : i32
          %sub3A_432 = arith.subi %sub3A_324, %sub3A_431 : i32
          %add3A_433 = arith.addi %add3A, %sub3A_432 : i32
          %dma_wait3A_434 = arith.constant 0 : i32
          %dma_wait3A_435 = arith.constant 0 : i32
          %dma_wait3A_436 = tpu.memref_slice %arg6[%add3A_433, %dma_wait3A_434, %dma_wait3A_435] : memref<1024x200x64xf32, #tpu.memory_space<hbm>> -> memref<1x200x64xf32, #tpu.memory_space<hbm>>
          %dma_wait3A_437 = tpu.memref_squeeze %dma_wait3A_436 : memref<1x200x64xf32, #tpu.memory_space<hbm>> -> memref<200x64xf32, #tpu.memory_space<hbm>>
          %dma_wait3A_438 = arith.constant 0 : i32
          %dma_wait3A_439 = arith.constant 0 : i32
          %dma_wait3A_440 = tpu.memref_slice %arg6[%add3A_433, %dma_wait3A_438, %dma_wait3A_439] : memref<1024x200x64xf32, #tpu.memory_space<hbm>> -> memref<1x200x64xf32, #tpu.memory_space<hbm>>
          %dma_wait3A_441 = tpu.memref_squeeze %dma_wait3A_440 : memref<1x200x64xf32, #tpu.memory_space<hbm>> -> memref<200x64xf32, #tpu.memory_space<hbm>>
          tpu.wait_dma2 semaphore(%arg19 : memref<!tpu.dma_semaphore, #tpu.memory_space<semaphore_mem>>) src(%arg11 : memref<200x64xf32, #tpu.memory_space<vmem>>) dst(%dma_wait3A_441 : memref<200x64xf32, #tpu.memory_space<hbm>>)
          %mul3A_442 = arith.constant 2 : i32
          %mul3A_443 = arith.muli %mul3A_442, %sub3A_324 : i32
          %mul3A_444 = arith.constant 2 : i32
          %mul3A_445 = arith.muli %mul3A_444, %sub3A_324 : i32
          %add3A_446 = arith.constant 1 : i32
          %add3A_447 = arith.addi %mul3A_445, %add3A_446 : i32
          %dma_start3A_448 = arith.constant 0 : i32
          %dma_start3A_449 = arith.constant 0 : i32
          %dma_start3A_450 = tpu.memref_slice %arg11[%dma_start3A_448, %dma_start3A_449] : memref<200x64xf32, #tpu.memory_space<vmem>> -> memref<100x64xf32, #tpu.memory_space<vmem>>
          %dma_start3A_451 = arith.constant 0 : i32
          %dma_start3A_452 = tpu.memref_slice %arg7[%mul3A_443, %dma_start3A_451] : memref<96x100xi32, #tpu.memory_space<vmem>> -> memref<1x100xi32, #tpu.memory_space<vmem>>
          %dma_start3A_453 = tpu.memref_squeeze %dma_start3A_452 : memref<1x100xi32, #tpu.memory_space<vmem>> -> memref<100xi32, #tpu.memory_space<vmem>>
          %dma_start3A_454 = arith.constant 0 : i32
          %dma_start3A_455 = arith.constant 0 : i32
          %dma_start3A_456 = tpu.memref_slice %arg4[%dma_start3A_454, %dma_start3A_455] : memref<100000x64xf32, #tpu.memory_space<hbm>> -> memref<100000x64xf32, #tpu.memory_space<hbm>>
          tpu.enqueue_indirect_dma source(%dma_start3A_456 : memref<100000x64xf32, #tpu.memory_space<hbm>>) target(%dma_start3A_450 : memref<100x64xf32, #tpu.memory_space<vmem>>) offsets(%dma_start3A_453 : memref<100xi32, #tpu.memory_space<vmem>>) semaphore(%arg15 : memref<!tpu.dma_semaphore, #tpu.memory_space<semaphore_mem>>)
          %dma_start3A_457 = arith.constant 100 : i32
          %dma_start3A_458 = arith.constant 0 : i32
          %dma_start3A_459 = tpu.memref_slice %arg11[%dma_start3A_457, %dma_start3A_458] : memref<200x64xf32, #tpu.memory_space<vmem>> -> memref<100x64xf32, #tpu.memory_space<vmem>>
          %dma_start3A_460 = arith.constant 0 : i32
          %dma_start3A_461 = tpu.memref_slice %arg7[%add3A_447, %dma_start3A_460] : memref<96x100xi32, #tpu.memory_space<vmem>> -> memref<1x100xi32, #tpu.memory_space<vmem>>
          %dma_start3A_462 = tpu.memref_squeeze %dma_start3A_461 : memref<1x100xi32, #tpu.memory_space<vmem>> -> memref<100xi32, #tpu.memory_space<vmem>>
          %dma_start3A_463 = arith.constant 0 : i32
          %dma_start3A_464 = arith.constant 0 : i32
          %dma_start3A_465 = tpu.memref_slice %arg4[%dma_start3A_463, %dma_start3A_464] : memref<100000x64xf32, #tpu.memory_space<hbm>> -> memref<100000x64xf32, #tpu.memory_space<hbm>>
          tpu.enqueue_indirect_dma source(%dma_start3A_465 : memref<100000x64xf32, #tpu.memory_space<hbm>>) target(%dma_start3A_459 : memref<100x64xf32, #tpu.memory_space<vmem>>) offsets(%dma_start3A_462 : memref<100xi32, #tpu.memory_space<vmem>>) semaphore(%arg15 : memref<!tpu.dma_semaphore, #tpu.memory_space<semaphore_mem>>)
        } else {
        }
        %mul3A_330 = arith.constant 2 : i32
        %mul3A_331 = arith.muli %mul3A_330, %add3A_320 : i32
        %mul3A_332 = arith.constant 2 : i32
        %mul3A_333 = arith.muli %mul3A_332, %add3A_320 : i32
        %add3A_334 = arith.constant 1 : i32
        %add3A_335 = arith.addi %mul3A_333, %add3A_334 : i32
        %dma_wait3A_336 = arith.constant 0 : i32
        %dma_wait3A_337 = arith.constant 0 : i32
        %dma_wait3A_338 = tpu.memref_slice %arg12[%dma_wait3A_336, %dma_wait3A_337] : memref<200x64xf32, #tpu.memory_space<vmem>> -> memref<100x64xf32, #tpu.memory_space<vmem>>
        %dma_wait3A_339 = arith.constant 0 : i32
        %dma_wait3A_340 = tpu.memref_slice %arg7[%mul3A_331, %dma_wait3A_339] : memref<96x100xi32, #tpu.memory_space<vmem>> -> memref<1x100xi32, #tpu.memory_space<vmem>>
        %dma_wait3A_341 = tpu.memref_squeeze %dma_wait3A_340 : memref<1x100xi32, #tpu.memory_space<vmem>> -> memref<100xi32, #tpu.memory_space<vmem>>
        %dma_wait3A_342 = arith.constant 0 : i32
        %dma_wait3A_343 = arith.constant 0 : i32
        %dma_wait3A_344 = tpu.memref_slice %arg4[%dma_wait3A_342, %dma_wait3A_343] : memref<100000x64xf32, #tpu.memory_space<hbm>> -> memref<100000x64xf32, #tpu.memory_space<hbm>>
        tpu.wait_indirect_dma semaphore(%arg16 : memref<!tpu.dma_semaphore, #tpu.memory_space<semaphore_mem>>) src(%dma_wait3A_344 : memref<100000x64xf32, #tpu.memory_space<hbm>>) dst(%dma_wait3A_338 : memref<100x64xf32, #tpu.memory_space<vmem>>)
        %dma_wait3A_345 = arith.constant 100 : i32
        %dma_wait3A_346 = arith.constant 0 : i32
        %dma_wait3A_347 = tpu.memref_slice %arg12[%dma_wait3A_345, %dma_wait3A_346] : memref<200x64xf32, #tpu.memory_space<vmem>> -> memref<100x64xf32, #tpu.memory_space<vmem>>
        %dma_wait3A_348 = arith.constant 0 : i32
        %dma_wait3A_349 = tpu.memref_slice %arg7[%add3A_335, %dma_wait3A_348] : memref<96x100xi32, #tpu.memory_space<vmem>> -> memref<1x100xi32, #tpu.memory_space<vmem>>
        %dma_wait3A_350 = tpu.memref_squeeze %dma_wait3A_349 : memref<1x100xi32, #tpu.memory_space<vmem>> -> memref<100xi32, #tpu.memory_space<vmem>>
        %dma_wait3A_351 = arith.constant 0 : i32
        %dma_wait3A_352 = arith.constant 0 : i32
        %dma_wait3A_353 = tpu.memref_slice %arg4[%dma_wait3A_351, %dma_wait3A_352] : memref<100000x64xf32, #tpu.memory_space<hbm>> -> memref<100000x64xf32, #tpu.memory_space<hbm>>
        tpu.wait_indirect_dma semaphore(%arg16 : memref<!tpu.dma_semaphore, #tpu.memory_space<semaphore_mem>>) src(%dma_wait3A_353 : memref<100000x64xf32, #tpu.memory_space<hbm>>) dst(%dma_wait3A_347 : memref<100x64xf32, #tpu.memory_space<vmem>>)
        %mul3A_354 = arith.constant 200 : i32
        %mul3A_355 = arith.muli %add3A_320, %mul3A_354 : i32
        %convert_element_type3A_356 = arith.extui %eq3A_58 : i1 to i32
        %cond3A_357 = arith.constant 0 : i32
        %cond3A_358 = arith.cmpi ne, %convert_element_type3A_356, %cond3A_357 : i32
        scf.if %cond3A_358 {
          %scan3A_431 = arith.constant 0 : i32
          %scan3A_432 = arith.constant 0 : i32
          %scan3A_433 = arith.constant 200 : i32
          %scan3A_434 = arith.addi %scan3A_432, %scan3A_433 : i32
          %scan3A_435 = arith.constant 1 : i32
          scf.for %scan3A_437 = %scan3A_432 to %scan3A_434 step %scan3A_435  : i32 {
            %add3A_438 = arith.addi %mul3A_355, %scan3A_437 : i32
            %get3A = arith.index_cast %add3A_438 : i32 to index
            %get3A_439 = tpu.vector_load %arg8[%get3A] {strides = array<i32>} : memref<9616xi32, #tpu.memory_space<vmem>>, vector<16xi32>,
            %get3A_440 = vector.shape_cast %get3A_439 : vector<16xi32> to vector<16xi32>
            %slice3A_441 = vector.extract_strided_slice %get3A_440 {offsets = [0], sizes = [1], strides = [1]} : vector<16xi32> to vector<1xi32>
            %squeeze3A_442 = vector.extract %slice3A_441[0] : i32 from vector<1xi32>
            %eq3A_443 = arith.constant 0 : i32
            %eq3A_444 = arith.cmpi eq, %squeeze3A_442, %eq3A_443 : i32
            %convert_element_type3A_445 = arith.extui %eq3A_444 : i1 to i32
            %cond3A_446 = arith.constant 0 : i32
            %cond3A_447 = arith.cmpi ne, %convert_element_type3A_445, %cond3A_446 : i32
            scf.if %cond3A_447 {
              %broadcast_in_dim3A_448 = arith.constant 0.000000e+00 : f32
              %broadcast_in_dim3A_449 = vector.broadcast %broadcast_in_dim3A_448 : f32 to vector<16xf32>
              %swap3A = arith.index_cast %scan3A_437 : i32 to index
              %swap3A_450 = arith.constant 0 : index
              %swap3A_451 = tpu.vector_load %arg12[%swap3A, %swap3A_450] {strides = array<i32>} : memref<200x64xf32, #tpu.memory_space<vmem>>, vector<1x16xf32>,
              %swap3A_452 = vector.shape_cast %swap3A_451 : vector<1x16xf32> to vector<16xf32>
              %swap3A_453 = vector.shape_cast %broadcast_in_dim3A_449 : vector<16xf32> to vector<1x16xf32>
              tpu.vector_store %arg12[%swap3A, %swap3A_450], %swap3A_453 {strides = array<i32>} : memref<200x64xf32, #tpu.memory_space<vmem>>, vector<1x16xf32>,
              %swap3A_454 = arith.index_cast %scan3A_437 : i32 to index
              %swap3A_455 = arith.constant 16 : index
              %swap3A_456 = tpu.vector_load %arg12[%swap3A_454, %swap3A_455] {strides = array<i32>} : memref<200x64xf32, #tpu.memory_space<vmem>>, vector<1x16xf32>,
              %swap3A_457 = vector.shape_cast %swap3A_456 : vector<1x16xf32> to vector<16xf32>
              %swap3A_458 = vector.shape_cast %broadcast_in_dim3A_449 : vector<16xf32> to vector<1x16xf32>
              tpu.vector_store %arg12[%swap3A_454, %swap3A_455], %swap3A_458 {strides = array<i32>} : memref<200x64xf32, #tpu.memory_space<vmem>>, vector<1x16xf32>,
              %swap3A_459 = arith.index_cast %scan3A_437 : i32 to index
              %swap3A_460 = arith.constant 32 : index
              %swap3A_461 = tpu.vector_load %arg12[%swap3A_459, %swap3A_460] {strides = array<i32>} : memref<200x64xf32, #tpu.memory_space<vmem>>, vector<1x16xf32>,
              %swap3A_462 = vector.shape_cast %swap3A_461 : vector<1x16xf32> to vector<16xf32>
              %swap3A_463 = vector.shape_cast %broadcast_in_dim3A_449 : vector<16xf32> to vector<1x16xf32>
              tpu.vector_store %arg12[%swap3A_459, %swap3A_460], %swap3A_463 {strides = array<i32>} : memref<200x64xf32, #tpu.memory_space<vmem>>, vector<1x16xf32>,
              %swap3A_464 = arith.index_cast %scan3A_437 : i32 to index
              %swap3A_465 = arith.constant 48 : index
              %swap3A_466 = tpu.vector_load %arg12[%swap3A_464, %swap3A_465] {strides = array<i32>} : memref<200x64xf32, #tpu.memory_space<vmem>>, vector<1x16xf32>,
              %swap3A_467 = vector.shape_cast %swap3A_466 : vector<1x16xf32> to vector<16xf32>
              %swap3A_468 = vector.shape_cast %broadcast_in_dim3A_449 : vector<16xf32> to vector<1x16xf32>
              tpu.vector_store %arg12[%swap3A_464, %swap3A_465], %swap3A_468 {strides = array<i32>} : memref<200x64xf32, #tpu.memory_space<vmem>>, vector<1x16xf32>,
            } else {
            }
          }
          %scan3A_436 = arith.constant 200 : i32
        } else {
        }
        %scan3A_359 = arith.constant 0 : i32
        %scan3A_360 = arith.constant 0 : i32
        %scan3A_361 = arith.constant 200 : i32
        %scan3A_362 = arith.addi %scan3A_360, %scan3A_361 : i32
        %scan3A_363 = arith.constant 1 : i32
        scf.for %scan3A_431 = %scan3A_360 to %scan3A_362 step %scan3A_363  : i32 {
          %get3A = arith.index_cast %scan3A_431 : i32 to index
          %get3A_432 = arith.constant 0 : index
          %get3A_433 = tpu.vector_load %arg12[%get3A, %get3A_432] {strides = array<i32>} : memref<200x64xf32, #tpu.memory_space<vmem>>, vector<1x16xf32>,
          %get3A_434 = vector.shape_cast %get3A_433 : vector<1x16xf32> to vector<16xf32>
          %get3A_435 = arith.index_cast %scan3A_431 : i32 to index
          %get3A_436 = arith.constant 0 : index
          %get3A_437 = tpu.vector_load %arg9[%get3A_435, %get3A_436] {strides = array<i32>} : memref<200x64xf32, #tpu.memory_space<vmem>>, vector<1x16xf32>,
          %get3A_438 = vector.shape_cast %get3A_437 : vector<1x16xf32> to vector<16xf32>
          %add3A_439 = arith.addf %get3A_434, %get3A_438 : vector<16xf32>
          %swap3A = arith.index_cast %scan3A_431 : i32 to index
          %swap3A_440 = arith.constant 0 : index
          %swap3A_441 = tpu.vector_load %arg12[%swap3A, %swap3A_440] {strides = array<i32>} : memref<200x64xf32, #tpu.memory_space<vmem>>, vector<1x16xf32>,
          %swap3A_442 = vector.shape_cast %swap3A_441 : vector<1x16xf32> to vector<16xf32>
          %swap3A_443 = vector.shape_cast %add3A_439 : vector<16xf32> to vector<1x16xf32>
          tpu.vector_store %arg12[%swap3A, %swap3A_440], %swap3A_443 {strides = array<i32>} : memref<200x64xf32, #tpu.memory_space<vmem>>, vector<1x16xf32>,
          %get3A_444 = arith.index_cast %scan3A_431 : i32 to index
          %get3A_445 = arith.constant 16 : index
          %get3A_446 = tpu.vector_load %arg12[%get3A_444, %get3A_445] {strides = array<i32>} : memref<200x64xf32, #tpu.memory_space<vmem>>, vector<1x16xf32>,
          %get3A_447 = vector.shape_cast %get3A_446 : vector<1x16xf32> to vector<16xf32>
          %get3A_448 = arith.index_cast %scan3A_431 : i32 to index
          %get3A_449 = arith.constant 16 : index
          %get3A_450 = tpu.vector_load %arg9[%get3A_448, %get3A_449] {strides = array<i32>} : memref<200x64xf32, #tpu.memory_space<vmem>>, vector<1x16xf32>,
          %get3A_451 = vector.shape_cast %get3A_450 : vector<1x16xf32> to vector<16xf32>
          %add3A_452 = arith.addf %get3A_447, %get3A_451 : vector<16xf32>
          %swap3A_453 = arith.index_cast %scan3A_431 : i32 to index
          %swap3A_454 = arith.constant 16 : index
          %swap3A_455 = tpu.vector_load %arg12[%swap3A_453, %swap3A_454] {strides = array<i32>} : memref<200x64xf32, #tpu.memory_space<vmem>>, vector<1x16xf32>,
          %swap3A_456 = vector.shape_cast %swap3A_455 : vector<1x16xf32> to vector<16xf32>
          %swap3A_457 = vector.shape_cast %add3A_452 : vector<16xf32> to vector<1x16xf32>
          tpu.vector_store %arg12[%swap3A_453, %swap3A_454], %swap3A_457 {strides = array<i32>} : memref<200x64xf32, #tpu.memory_space<vmem>>, vector<1x16xf32>,
          %get3A_458 = arith.index_cast %scan3A_431 : i32 to index
          %get3A_459 = arith.constant 32 : index
          %get3A_460 = tpu.vector_load %arg12[%get3A_458, %get3A_459] {strides = array<i32>} : memref<200x64xf32, #tpu.memory_space<vmem>>, vector<1x16xf32>,
          %get3A_461 = vector.shape_cast %get3A_460 : vector<1x16xf32> to vector<16xf32>
          %get3A_462 = arith.index_cast %scan3A_431 : i32 to index
          %get3A_463 = arith.constant 32 : index
          %get3A_464 = tpu.vector_load %arg9[%get3A_462, %get3A_463] {strides = array<i32>} : memref<200x64xf32, #tpu.memory_space<vmem>>, vector<1x16xf32>,
          %get3A_465 = vector.shape_cast %get3A_464 : vector<1x16xf32> to vector<16xf32>
          %add3A_466 = arith.addf %get3A_461, %get3A_465 : vector<16xf32>
          %swap3A_467 = arith.index_cast %scan3A_431 : i32 to index
          %swap3A_468 = arith.constant 32 : index
          %swap3A_469 = tpu.vector_load %arg12[%swap3A_467, %swap3A_468] {strides = array<i32>} : memref<200x64xf32, #tpu.memory_space<vmem>>, vector<1x16xf32>,
          %swap3A_470 = vector.shape_cast %swap3A_469 : vector<1x16xf32> to vector<16xf32>
          %swap3A_471 = vector.shape_cast %add3A_466 : vector<16xf32> to vector<1x16xf32>
          tpu.vector_store %arg12[%swap3A_467, %swap3A_468], %swap3A_471 {strides = array<i32>} : memref<200x64xf32, #tpu.memory_space<vmem>>, vector<1x16xf32>,
          %get3A_472 = arith.index_cast %scan3A_431 : i32 to index
          %get3A_473 = arith.constant 48 : index
          %get3A_474 = tpu.vector_load %arg12[%get3A_472, %get3A_473] {strides = array<i32>} : memref<200x64xf32, #tpu.memory_space<vmem>>, vector<1x16xf32>,
          %get3A_475 = vector.shape_cast %get3A_474 : vector<1x16xf32> to vector<16xf32>
          %get3A_476 = arith.index_cast %scan3A_431 : i32 to index
          %get3A_477 = arith.constant 48 : index
          %get3A_478 = tpu.vector_load %arg9[%get3A_476, %get3A_477] {strides = array<i32>} : memref<200x64xf32, #tpu.memory_space<vmem>>, vector<1x16xf32>,
          %get3A_479 = vector.shape_cast %get3A_478 : vector<1x16xf32> to vector<16xf32>
          %add3A_480 = arith.addf %get3A_475, %get3A_479 : vector<16xf32>
          %swap3A_481 = arith.index_cast %scan3A_431 : i32 to index
          %swap3A_482 = arith.constant 48 : index
          %swap3A_483 = tpu.vector_load %arg12[%swap3A_481, %swap3A_482] {strides = array<i32>} : memref<200x64xf32, #tpu.memory_space<vmem>>, vector<1x16xf32>,
          %swap3A_484 = vector.shape_cast %swap3A_483 : vector<1x16xf32> to vector<16xf32>
          %swap3A_485 = vector.shape_cast %add3A_480 : vector<16xf32> to vector<1x16xf32>
          tpu.vector_store %arg12[%swap3A_481, %swap3A_482], %swap3A_485 {strides = array<i32>} : memref<200x64xf32, #tpu.memory_space<vmem>>, vector<1x16xf32>,
        }
        %scan3A_364 = arith.constant 200 : i32
        %add3A_365 = arith.addi %add3A, %add3A_320 : i32
        %dma_start3A_366 = arith.constant 0 : i32
        %dma_start3A_367 = arith.constant 0 : i32
        %dma_start3A_368 = tpu.memref_slice %arg6[%add3A_365, %dma_start3A_366, %dma_start3A_367] : memref<1024x200x64xf32, #tpu.memory_space<hbm>> -> memref<1x200x64xf32, #tpu.memory_space<hbm>>
        %dma_start3A_369 = tpu.memref_squeeze %dma_start3A_368 : memref<1x200x64xf32, #tpu.memory_space<hbm>> -> memref<200x64xf32, #tpu.memory_space<hbm>>
        %dma_start3A_370 = arith.constant 0 : i32
        %dma_start3A_371 = arith.constant 0 : i32
        %dma_start3A_372 = tpu.memref_slice %arg6[%add3A_365, %dma_start3A_370, %dma_start3A_371] : memref<1024x200x64xf32, #tpu.memory_space<hbm>> -> memref<1x200x64xf32, #tpu.memory_space<hbm>>
        %dma_start3A_373 = tpu.memref_squeeze %dma_start3A_372 : memref<1x200x64xf32, #tpu.memory_space<hbm>> -> memref<200x64xf32, #tpu.memory_space<hbm>>
        tpu.enqueue_dma source(%arg12 : memref<200x64xf32, #tpu.memory_space<vmem>>) target(%dma_start3A_373 : memref<200x64xf32, #tpu.memory_space<hbm>>) target_semaphore(%arg20 : memref<!tpu.dma_semaphore, #tpu.memory_space<semaphore_mem>>)
        %mul3A_374 = arith.constant 4 : i32
        %mul3A_375 = arith.muli %mul3A_374, %scan3A_181 : i32
        %add3A_376 = arith.constant 3 : i32
        %add3A_377 = arith.addi %mul3A_375, %add3A_376 : i32
        %add3A_378 = arith.constant 4 : i32
        %add3A_379 = arith.addi %add3A_377, %add3A_378 : i32
        %sub3A_380 = arith.constant 1 : i32
        %sub3A_381 = arith.subi %add3A_379, %sub3A_380 : i32
        %lt3A_382 = arith.constant 11 : i32
        %lt3A_383 = arith.cmpi slt, %scan3A_181, %lt3A_382 : i32
        %convert_element_type3A_384 = arith.extui %lt3A_383 : i1 to i32
        %cond3A_385 = arith.constant 0 : i32
        %cond3A_386 = arith.cmpi ne, %convert_element_type3A_384, %cond3A_385 : i32
        scf.if %cond3A_386 {
          %sub3A_431 = arith.constant 4 : i32
          %sub3A_432 = arith.subi %sub3A_381, %sub3A_431 : i32
          %add3A_433 = arith.addi %add3A, %sub3A_432 : i32
          %dma_wait3A_434 = arith.constant 0 : i32
          %dma_wait3A_435 = arith.constant 0 : i32
          %dma_wait3A_436 = tpu.memref_slice %arg6[%add3A_433, %dma_wait3A_434, %dma_wait3A_435] : memref<1024x200x64xf32, #tpu.memory_space<hbm>> -> memref<1x200x64xf32, #tpu.memory_space<hbm>>
          %dma_wait3A_437 = tpu.memref_squeeze %dma_wait3A_436 : memref<1x200x64xf32, #tpu.memory_space<hbm>> -> memref<200x64xf32, #tpu.memory_space<hbm>>
          %dma_wait3A_438 = arith.constant 0 : i32
          %dma_wait3A_439 = arith.constant 0 : i32
          %dma_wait3A_440 = tpu.memref_slice %arg6[%add3A_433, %dma_wait3A_438, %dma_wait3A_439] : memref<1024x200x64xf32, #tpu.memory_space<hbm>> -> memref<1x200x64xf32, #tpu.memory_space<hbm>>
          %dma_wait3A_441 = tpu.memref_squeeze %dma_wait3A_440 : memref<1x200x64xf32, #tpu.memory_space<hbm>> -> memref<200x64xf32, #tpu.memory_space<hbm>>
          tpu.wait_dma2 semaphore(%arg20 : memref<!tpu.dma_semaphore, #tpu.memory_space<semaphore_mem>>) src(%arg12 : memref<200x64xf32, #tpu.memory_space<vmem>>) dst(%dma_wait3A_441 : memref<200x64xf32, #tpu.memory_space<hbm>>)
          %mul3A_442 = arith.constant 2 : i32
          %mul3A_443 = arith.muli %mul3A_442, %sub3A_381 : i32
          %mul3A_444 = arith.constant 2 : i32
          %mul3A_445 = arith.muli %mul3A_444, %sub3A_381 : i32
          %add3A_446 = arith.constant 1 : i32
          %add3A_447 = arith.addi %mul3A_445, %add3A_446 : i32
          %dma_start3A_448 = arith.constant 0 : i32
          %dma_start3A_449 = arith.constant 0 : i32
          %dma_start3A_450 = tpu.memref_slice %arg12[%dma_start3A_448, %dma_start3A_449] : memref<200x64xf32, #tpu.memory_space<vmem>> -> memref<100x64xf32, #tpu.memory_space<vmem>>
          %dma_start3A_451 = arith.constant 0 : i32
          %dma_start3A_452 = tpu.memref_slice %arg7[%mul3A_443, %dma_start3A_451] : memref<96x100xi32, #tpu.memory_space<vmem>> -> memref<1x100xi32, #tpu.memory_space<vmem>>
          %dma_start3A_453 = tpu.memref_squeeze %dma_start3A_452 : memref<1x100xi32, #tpu.memory_space<vmem>> -> memref<100xi32, #tpu.memory_space<vmem>>
          %dma_start3A_454 = arith.constant 0 : i32
          %dma_start3A_455 = arith.constant 0 : i32
          %dma_start3A_456 = tpu.memref_slice %arg4[%dma_start3A_454, %dma_start3A_455] : memref<100000x64xf32, #tpu.memory_space<hbm>> -> memref<100000x64xf32, #tpu.memory_space<hbm>>
          tpu.enqueue_indirect_dma source(%dma_start3A_456 : memref<100000x64xf32, #tpu.memory_space<hbm>>) target(%dma_start3A_450 : memref<100x64xf32, #tpu.memory_space<vmem>>) offsets(%dma_start3A_453 : memref<100xi32, #tpu.memory_space<vmem>>) semaphore(%arg16 : memref<!tpu.dma_semaphore, #tpu.memory_space<semaphore_mem>>)
          %dma_start3A_457 = arith.constant 100 : i32
          %dma_start3A_458 = arith.constant 0 : i32
          %dma_start3A_459 = tpu.memref_slice %arg12[%dma_start3A_457, %dma_start3A_458] : memref<200x64xf32, #tpu.memory_space<vmem>> -> memref<100x64xf32, #tpu.memory_space<vmem>>
          %dma_start3A_460 = arith.constant 0 : i32
          %dma_start3A_461 = tpu.memref_slice %arg7[%add3A_447, %dma_start3A_460] : memref<96x100xi32, #tpu.memory_space<vmem>> -> memref<1x100xi32, #tpu.memory_space<vmem>>
          %dma_start3A_462 = tpu.memref_squeeze %dma_start3A_461 : memref<1x100xi32, #tpu.memory_space<vmem>> -> memref<100xi32, #tpu.memory_space<vmem>>
          %dma_start3A_463 = arith.constant 0 : i32
          %dma_start3A_464 = arith.constant 0 : i32
          %dma_start3A_465 = tpu.memref_slice %arg4[%dma_start3A_463, %dma_start3A_464] : memref<100000x64xf32, #tpu.memory_space<hbm>> -> memref<100000x64xf32, #tpu.memory_space<hbm>>
          tpu.enqueue_indirect_dma source(%dma_start3A_465 : memref<100000x64xf32, #tpu.memory_space<hbm>>) target(%dma_start3A_459 : memref<100x64xf32, #tpu.memory_space<vmem>>) offsets(%dma_start3A_462 : memref<100xi32, #tpu.memory_space<vmem>>) semaphore(%arg16 : memref<!tpu.dma_semaphore, #tpu.memory_space<semaphore_mem>>)
        } else {
        }
        %mul3A_387 = arith.constant 2 : i32
        %mul3A_388 = arith.muli %mul3A_387, %add3A_377 : i32
        %mul3A_389 = arith.constant 2 : i32
        %mul3A_390 = arith.muli %mul3A_389, %add3A_377 : i32
        %add3A_391 = arith.constant 1 : i32
        %add3A_392 = arith.addi %mul3A_390, %add3A_391 : i32
        %dma_wait3A_393 = arith.constant 0 : i32
        %dma_wait3A_394 = arith.constant 0 : i32
        %dma_wait3A_395 = tpu.memref_slice %arg13[%dma_wait3A_393, %dma_wait3A_394] : memref<200x64xf32, #tpu.memory_space<vmem>> -> memref<100x64xf32, #tpu.memory_space<vmem>>
        %dma_wait3A_396 = arith.constant 0 : i32
        %dma_wait3A_397 = tpu.memref_slice %arg7[%mul3A_388, %dma_wait3A_396] : memref<96x100xi32, #tpu.memory_space<vmem>> -> memref<1x100xi32, #tpu.memory_space<vmem>>
        %dma_wait3A_398 = tpu.memref_squeeze %dma_wait3A_397 : memref<1x100xi32, #tpu.memory_space<vmem>> -> memref<100xi32, #tpu.memory_space<vmem>>
        %dma_wait3A_399 = arith.constant 0 : i32
        %dma_wait3A_400 = arith.constant 0 : i32
        %dma_wait3A_401 = tpu.memref_slice %arg4[%dma_wait3A_399, %dma_wait3A_400] : memref<100000x64xf32, #tpu.memory_space<hbm>> -> memref<100000x64xf32, #tpu.memory_space<hbm>>
        tpu.wait_indirect_dma semaphore(%arg17 : memref<!tpu.dma_semaphore, #tpu.memory_space<semaphore_mem>>) src(%dma_wait3A_401 : memref<100000x64xf32, #tpu.memory_space<hbm>>) dst(%dma_wait3A_395 : memref<100x64xf32, #tpu.memory_space<vmem>>)
        %dma_wait3A_402 = arith.constant 100 : i32
        %dma_wait3A_403 = arith.constant 0 : i32
        %dma_wait3A_404 = tpu.memref_slice %arg13[%dma_wait3A_402, %dma_wait3A_403] : memref<200x64xf32, #tpu.memory_space<vmem>> -> memref<100x64xf32, #tpu.memory_space<vmem>>
        %dma_wait3A_405 = arith.constant 0 : i32
        %dma_wait3A_406 = tpu.memref_slice %arg7[%add3A_392, %dma_wait3A_405] : memref<96x100xi32, #tpu.memory_space<vmem>> -> memref<1x100xi32, #tpu.memory_space<vmem>>
        %dma_wait3A_407 = tpu.memref_squeeze %dma_wait3A_406 : memref<1x100xi32, #tpu.memory_space<vmem>> -> memref<100xi32, #tpu.memory_space<vmem>>
        %dma_wait3A_408 = arith.constant 0 : i32
        %dma_wait3A_409 = arith.constant 0 : i32
        %dma_wait3A_410 = tpu.memref_slice %arg4[%dma_wait3A_408, %dma_wait3A_409] : memref<100000x64xf32, #tpu.memory_space<hbm>> -> memref<100000x64xf32, #tpu.memory_space<hbm>>
        tpu.wait_indirect_dma semaphore(%arg17 : memref<!tpu.dma_semaphore, #tpu.memory_space<semaphore_mem>>) src(%dma_wait3A_410 : memref<100000x64xf32, #tpu.memory_space<hbm>>) dst(%dma_wait3A_404 : memref<100x64xf32, #tpu.memory_space<vmem>>)
        %mul3A_411 = arith.constant 200 : i32
        %mul3A_412 = arith.muli %add3A_377, %mul3A_411 : i32
        %convert_element_type3A_413 = arith.extui %eq3A_58 : i1 to i32
        %cond3A_414 = arith.constant 0 : i32
        %cond3A_415 = arith.cmpi ne, %convert_element_type3A_413, %cond3A_414 : i32
        scf.if %cond3A_415 {
          %scan3A_431 = arith.constant 0 : i32
          %scan3A_432 = arith.constant 0 : i32
          %scan3A_433 = arith.constant 200 : i32
          %scan3A_434 = arith.addi %scan3A_432, %scan3A_433 : i32
          %scan3A_435 = arith.constant 1 : i32
          scf.for %scan3A_437 = %scan3A_432 to %scan3A_434 step %scan3A_435  : i32 {
            %add3A_438 = arith.addi %mul3A_412, %scan3A_437 : i32
            %get3A = arith.index_cast %add3A_438 : i32 to index
            %get3A_439 = tpu.vector_load %arg8[%get3A] {strides = array<i32>} : memref<9616xi32, #tpu.memory_space<vmem>>, vector<16xi32>,
            %get3A_440 = vector.shape_cast %get3A_439 : vector<16xi32> to vector<16xi32>
            %slice3A_441 = vector.extract_strided_slice %get3A_440 {offsets = [0], sizes = [1], strides = [1]} : vector<16xi32> to vector<1xi32>
            %squeeze3A_442 = vector.extract %slice3A_441[0] : i32 from vector<1xi32>
            %eq3A_443 = arith.constant 0 : i32
            %eq3A_444 = arith.cmpi eq, %squeeze3A_442, %eq3A_443 : i32
            %convert_element_type3A_445 = arith.extui %eq3A_444 : i1 to i32
            %cond3A_446 = arith.constant 0 : i32
            %cond3A_447 = arith.cmpi ne, %convert_element_type3A_445, %cond3A_446 : i32
            scf.if %cond3A_447 {
              %broadcast_in_dim3A_448 = arith.constant 0.000000e+00 : f32
              %broadcast_in_dim3A_449 = vector.broadcast %broadcast_in_dim3A_448 : f32 to vector<16xf32>
              %swap3A = arith.index_cast %scan3A_437 : i32 to index
              %swap3A_450 = arith.constant 0 : index
              %swap3A_451 = tpu.vector_load %arg13[%swap3A, %swap3A_450] {strides = array<i32>} : memref<200x64xf32, #tpu.memory_space<vmem>>, vector<1x16xf32>,
              %swap3A_452 = vector.shape_cast %swap3A_451 : vector<1x16xf32> to vector<16xf32>
              %swap3A_453 = vector.shape_cast %broadcast_in_dim3A_449 : vector<16xf32> to vector<1x16xf32>
              tpu.vector_store %arg13[%swap3A, %swap3A_450], %swap3A_453 {strides = array<i32>} : memref<200x64xf32, #tpu.memory_space<vmem>>, vector<1x16xf32>,
              %swap3A_454 = arith.index_cast %scan3A_437 : i32 to index
              %swap3A_455 = arith.constant 16 : index
              %swap3A_456 = tpu.vector_load %arg13[%swap3A_454, %swap3A_455] {strides = array<i32>} : memref<200x64xf32, #tpu.memory_space<vmem>>, vector<1x16xf32>,
              %swap3A_457 = vector.shape_cast %swap3A_456 : vector<1x16xf32> to vector<16xf32>
              %swap3A_458 = vector.shape_cast %broadcast_in_dim3A_449 : vector<16xf32> to vector<1x16xf32>
              tpu.vector_store %arg13[%swap3A_454, %swap3A_455], %swap3A_458 {strides = array<i32>} : memref<200x64xf32, #tpu.memory_space<vmem>>, vector<1x16xf32>,
              %swap3A_459 = arith.index_cast %scan3A_437 : i32 to index
              %swap3A_460 = arith.constant 32 : index
              %swap3A_461 = tpu.vector_load %arg13[%swap3A_459, %swap3A_460] {strides = array<i32>} : memref<200x64xf32, #tpu.memory_space<vmem>>, vector<1x16xf32>,
              %swap3A_462 = vector.shape_cast %swap3A_461 : vector<1x16xf32> to vector<16xf32>
              %swap3A_463 = vector.shape_cast %broadcast_in_dim3A_449 : vector<16xf32> to vector<1x16xf32>
              tpu.vector_store %arg13[%swap3A_459, %swap3A_460], %swap3A_463 {strides = array<i32>} : memref<200x64xf32, #tpu.memory_space<vmem>>, vector<1x16xf32>,
              %swap3A_464 = arith.index_cast %scan3A_437 : i32 to index
              %swap3A_465 = arith.constant 48 : index
              %swap3A_466 = tpu.vector_load %arg13[%swap3A_464, %swap3A_465] {strides = array<i32>} : memref<200x64xf32, #tpu.memory_space<vmem>>, vector<1x16xf32>,
              %swap3A_467 = vector.shape_cast %swap3A_466 : vector<1x16xf32> to vector<16xf32>
              %swap3A_468 = vector.shape_cast %broadcast_in_dim3A_449 : vector<16xf32> to vector<1x16xf32>
              tpu.vector_store %arg13[%swap3A_464, %swap3A_465], %swap3A_468 {strides = array<i32>} : memref<200x64xf32, #tpu.memory_space<vmem>>, vector<1x16xf32>,
            } else {
            }
          }
          %scan3A_436 = arith.constant 200 : i32
        } else {
        }
        %scan3A_416 = arith.constant 0 : i32
        %scan3A_417 = arith.constant 0 : i32
        %scan3A_418 = arith.constant 200 : i32
        %scan3A_419 = arith.addi %scan3A_417, %scan3A_418 : i32
        %scan3A_420 = arith.constant 1 : i32
        scf.for %scan3A_431 = %scan3A_417 to %scan3A_419 step %scan3A_420  : i32 {
          %get3A = arith.index_cast %scan3A_431 : i32 to index
          %get3A_432 = arith.constant 0 : index
          %get3A_433 = tpu.vector_load %arg13[%get3A, %get3A_432] {strides = array<i32>} : memref<200x64xf32, #tpu.memory_space<vmem>>, vector<1x16xf32>,
          %get3A_434 = vector.shape_cast %get3A_433 : vector<1x16xf32> to vector<16xf32>
          %get3A_435 = arith.index_cast %scan3A_431 : i32 to index
          %get3A_436 = arith.constant 0 : index
          %get3A_437 = tpu.vector_load %arg9[%get3A_435, %get3A_436] {strides = array<i32>} : memref<200x64xf32, #tpu.memory_space<vmem>>, vector<1x16xf32>,
          %get3A_438 = vector.shape_cast %get3A_437 : vector<1x16xf32> to vector<16xf32>
          %add3A_439 = arith.addf %get3A_434, %get3A_438 : vector<16xf32>
          %swap3A = arith.index_cast %scan3A_431 : i32 to index
          %swap3A_440 = arith.constant 0 : index
          %swap3A_441 = tpu.vector_load %arg13[%swap3A, %swap3A_440] {strides = array<i32>} : memref<200x64xf32, #tpu.memory_space<vmem>>, vector<1x16xf32>,
          %swap3A_442 = vector.shape_cast %swap3A_441 : vector<1x16xf32> to vector<16xf32>
          %swap3A_443 = vector.shape_cast %add3A_439 : vector<16xf32> to vector<1x16xf32>
          tpu.vector_store %arg13[%swap3A, %swap3A_440], %swap3A_443 {strides = array<i32>} : memref<200x64xf32, #tpu.memory_space<vmem>>, vector<1x16xf32>,
          %get3A_444 = arith.index_cast %scan3A_431 : i32 to index
          %get3A_445 = arith.constant 16 : index
          %get3A_446 = tpu.vector_load %arg13[%get3A_444, %get3A_445] {strides = array<i32>} : memref<200x64xf32, #tpu.memory_space<vmem>>, vector<1x16xf32>,
          %get3A_447 = vector.shape_cast %get3A_446 : vector<1x16xf32> to vector<16xf32>
          %get3A_448 = arith.index_cast %scan3A_431 : i32 to index
          %get3A_449 = arith.constant 16 : index
          %get3A_450 = tpu.vector_load %arg9[%get3A_448, %get3A_449] {strides = array<i32>} : memref<200x64xf32, #tpu.memory_space<vmem>>, vector<1x16xf32>,
          %get3A_451 = vector.shape_cast %get3A_450 : vector<1x16xf32> to vector<16xf32>
          %add3A_452 = arith.addf %get3A_447, %get3A_451 : vector<16xf32>
          %swap3A_453 = arith.index_cast %scan3A_431 : i32 to index
          %swap3A_454 = arith.constant 16 : index
          %swap3A_455 = tpu.vector_load %arg13[%swap3A_453, %swap3A_454] {strides = array<i32>} : memref<200x64xf32, #tpu.memory_space<vmem>>, vector<1x16xf32>,
          %swap3A_456 = vector.shape_cast %swap3A_455 : vector<1x16xf32> to vector<16xf32>
          %swap3A_457 = vector.shape_cast %add3A_452 : vector<16xf32> to vector<1x16xf32>
          tpu.vector_store %arg13[%swap3A_453, %swap3A_454], %swap3A_457 {strides = array<i32>} : memref<200x64xf32, #tpu.memory_space<vmem>>, vector<1x16xf32>,
          %get3A_458 = arith.index_cast %scan3A_431 : i32 to index
          %get3A_459 = arith.constant 32 : index
          %get3A_460 = tpu.vector_load %arg13[%get3A_458, %get3A_459] {strides = array<i32>} : memref<200x64xf32, #tpu.memory_space<vmem>>, vector<1x16xf32>,
          %get3A_461 = vector.shape_cast %get3A_460 : vector<1x16xf32> to vector<16xf32>
          %get3A_462 = arith.index_cast %scan3A_431 : i32 to index
          %get3A_463 = arith.constant 32 : index
          %get3A_464 = tpu.vector_load %arg9[%get3A_462, %get3A_463] {strides = array<i32>} : memref<200x64xf32, #tpu.memory_space<vmem>>, vector<1x16xf32>,
          %get3A_465 = vector.shape_cast %get3A_464 : vector<1x16xf32> to vector<16xf32>
          %add3A_466 = arith.addf %get3A_461, %get3A_465 : vector<16xf32>
          %swap3A_467 = arith.index_cast %scan3A_431 : i32 to index
          %swap3A_468 = arith.constant 32 : index
          %swap3A_469 = tpu.vector_load %arg13[%swap3A_467, %swap3A_468] {strides = array<i32>} : memref<200x64xf32, #tpu.memory_space<vmem>>, vector<1x16xf32>,
          %swap3A_470 = vector.shape_cast %swap3A_469 : vector<1x16xf32> to vector<16xf32>
          %swap3A_471 = vector.shape_cast %add3A_466 : vector<16xf32> to vector<1x16xf32>
          tpu.vector_store %arg13[%swap3A_467, %swap3A_468], %swap3A_471 {strides = array<i32>} : memref<200x64xf32, #tpu.memory_space<vmem>>, vector<1x16xf32>,
          %get3A_472 = arith.index_cast %scan3A_431 : i32 to index
          %get3A_473 = arith.constant 48 : index
          %get3A_474 = tpu.vector_load %arg13[%get3A_472, %get3A_473] {strides = array<i32>} : memref<200x64xf32, #tpu.memory_space<vmem>>, vector<1x16xf32>,
          %get3A_475 = vector.shape_cast %get3A_474 : vector<1x16xf32> to vector<16xf32>
          %get3A_476 = arith.index_cast %scan3A_431 : i32 to index
          %get3A_477 = arith.constant 48 : index
          %get3A_478 = tpu.vector_load %arg9[%get3A_476, %get3A_477] {strides = array<i32>} : memref<200x64xf32, #tpu.memory_space<vmem>>, vector<1x16xf32>,
          %get3A_479 = vector.shape_cast %get3A_478 : vector<1x16xf32> to vector<16xf32>
          %add3A_480 = arith.addf %get3A_475, %get3A_479 : vector<16xf32>
          %swap3A_481 = arith.index_cast %scan3A_431 : i32 to index
          %swap3A_482 = arith.constant 48 : index
          %swap3A_483 = tpu.vector_load %arg13[%swap3A_481, %swap3A_482] {strides = array<i32>} : memref<200x64xf32, #tpu.memory_space<vmem>>, vector<1x16xf32>,
          %swap3A_484 = vector.shape_cast %swap3A_483 : vector<1x16xf32> to vector<16xf32>
          %swap3A_485 = vector.shape_cast %add3A_480 : vector<16xf32> to vector<1x16xf32>
          tpu.vector_store %arg13[%swap3A_481, %swap3A_482], %swap3A_485 {strides = array<i32>} : memref<200x64xf32, #tpu.memory_space<vmem>>, vector<1x16xf32>,
        }
        %scan3A_421 = arith.constant 200 : i32
        %add3A_422 = arith.addi %add3A, %add3A_377 : i32
        %dma_start3A_423 = arith.constant 0 : i32
        %dma_start3A_424 = arith.constant 0 : i32
        %dma_start3A_425 = tpu.memref_slice %arg6[%add3A_422, %dma_start3A_423, %dma_start3A_424] : memref<1024x200x64xf32, #tpu.memory_space<hbm>> -> memref<1x200x64xf32, #tpu.memory_space<hbm>>
        %dma_start3A_426 = tpu.memref_squeeze %dma_start3A_425 : memref<1x200x64xf32, #tpu.memory_space<hbm>> -> memref<200x64xf32, #tpu.memory_space<hbm>>
        %dma_start3A_427 = arith.constant 0 : i32
        %dma_start3A_428 = arith.constant 0 : i32
        %dma_start3A_429 = tpu.memref_slice %arg6[%add3A_422, %dma_start3A_427, %dma_start3A_428] : memref<1024x200x64xf32, #tpu.memory_space<hbm>> -> memref<1x200x64xf32, #tpu.memory_space<hbm>>
        %dma_start3A_430 = tpu.memref_squeeze %dma_start3A_429 : memref<1x200x64xf32, #tpu.memory_space<hbm>> -> memref<200x64xf32, #tpu.memory_space<hbm>>
        tpu.enqueue_dma source(%arg13 : memref<200x64xf32, #tpu.memory_space<vmem>>) target(%dma_start3A_430 : memref<200x64xf32, #tpu.memory_space<hbm>>) target_semaphore(%arg21 : memref<!tpu.dma_semaphore, #tpu.memory_space<semaphore_mem>>)
      }
      %scan3A_141 = arith.constant 12 : i32
      %add3A_142 = arith.constant 44 : i32
      %add3A_143 = arith.addi %add3A, %add3A_142 : i32
      %dma_wait3A = arith.constant 0 : i32
      %dma_wait3A_144 = arith.constant 0 : i32
      %dma_wait3A_145 = tpu.memref_slice %arg6[%add3A_143, %dma_wait3A, %dma_wait3A_144] : memref<1024x200x64xf32, #tpu.memory_space<hbm>> -> memref<1x200x64xf32, #tpu.memory_space<hbm>>
      %dma_wait3A_146 = tpu.memref_squeeze %dma_wait3A_145 : memref<1x200x64xf32, #tpu.memory_space<hbm>> -> memref<200x64xf32, #tpu.memory_space<hbm>>
      %dma_wait3A_147 = arith.constant 0 : i32
      %dma_wait3A_148 = arith.constant 0 : i32
      %dma_wait3A_149 = tpu.memref_slice %arg6[%add3A_143, %dma_wait3A_147, %dma_wait3A_148] : memref<1024x200x64xf32, #tpu.memory_space<hbm>> -> memref<1x200x64xf32, #tpu.memory_space<hbm>>
      %dma_wait3A_150 = tpu.memref_squeeze %dma_wait3A_149 : memref<1x200x64xf32, #tpu.memory_space<hbm>> -> memref<200x64xf32, #tpu.memory_space<hbm>>
      tpu.wait_dma2 semaphore(%arg18 : memref<!tpu.dma_semaphore, #tpu.memory_space<semaphore_mem>>) src(%arg10 : memref<200x64xf32, #tpu.memory_space<vmem>>) dst(%dma_wait3A_150 : memref<200x64xf32, #tpu.memory_space<hbm>>)
      %add3A_151 = arith.constant 45 : i32
      %add3A_152 = arith.addi %add3A, %add3A_151 : i32
      %dma_wait3A_153 = arith.constant 0 : i32
      %dma_wait3A_154 = arith.constant 0 : i32
      %dma_wait3A_155 = tpu.memref_slice %arg6[%add3A_152, %dma_wait3A_153, %dma_wait3A_154] : memref<1024x200x64xf32, #tpu.memory_space<hbm>> -> memref<1x200x64xf32, #tpu.memory_space<hbm>>
      %dma_wait3A_156 = tpu.memref_squeeze %dma_wait3A_155 : memref<1x200x64xf32, #tpu.memory_space<hbm>> -> memref<200x64xf32, #tpu.memory_space<hbm>>
      %dma_wait3A_157 = arith.constant 0 : i32
      %dma_wait3A_158 = arith.constant 0 : i32
      %dma_wait3A_159 = tpu.memref_slice %arg6[%add3A_152, %dma_wait3A_157, %dma_wait3A_158] : memref<1024x200x64xf32, #tpu.memory_space<hbm>> -> memref<1x200x64xf32, #tpu.memory_space<hbm>>
      %dma_wait3A_160 = tpu.memref_squeeze %dma_wait3A_159 : memref<1x200x64xf32, #tpu.memory_space<hbm>> -> memref<200x64xf32, #tpu.memory_space<hbm>>
      tpu.wait_dma2 semaphore(%arg19 : memref<!tpu.dma_semaphore, #tpu.memory_space<semaphore_mem>>) src(%arg11 : memref<200x64xf32, #tpu.memory_space<vmem>>) dst(%dma_wait3A_160 : memref<200x64xf32, #tpu.memory_space<hbm>>)
      %add3A_161 = arith.constant 46 : i32
      %add3A_162 = arith.addi %add3A, %add3A_161 : i32
      %dma_wait3A_163 = arith.constant 0 : i32
      %dma_wait3A_164 = arith.constant 0 : i32
      %dma_wait3A_165 = tpu.memref_slice %arg6[%add3A_162, %dma_wait3A_163, %dma_wait3A_164] : memref<1024x200x64xf32, #tpu.memory_space<hbm>> -> memref<1x200x64xf32, #tpu.memory_space<hbm>>
      %dma_wait3A_166 = tpu.memref_squeeze %dma_wait3A_165 : memref<1x200x64xf32, #tpu.memory_space<hbm>> -> memref<200x64xf32, #tpu.memory_space<hbm>>
      %dma_wait3A_167 = arith.constant 0 : i32
      %dma_wait3A_168 = arith.constant 0 : i32
      %dma_wait3A_169 = tpu.memref_slice %arg6[%add3A_162, %dma_wait3A_167, %dma_wait3A_168] : memref<1024x200x64xf32, #tpu.memory_space<hbm>> -> memref<1x200x64xf32, #tpu.memory_space<hbm>>
      %dma_wait3A_170 = tpu.memref_squeeze %dma_wait3A_169 : memref<1x200x64xf32, #tpu.memory_space<hbm>> -> memref<200x64xf32, #tpu.memory_space<hbm>>
      tpu.wait_dma2 semaphore(%arg20 : memref<!tpu.dma_semaphore, #tpu.memory_space<semaphore_mem>>) src(%arg12 : memref<200x64xf32, #tpu.memory_space<vmem>>) dst(%dma_wait3A_170 : memref<200x64xf32, #tpu.memory_space<hbm>>)
      %add3A_171 = arith.constant 47 : i32
      %add3A_172 = arith.addi %add3A, %add3A_171 : i32
      %dma_wait3A_173 = arith.constant 0 : i32
      %dma_wait3A_174 = arith.constant 0 : i32
      %dma_wait3A_175 = tpu.memref_slice %arg6[%add3A_172, %dma_wait3A_173, %dma_wait3A_174] : memref<1024x200x64xf32, #tpu.memory_space<hbm>> -> memref<1x200x64xf32, #tpu.memory_space<hbm>>
      %dma_wait3A_176 = tpu.memref_squeeze %dma_wait3A_175 : memref<1x200x64xf32, #tpu.memory_space<hbm>> -> memref<200x64xf32, #tpu.memory_space<hbm>>
      %dma_wait3A_177 = arith.constant 0 : i32
      %dma_wait3A_178 = arith.constant 0 : i32
      %dma_wait3A_179 = tpu.memref_slice %arg6[%add3A_172, %dma_wait3A_177, %dma_wait3A_178] : memref<1024x200x64xf32, #tpu.memory_space<hbm>> -> memref<1x200x64xf32, #tpu.memory_space<hbm>>
      %dma_wait3A_180 = tpu.memref_squeeze %dma_wait3A_179 : memref<1x200x64xf32, #tpu.memory_space<hbm>> -> memref<200x64xf32, #tpu.memory_space<hbm>>
      tpu.wait_dma2 semaphore(%arg21 : memref<!tpu.dma_semaphore, #tpu.memory_space<semaphore_mem>>) src(%arg13 : memref<200x64xf32, #tpu.memory_space<vmem>>) dst(%dma_wait3A_180 : memref<200x64xf32, #tpu.memory_space<hbm>>)
    } else {
    }
    return
  }
}

</mosaic_0001>

<sc_bundles>
// kernel: kernel.3.cloned.1.call-start
scs
__scs_entry_jumppad:
0x0: {  	(pc) =	sbr.rel $0x88, $3  }
0x1: {  	(tag) =	ssettag $0x0;
	lr =	simm.s32 $0x1  }
0x2: {  	[smem:$0x3F9E] =	sst lr;
	_ =	strace $0xD0000000  }
0x3: {  	_ = 	snop  }
0x4: {  	_ = 	snop  }
0x5: {  	_ = 	snop  }
0x6: {  	_ = 	snop  }
0x7: {  	_ = 	snop  }
__scs_overlays_trampoline_lowered:
0x8: {  	[smem:$0x3FAD] =	sst s0  }
0x9: {  	[smem:$0x3FAE] =	sst s1  }
0xa: {  	[smem:$0x3FAF] =	sst s2  }
0xb: {  	[smem:$0x3FB0] =	sst s3  }
0xc: {  	[smem:$0x3FB1] =	sst s4  }
0xd: {  	[smem:$0x3FB2] =	sst s5  }
0xe: {  	[smem:$0x3FB3] =	sst s6  }
0xf: {  	[smem:$0x3FB4] =	sst s7  }
0x10: {  	[smem:$0x3FB5] =	sst s8  }
0x11: {  	[smem:$0x3FB6] =	sst s9;
	s0 =	simm.s32 @!p0 $0x0  }
0x12: {  	s1 =	sld [smem:$0x3F9C];
	s0 =	simm.s32 @p0 $0x1  }
0x13: {  	[smem:$0x3FB7] =	sst s0;
	s0 =	simm.s32 @!p1 $0x0  }
0x14: {  	s2 =	sld [smem:$0x3F9B];
	s0 =	simm.s32 @p1 $0x1  }
0x15: {  	[smem:$0x3FB8] =	sst s0;
	s0 =	simm.s32 @!p2 $0x0  }
0x16: {  	s3 =	sld [smem:$0x3FDB];
	s0 =	simm.s32 @p2 $0x1  }
0x17: {  	s4 =	simm.s32 $0x1BF5;
	[smem:$0x3FBA] =	sst s0  }
0x18: {  	s0 =	sld [smem:$0x3F9D];
	_ =	swait.ge [sflag:s4], $0x0  }
0x19: {  	s7 =	sld [smem:$0x3F9E]  }
0x1a: {  	s8 =	sadd.s32 $0xFFFFE003, lr  }
0x1b: {  	s9 =	sadd.s32 $0xFFFFFEF7, lr;
	s5 =	simm.s32 $0xFFFFFFFF;
	p2 =	slt.u32 s8, $0xFFFFF086  }
0x1c: {  	p1 =	slt.u32 s9, $0xF7A;
	s5 =	simm.s32 @!p2 $0x0  }
0x1d: {  	s5 =	simm.s32 @p1 $0x1;
	p0 =	seq.s32 s7, s2  }
0x1e: {  	s7 =	smul.u32 @!p0 $0xF7A, s2;
	p2 =	seq.s32 @!p0 s5, $0x0  }
0x1f: {  	s9 =	smul.u32 $0xF7A, s1;
	s8 =	simm.s32 @!p0 $0x1BF5;
	p2 =	por !p2, p0  }
0x20: {  	[sflag:s8] =	ssyncset.s32 @!p0 $0xFFFFF086;
	s6 =	sadd.s32 @!p0 s3, s7;
	s7 =	simm.s32 @!p0 $0x108  }
0x21: {  	s3 =	sadd.s32 s3, s9;
	s6 =	sadd.s32 @!p0 $0x88, s6;
	s7 =	simm.s32 @p2 $0x1082  }
0x22: {  	[simem:s7], [sflag:s8] =	dma.local @!p0 [hbm:s6], $0xF7A  }
0x23: {  	s9 =	sor.u32 $0xD0000000, s2;
	s6 =	simm.s32 $0x108;
	_ =	swait.ge @!p0 [sflag:s8], $0x0  }
0x24: {  	s3 =	sadd.s32 $0x88, s3;
	s6 =	simm.s32 @!p1 $0x1082;
	[sflag:s4] =	ssyncset.s32 $0xFFFFF086  }
0x25: {  	[simem:s6], [sflag:s4] =	dma.local [hbm:s3], $0xF7A  }
0x26: {  	[smem:$0x3F9E] =	sst s1;
	(tag) =	ssettag s2;
	_ =	strace s9  }
0x27: {  	s1 =	sld [smem:$0x3FAE]  }
0x28: {  	s2 =	sld [smem:$0x3FAF]  }
0x29: {  	s4 =	sld [smem:$0x3FB1]  }
0x2a: {  	p0 =	seq.s32 s5, $0x0;
	s5 =	sld [smem:$0x3FB2]  }
0x2b: {  	s6 =	sld [smem:$0x3FB3]  }
0x2c: {  	s7 =	sld [smem:$0x3FB4]  }
0x2d: {  	s3 =	simm.s32 $0x108;
	s8 =	sld [smem:$0x3FB5]  }
0x2e: {  	s3 =	simm.s32 @!p0 $0x1082;
	s9 =	sld [smem:$0x3FB6]  }
0x2f: {  	lr =	sadd.s32 s0, s3;
	s0 =	sld [smem:$0x3FAD]  }
0x30: {  	s3 =	sld [smem:$0x3FB0]  }
0x31: {  	[smem:$0x3FB9] =	sst s10  }
0x32: {  	s10 =	sld [smem:$0x3FB7];
	_ =	sdelay $0x3  }
0x33: {  	p0 =	seq.s32 s10, $0x1;
	s10 =	sld [smem:$0x3FB9];
	_ =	sdelay $0x3  }
0x34: {  	[smem:$0x3FB9] =	sst s10  }
0x35: {  	s10 =	sld [smem:$0x3FB8];
	_ =	sdelay $0x3  }
0x36: {  	p1 =	seq.s32 s10, $0x1;
	s10 =	sld [smem:$0x3FB9];
	_ =	sdelay $0x3  }
0x37: {  	[smem:$0x3FB9] =	sst s10  }
0x38: {  	s10 =	sld [smem:$0x3FBA]  }
0x39: {  	_ = 	snop;
	(pc) =	sbr.ind lr, $3  }
0x3a: {  	_ = 	snop  }
0x3b: {  	_ = 	snop  }
0x3c: {  	p2 =	seq.s32 s10, $0x1;
	s10 =	sld [smem:$0x3FB9]  }
0x3d: {  	_ =	shalt  }
0x3e: {  	_ =	shalt  }
0x3f: {  	_ =	shalt  }
0x40: {  	_ =	shalt  }
0x41: {  	_ =	shalt  }
0x42: {  	_ =	shalt  }
0x43: {  	_ =	shalt  }
0x44: {  	_ =	shalt  }
0x45: {  	_ =	shalt  }
0x46: {  	_ =	shalt  }
0x47: {  	_ =	shalt  }
0x48: {  	_ =	shalt  }
0x49: {  	_ =	shalt  }
0x4a: {  	_ =	shalt  }
0x4b: {  	_ =	shalt  }
0x4c: {  	_ =	shalt  }
0x4d: {  	_ =	shalt  }
0x4e: {  	_ =	shalt  }
0x4f: {  	_ =	shalt  }
0x50: {  	_ =	shalt  }
0x51: {  	_ =	shalt  }
0x52: {  	_ =	shalt  }
0x53: {  	_ =	shalt  }
0x54: {  	_ =	shalt  }
0x55: {  	_ =	shalt  }
0x56: {  	_ =	shalt  }
0x57: {  	_ =	shalt  }
0x58: {  	_ =	shalt  }
0x59: {  	_ =	shalt  }
0x5a: {  	_ =	shalt  }
0x5b: {  	_ =	shalt  }
0x5c: {  	_ =	shalt  }
0x5d: {  	_ =	shalt  }
0x5e: {  	_ =	shalt  }
0x5f: {  	_ =	shalt  }
0x60: {  	_ =	shalt  }
0x61: {  	_ =	shalt  }
0x62: {  	_ =	shalt  }
0x63: {  	_ =	shalt  }
0x64: {  	_ =	shalt  }
0x65: {  	_ =	shalt  }
0x66: {  	_ =	shalt  }
0x67: {  	_ =	shalt  }
0x68: {  	_ =	shalt  }
0x69: {  	_ =	shalt  }
0x6a: {  	_ =	shalt  }
0x6b: {  	_ =	shalt  }
0x6c: {  	_ =	shalt  }
0x6d: {  	_ =	shalt  }
0x6e: {  	_ =	shalt  }
0x6f: {  	_ =	shalt  }
0x70: {  	_ =	shalt  }
0x71: {  	_ =	shalt  }
0x72: {  	_ =	shalt  }
0x73: {  	_ =	shalt  }
0x74: {  	_ =	shalt  }
0x75: {  	_ =	shalt  }
0x76: {  	_ =	shalt  }
0x77: {  	_ =	shalt  }
0x78: {  	_ =	shalt  }
0x79: {  	_ =	shalt  }
0x7a: {  	_ =	shalt  }
0x7b: {  	_ =	shalt  }
0x7c: {  	_ =	shalt  }
0x7d: {  	_ =	shalt  }
0x7e: {  	_ =	shalt  }
0x7f: {  	_ =	shalt  }
0x80: {  	_ =	shalt  }
0x81: {  	_ =	shalt  }
0x82: {  	_ =	shalt  }
0x83: {  	_ =	shalt  }
0x84: {  	_ =	shalt  }
0x85: {  	_ =	shalt  }
0x86: {  	_ =	shalt  }
0x87: {  	_ =	shalt  }
.Lfunc_end0:
.L_simem_size_0:
called_computation.1_lowered:
.L_overlay_start_0:
0x88: {  	s2 =	sld [smem:$0x3FD9]  }
0x89: {  	s3 =	sld [smem:$0x3FFE];
	_ =	sdelay $0x1  }
0x8a: {  	s1 =	srdreg.scid  }
0x8b: {  	s0 =	sand.u32 $0x1, s1  }
0x8c: {  	s17 =	sshll.u32 s0, $0xA;
	s2 =	sadd.s32 s3, s2  }
0x8d: {  	s2 =	sadd.s32 s2, s17  }
0x8e: {  	[smem:$0x3FC5] =	sst s2  }
0x8f: {  	_ = 	snop  }
0x90: {  	s2 =	sld [smem:$0x3FD0];
	(tm) =	ssettm $0x1  }
0x91: {  	s18 =	sld [smem:$0x3FFB];
	_ =	sdelay $0x3  }
0x92: {  	_ =	strace s18  }
0x93: {  	s3 =	sld [smem:$0x3FFC];
	_ =	sdelay $0x3  }
0x94: {  	_ =	strace s3  }
0x95: {  	s3 =	sld [smem:$0x3FFD];
	_ =	sdelay $0x3  }
0x96: {  	_ =	strace s3  }
0x97: {  	_ =	strace $0x8FFFFFFF  }
0x98: {  	s19 =	sld [smem:$0x3FDB];
	_ =	sdelay $0x1  }
0x99: {  	s4 =	simm.s32 $_scs_section_size  }
0x9a: {  	s5 =	simm.s32 $_size__tile_overlayer_lowered;
	s6 =	simm.s32 $_tile_overlayer_lowered  }
0x9b: {  	s22 =	simm.s32 $0x1BFF;
	s21 =	sshll.u32 s6, $0x1;
	s3 =	sadd.s32 s4, s19  }
0x9c: {  	s7 =	simm.s32 $0x0;
	s20 =	sshll.u32 s5, $0x1;
	s5 =	sadd.s32 s21, s3  }
0x9d: {  	[timem:s7], [sflag:s22] =	dma.local [hbm:s5], s20  }
0x9e: {  	_ =	swait.ge [sflag:s22], s20  }
0x9f: {  	s4 =	ssub.s32 $0x0, s20;
	[sflag:s22] =	ssyncset.done $0x0  }
0xa0: {  	[sflag:s22] =	ssyncadd.s32 s4;
	_ =	sdelay $0x1  }
0xa1: {  	s23 =	simm.s32 $0x1B8B  }
0xa2: {  	_ =	swait.ge [sflag:s23], $0x1  }
0xa3: {  	[sflag:s23] =	ssyncset.done $0x0  }
0xa4: {  	s25 =	simm.s32 $0x1B8E;
	s24 =	sld [smem:$0x3FFE];
	[sflag:s23] =	ssyncadd.s32 $0xFFFFFFFF  }
0xa5: {  	s26 =	simm.s32 $execute0_lowered;
	[smem:$0x3FD2] =	sst s25  }
0xa6: {  	s5 =	sshll.u32 s26, $0x1;
	_ =	strace $0x80000046;
	[dreg:$0x1] =	wrdreg $0xFFFFFFFF  }
0xa7: {  	s28 =	simm.s32 $_size_execute0_lowered;
	s3 =	sadd.s32 s3, s5;
	[dreg:$0x0] =	wrdreg $0x0  }
0xa8: {  	s5 =	sshll.u32 s28, $0x1;
	[dreg:$0x2] =	wrdreg s3  }
0xa9: {  	[dreg:$0x3] =	wrdreg s5  }
0xaa: {  	[dreg:$0x4] =	wrdreg $0xC0  }
0xab: {  	_ =	task [dreg:s7], $0x5FFFF  }
0xac: {  	[dreg:$0x1] =	wrdreg $0xFFFFFFFF  }
0xad: {  	[dreg:$0x0] =	wrdreg $0x60  }
0xae: {  	[dreg:$0x2] =	wrdreg s24  }
0xaf: {  	[dreg:$0x3] =	wrdreg s2  }
0xb0: {  	[dreg:$0x4] =	wrdreg $0x9  }
0xb1: {  	_ =	task.clear_ibuf [dreg:s7], $0x5FFFF;
	_ =	strace $0x90000046  }
0xb2: {  	s29 =	simm.s32 $0x9;
	_ =	strace $0x80000048  }
0xb3: {  	_ =	swait.ge [sflag:s29], $0x1  }
0xb4: {  	[sflag:s29] =	ssyncadd.s32 $0xFFFFFFFF  }
0xb5: {  	_ =	strace $0x90000048  }
0xb6: {  	_ =	sfence  }
0xb7: {  	s30 =	sld [smem:$0x0];
	_ =	sdelay $0x2  }
0xb8: {  	s31 =	sshll.u32 s1, $0xD;
	s1 =	sshrl.u32 s1, $0x2  }
0xb9: {  	s3 =	sand.u32 $0x4000, s31;
	s1 =	sadd.s32 s1, s30  }
0xba: {  	s0 =	sor.u32 s3, s0;
	s1 =	sshll.u32 s1, $0x11  }
0xbb: {  	s0 =	sor.u32 s1, s0  }
0xbc: {  	s0 =	sadd.s32 $0x8F2B, s0  }
0xbd: {  	[sflag:s0] =	ssyncadd.remote.s32 $0x1  }
0xbe: {  	_ =	sfence.sel $0xFFFF  }
0xbf: {  	[dreg:$0x0] =	wrdreg $0xFFFFFFFF;
	(pc) =	sbr.abs _section_cstart, $3  }
0xc0: {  	[dreg:$0x1] =	wrdreg $0xFFFFFFFF  }
0xc1: {  	_ =	task.clear_ibuf [dreg:s7], $0x2FFFF;
	_ =	strace $0x9FFFFFFF  }
0xc2: {  	(tm) =	ssettm $0x7FFFFFFF  }
0xc3: {  	_ =	shalt  }
tec
execute0_lowered:
.L_overlay_start_1:
0x0: {  	(tag) =	ssettag $0x1  }
0x1: {  	s0 =	srdreg.scid;
	s1 =	rddreg [dreg:$0x0]  }
0x2: {  	s2 =	stileid.u32;
	s3 =	rddreg [dreg:$0x1]  }
0x3: {  	s5 =	simm.s32 $0x0;
	s14 =	simm.s32 $0x64;
	s15 =	simm.s32 $0x7E90  }
0x4: {  	s19 =	simm.s32 $0xB090;
	s23 =	simm.s32 $0xE290;
	s28 =	simm.s32 $0x12D90  }
0x5: {  	v0 =	vimm.s32 $0xFEDCBA98;
	s29 =	simm.s32 $0x1;
	s30 =	simm.s32 $0x2;
	s0 =	sand.u32 $0x1, s0  }
0x6: {  	v1 =	vimm.s32 $0x76543210;
	v2 =	vimm.s32 $0x3210FEDC;
	v3 =	vimm.s32 $0xBA987654;
	s31 =	simm.s32 $0x3;
	s2 =	sshll.u32 s2, $0x6;
	s4 =	sshll.u32 s0, $0x4  }
0x7: {  	v4 =	vimm.s32 $0x10FEDCBA;
	v5 =	vimm.s32 $0x98765432;
	v6 =	vimm.s32 $0xFEDCBA9;
	s12 =	simm.s32 $0x7;
	s8 =	ssub.s32 $0x2, s0;
	s4 =	sor.u32 s4, s2  }
0x8: {  	v7 =	vimm.s32 $0x87654321;
	s16 =	simm.s32 $0x8;
	v0 =	vunpack.c.l.s4.s8 v0;
	v1 =	vunpack.c.l.s4.s8 v1;
	s10 =	sshrl.u32 s8, $0x1;
	s6 =	smul.u32 $0x1A, s4  }
0x9: {  	[smem:$0x7FF] =	sst s5;
	v2 =	vunpack.c.l.s4.s8 v2;
	v3 =	vunpack.c.l.s4.s8 v3;
	v4 =	vunpack.c.l.s4.s8 v4;
	s7 =	smul.u32 $0x19, s4;
	s24 =	ssub.s32 s8, s10  }
0xa: {  	s17 =	simm.s32 $0x0;
	v5 =	vunpack.c.l.s4.s8 v5;
	v6 =	vunpack.c.l.s4.s8 v6;
	v7 =	vunpack.c.l.s4.s8 v7;
	_ =	strace $0x80000047;
	s26 =	smax.u32 s24, $0x1  }
.Ltmp0:
0xb: {  	v0 =	vunpack.c.0.s8.s32 v0;
	v1 =	vunpack.c.0.s8.s32 v1;
	v2 =	vunpack.c.0.s8.s32 v2;
	s9 =	sadd.s32 s6, s1;
	s7 =	sadd.s32 s7, s1;
	(pc) =	sbr.rel .LBB2_1-.Ltmp0, $4  }
0xc: {  	v3 =	vunpack.c.0.s8.s32 v3;
	v4 =	vunpack.c.0.s8.s32 v4;
	v5 =	vunpack.c.0.s8.s32 v5;
	s6 =	sadd.s32 $0xE400, s1;
	s1 =	sadd.s32 $0x6C00, s1;
	[dreg:$0x6] =	wrdreg s26  }
0xd: {  	p0 =	seq.s32 s0, $0x1;
	v6 =	vunpack.c.0.s8.s32 v6;
	v7 =	vunpack.c.0.s8.s32 v7;
	v0 =	vand.u32 $0xF, v0;
	[dreg:$0x3] =	wrdreg s1;
	s25 =	sadd.s32 $0x7C00, s9  }
0xe: {  	s10 =	simm.s32 $0x9;
	v0 =	vcombine.low v0, v1;
	v1 =	vcombine.low v3, v2;
	s7 =	sadd.s32 $0x800, s7;
	[dreg:$0x4] =	wrdreg s25  }
0xf: {  	s26 =	simm.s32 $0x11490;
	v2 =	vcombine.low v5, v4;
	v3 =	vcombine.low v7, v6;
	s1 =	simm.s32 $0x4;
	[dreg:$0x5] =	wrdreg s7  }
.LBB2_58:
0x10: {  	s0 =	simm.s32 $0x5  }
0x11: {  	_ =	swait.ge [sflag:s0], $0x3200  }
0x12: {  	[sflag:s0] =	ssyncset.done $0x0  }
0x13: {  	s24 =	simm.s32 $0x6;
	[sflag:s0] =	ssyncadd.s32 $0xFFFFCE00  }
0x14: {  	_ =	swait.ge [sflag:s24], $0x3200  }
0x15: {  	[sflag:s24] =	ssyncset.done $0x0  }
0x16: {  	[sflag:s24] =	ssyncadd.s32 $0xFFFFCE00  }
0x17: {  	_ =	swait.ge [sflag:s12], $0x3200  }
0x18: {  	[sflag:s12] =	ssyncset.done $0x0  }
0x19: {  	[sflag:s12] =	ssyncadd.s32 $0xFFFFCE00  }
0x1a: {  	_ =	swait.ge [sflag:s16], $0x3200  }
0x1b: {  	s17 =	sadd.s32 $0x1, s17;
	s25 =	rddreg [dreg:$0x6]  }
0x1c: {  	p1 =	sne.s32 s17, s25  }
.Ltmp1:
0x1d: {  	_ = 	snop;
	(pc) =	sbr.rel @!p1 .LBB2_59-.Ltmp1, $3  }
0x1e: {  	_ =	sdelay $0x1  }
0x1f: {  	[sflag:s16] =	ssyncset.done $0x0  }
0x20: {  	[sflag:s16] =	ssyncadd.s32 $0xFFFFCE00  }
.LBB2_1:
0x21: {  	s0 =	rddreg [dreg:$0x4]  }
0x22: {  	[tilespmem:s5], [sflag:$0x9] =	stream.linear.gather [hbm4b:s0+s5], $0x2700, $0x38;
	[tilespmem:$0x14690] =	vst v63  }
0x23: {  	_ =	swait.ge [sflag:s10], $0x2700  }
0x24: {  	[sflag:s10] =	ssyncset.done $0x0  }
0x25: {  	s7 =	simm.s32 $0x2700;
	s22 =	rddreg [dreg:$0x5];
	[sflag:s10] =	ssyncadd.s32 $0xFFFFD900  }
0x26: {  	[tilespmem:s7], [sflag:$0x9] =	stream.linear.gather [hbm4b:s22+s5], $0x2580, $0x38;
	[tilespmem:$0x14690] =	vst v63  }
0x27: {  	_ =	swait.ge [sflag:s10], $0x2580  }
0x28: {  	s25 =	simm.s32 $0x4C90;
	[sflag:s10] =	ssyncset.done $0x0  }
.Ltmp2:
0x29: {  	s24 =	rddreg [dreg:$0x3];
	[sflag:s10] =	ssyncadd.s32 $0xFFFFDA80;
	(pc) =	sbr.rel @!p0 .LBB2_2-.Ltmp2, $4  }
0x2a: {  	[tilespmem:s25], [sflag:$0x9] =	stream.linear.gather [hbm4b:s24+s5], $0x3200, $0x38;
	[tilespmem:$0x14690] =	vst v63  }
0x2b: {  	_ =	swait.ge [sflag:s10], $0x3200  }
0x2c: {  	[sflag:s10] =	ssyncset.done $0x0  }
0x2d: {  	v4 =	vimm.s32 $0x7FFFFFFF;
	s0 =	sadd.s32 $0x40, s5;
	s7 =	sshra.s32 s5, $0x2;
	[sflag:s10] =	ssyncadd.s32 $0xFFFFCE00  }
0x2e: {  	v5 =	vld [tilespmem:s7+$0x2700]  }
.LBB2_31:
0x2f: {  	p1 =	sne.s32 s0, $0x95C0  }
.Ltmp3:
0x30: {  	_ = 	snop;
	(pc) =	sbr.rel @p1 .LBB2_31-.Ltmp3, $3  }
0x31: {  	_ =	sdelay $0x1  }
0x32: {  	s7 =	sshra.s32 s0, $0x2;
	s0 =	sadd.s32 $0x40, s0;
	vm0 =	vlt.s32 v4, v5  }
0x33: {  	v4 =	vsel vm0, v4, v5;
	v5 =	vld [tilespmem:s7+$0x2700]  }
0x34: {  	_ =	sdelay $0x3  }
0x35: {  	vm0 =	vlt.s32 v4, v5  }
0x36: {  	v4 =	vsel vm0, v4, v5  }
0x37: {  	v5 =	vperm.xlane v4, v0;
	_ =	sdelay $0x1  }
0x38: {  	vm0 =	vlt.s32 v4, v5  }
0x39: {  	v4 =	vsel vm0, v4, v5  }
0x3a: {  	v5 =	vperm.xlane v4, v1;
	_ =	sdelay $0x1  }
0x3b: {  	vm0 =	vlt.s32 v4, v5  }
0x3c: {  	v4 =	vsel vm0, v4, v5  }
0x3d: {  	v5 =	vperm.xlane v4, v2;
	_ =	sdelay $0x1  }
0x3e: {  	vm0 =	vlt.s32 v4, v5  }
0x3f: {  	v4 =	vsel vm0, v4, v5  }
0x40: {  	v5 =	vperm.xlane v4, v3;
	_ =	sdelay $0x1  }
0x41: {  	vm0 =	vlt.s32 v4, v5  }
0x42: {  	v4 =	vsel vm0, v4, v5  }
0x43: {  	(v2sf) =	vpush v4, $0x0;
	_ =	sdelay $0x2  }
0x44: {  	s18 =	simm.s32 $0x0  }
0x45: {  	[tilespmem:s15], [sflag:$0x1] =	stream.indirect.gather [hbm4b:s6+s14], $0x40, s18, s14, $0xb8;
	[tilespmem:$0x14690] =	vst v63  }
0x46: {  	s0 =	simm.s32 $0x68;
	s7 =	simm.s32 $0x9790  }
0x47: {  	[tilespmem:s7], [sflag:$0x1] =	stream.indirect.gather [hbm4b:s6+s14], $0x40, s0, s14, $0xb8;
	[tilespmem:$0x14690] =	vst v63  }
0x48: {  	s11 =	simm.s32 $0xD0  }
0x49: {  	[tilespmem:s19], [sflag:$0x2] =	stream.indirect.gather [hbm4b:s6+s14], $0x40, s11, s14, $0xb8;
	[tilespmem:$0x14690] =	vst v63  }
0x4a: {  	s13 =	simm.s32 $0x138;
	s20 =	simm.s32 $0xC990  }
0x4b: {  	[tilespmem:s20], [sflag:$0x2] =	stream.indirect.gather [hbm4b:s6+s14], $0x40, s13, s14, $0xb8;
	[tilespmem:$0x14690] =	vst v63  }
0x4c: {  	s21 =	simm.s32 $0x1A0  }
0x4d: {  	[tilespmem:s23], [sflag:$0x3] =	stream.indirect.gather [hbm4b:s6+s14], $0x40, s21, s14, $0xb8;
	[tilespmem:$0x14690] =	vst v63  }
0x4e: {  	s22 =	simm.s32 $0x208;
	s24 =	simm.s32 $0xFB90  }
0x4f: {  	[tilespmem:s24], [sflag:$0x3] =	stream.indirect.gather [hbm4b:s6+s14], $0x40, s22, s14, $0xb8;
	[tilespmem:$0x14690] =	vst v63  }
0x50: {  	s20 =	simm.s32 $0x2700;
	s21 =	simm.s32 $0x27C8;
	s25 =	spop (v2sf)  }
0x51: {  	s22 =	simm.s32 $0x2890;
	s24 =	simm.s32 $0x2958;
	p1 =	sne.s32 s25, $0x0  }
.LBB2_33:
0x52: {  	p2 =	seq.s32 s18, $0x0  }
0x53: {  	s25 =	sshllo.u32 s18, $0x2;
	s0 =	simm.s32 @!p2 $0x8  }
0x54: {  	s7 =	smul.u32 $0x340, s25;
	_ =	swait.ge @!p2 [sflag:s0], $0x3200  }
0x55: {  	[sflag:s0] =	ssyncset.done @!p2 $0x0  }
0x56: {  	s13 =	sshra.s32 s7, $0x2;
	[sflag:s0] =	ssyncadd.s32 @!p2 $0xFFFFCE00  }
0x57: {  	[tilespmem:s26], [sflag:$0x4] =	stream.indirect.gather [hbm4b:s6+s14], $0x40, s13, s14, $0xb8;
	[tilespmem:$0x14690] =	vst v63  }
0x58: {  	s0 =	sadd.s32 $0x68, s13  }
0x59: {  	[tilespmem:s28], [sflag:$0x4] =	stream.indirect.gather [hbm4b:s6+s14], $0x40, s0, s14, $0xb8;
	[tilespmem:$0x14690] =	vst v63  }
0x5a: {  	_ =	swait.ge [sflag:s29], $0x1900  }
.Ltmp4:
0x5b: {  	[sflag:s29] =	ssyncset.done $0x0;
	(pc) =	sbr.rel @p1 .LBB2_37-.Ltmp4, $4  }
0x5c: {  	[sflag:s29] =	ssyncadd.s32 $0xFFFFE700  }
0x5d: {  	_ =	swait.ge [sflag:s29], $0x1900  }
0x5e: {  	[sflag:s29] =	ssyncset.done $0x0  }
0x5f: {  	[sflag:s29] =	ssyncadd.s32 $0xFFFFE700  }
0x60: {  	v4 =	vmov s20;
	_ =	sdelay $0x3  }
0x61: {  	s0 =	simm.s32 $0x0  }
0x62: {  	v5 =	vld.idx.msk [tilespmem:v4+s0+$0x0 ss:$0x1], $0xffff;
	_ =	sdelay $0x4  }
0x63: {  	(v2sf) =	vpush v5, $0x0;
	_ =	sdelay $0xe  }
0x64: {  	s13 =	spop (v2sf)  }
0x65: {  	p3 =	sne.s32 s13, $0x0  }
0x66: {  	s7 =	simm.s32 $0x7EB0;
	v5 =	vimm.f32 @!p3 $0.0e+00  }
0x67: {  	[tilespmem:s7+$0xFFFFFFE0] =	vst @!p3 v5  }
0x68: {  	[tilespmem:s7+$0xFFFFFFF0] =	vst @!p3 v5  }
0x69: {  	s8 =	simm.s32 $0x4;
	[tilespmem:s7+$0x0] =	vst @!p3 v5  }
.LBB2_35:
0x6a: {  	s0 =	sshra.s32 s8, $0x2;
	s8 =	sadd.s32 $0x4, s8;
	[tilespmem:s7+$0x10] =	vst @!p3 v5  }
0x6b: {  	v5 =	vld.idx.msk [tilespmem:v4+s0+$0x0 ss:$0x1], $0xffff;
	p2 =	sne.s32 s8, $0x320;
	_ =	sdelay $0x5  }
0x6c: {  	(v2sf) =	vpush v5, $0x0;
	_ =	sdelay $0xe  }
0x6d: {  	s0 =	spop (v2sf)  }
.Ltmp5:
0x6e: {  	p3 =	sne.s32 s0, $0x0;
	(pc) =	sbr.rel @p2 .LBB2_35-.Ltmp5, $4  }
0x6f: {  	s7 =	sadd.s32 $0x40, s7;
	v5 =	vimm.f32 @!p3 $0.0e+00  }
0x70: {  	[tilespmem:s7+$0xFFFFFFE0] =	vst @!p3 v5  }
0x71: {  	[tilespmem:s7+$0xFFFFFFF0] =	vst @!p3 v5  }
0x72: {  	[tilespmem:s7+$0x0] =	vst @!p3 v5  }
0x73: {  	[tilespmem:s7+$0x10] =	vst @!p3 v5  }
.LBB2_37:
0x74: {  	s7 =	simm.s32 $0x0  }
0x75: {  	v9 =	vld [tilespmem:s7+$0x4C90]  }
0x76: {  	v10 =	vld [tilespmem:s7+$0x4CA0]  }
0x77: {  	v5 =	vld [tilespmem:s7+$0x4CB0]  }
0x78: {  	v4 =	vld [tilespmem:s7+$0x4CC0]  }
0x79: {  	v6 =	vld [tilespmem:s7+$0x7E90]  }
0x7a: {  	v7 =	vld [tilespmem:s7+$0x7EA0]  }
0x7b: {  	s8 =	sshll.u32 s18, $0x2;
	s0 =	simm.s32 $0x100;
	v8 =	vld [tilespmem:s7+$0x7EB0]  }
.LBB2_38:
0x7c: {  	s9 =	sshra.s32 s0, $0x2;
	p2 =	sne.s32 s0, $0xC700;
	v11 =	vld [tilespmem:s7+$0x7EC0];
	v12 =	vmov v5  }
0x7d: {  	v13 =	vld [tilespmem:s9+$0x4C90];
	v14 =	vmov v4  }
0x7e: {  	v15 =	vld [tilespmem:s9+$0x4CA0];
	v6 =	vadd.f32 v9, v6  }
.Ltmp6:
0x7f: {  	v5 =	vld [tilespmem:s9+$0x4CB0];
	v7 =	vadd.f32 v10, v7;
	(pc) =	sbr.rel @p2 .LBB2_38-.Ltmp6, $4  }
0x80: {  	v4 =	vld [tilespmem:s9+$0x4CC0];
	[tilespmem:s7+$0x7E90] =	vst v6;
	v8 =	vadd.f32 v12, v8  }
0x81: {  	v6 =	vld [tilespmem:s9+$0x7E90];
	[tilespmem:s7+$0x7EA0] =	vst v7;
	v11 =	vadd.f32 v14, v11  }
0x82: {  	v7 =	vld [tilespmem:s9+$0x7EA0];
	[tilespmem:s7+$0x7EB0] =	vst v8;
	v9 =	vmov v13  }
0x83: {  	s0 =	sadd.s32 $0x100, s0;
	v8 =	vld [tilespmem:s9+$0x7EB0];
	[tilespmem:s7+$0x7EC0] =	vst v11;
	v10 =	vmov v15;
	s7 =	smov.u32 s9  }
0x84: {  	v11 =	vld [tilespmem:s7+$0x7EC0];
	_ =	sdelay $0x1  }
0x85: {  	v6 =	vadd.f32 v9, v6  }
0x86: {  	v7 =	vadd.f32 v10, v7  }
0x87: {  	s0 =	sadd.s32 s4, s8;
	[tilespmem:s7+$0x7E90] =	vst v6;
	v5 =	vadd.f32 v5, v8  }
0x88: {  	s0 =	smul.u32 $0x640, s0;
	[tilespmem:s7+$0x7EA0] =	vst v7;
	v4 =	vadd.f32 v4, v11  }
0x89: {  	[tilespmem:s7+$0x7EB0] =	vst v5  }
0x8a: {  	p2 =	seq.s32 s18, $0xB;
	s0 =	sadd.s32 s3, s0;
	[tilespmem:s7+$0x7EC0] =	vst v4  }
0x8b: {  	[hbm4b:s0+s5] =	stream.linear.scatter [tilespmem:s15], [sflag:$0x5], $0x3200, $0x38;
	[tilespmem:$0x14690] =	vst v63  }
0x8c: {  	s7 =	smul.u32 @!p2 $0xD00, s18;
	s0 =	simm.s32 @!p2 $0x5  }
0x8d: {  	_ =	swait.ge @!p2 [sflag:s0], $0x3200  }
0x8e: {  	s9 =	simm.s32 @!p2 $0x64;
	s7 =	sshra.s32 @!p2 s7, $0x2;
	[sflag:s0] =	ssyncset.done @!p2 $0x0  }
0x8f: {  	s11 =	simm.s32 @!p2 $0x7E90;
	[sflag:s0] =	ssyncadd.s32 @!p2 $0xFFFFCE00;
	s0 =	sadd.s32 @!p2 $0x340, s7  }
0x90: {  	[tilespmem:s11], [sflag:$0x1] =	stream.indirect.gather @!p2 [hbm4b:s6+s9], $0x40, s0, s9, $0xb8;
	[tilespmem:$0x14690] =	vst v63  }
0x91: {  	s0 =	sadd.s32 @!p2 $0x3A8, s7;
	s11 =	simm.s32 @!p2 $0x9790  }
0x92: {  	[tilespmem:s11], [sflag:$0x1] =	stream.indirect.gather @!p2 [hbm4b:s6+s9], $0x40, s0, s9, $0xb8;
	[tilespmem:$0x14690] =	vst v63  }
0x93: {  	_ =	swait.ge [sflag:s30], $0x1900  }
.Ltmp7:
0x94: {  	[sflag:s30] =	ssyncset.done $0x0;
	(pc) =	sbr.rel @p1 .LBB2_43-.Ltmp7, $4  }
0x95: {  	[sflag:s30] =	ssyncadd.s32 $0xFFFFE700  }
0x96: {  	_ =	swait.ge [sflag:s30], $0x1900  }
0x97: {  	[sflag:s30] =	ssyncset.done $0x0  }
0x98: {  	[sflag:s30] =	ssyncadd.s32 $0xFFFFE700  }
0x99: {  	v4 =	vmov s21;
	_ =	sdelay $0x3  }
0x9a: {  	s0 =	simm.s32 $0x0  }
0x9b: {  	v5 =	vld.idx.msk [tilespmem:v4+s0+$0x0 ss:$0x1], $0xffff;
	_ =	sdelay $0x4  }
0x9c: {  	(v2sf) =	vpush v5, $0x0;
	_ =	sdelay $0xe  }
0x9d: {  	s13 =	spop (v2sf)  }
0x9e: {  	p4 =	sne.s32 s13, $0x0  }
0x9f: {  	s9 =	simm.s32 $0xB0B0;
	v5 =	vimm.f32 @!p4 $0.0e+00  }
0xa0: {  	[tilespmem:s9+$0xFFFFFFE0] =	vst @!p4 v5  }
0xa1: {  	[tilespmem:s9+$0xFFFFFFF0] =	vst @!p4 v5  }
0xa2: {  	s13 =	simm.s32 $0x4;
	[tilespmem:s9+$0x0] =	vst @!p4 v5  }
.LBB2_41:
0xa3: {  	s0 =	sshra.s32 s13, $0x2;
	s13 =	sadd.s32 $0x4, s13;
	[tilespmem:s9+$0x10] =	vst @!p4 v5  }
0xa4: {  	v5 =	vld.idx.msk [tilespmem:v4+s0+$0x0 ss:$0x1], $0xffff;
	p3 =	sne.s32 s13, $0x320;
	_ =	sdelay $0x5  }
0xa5: {  	(v2sf) =	vpush v5, $0x0;
	_ =	sdelay $0xe  }
0xa6: {  	s0 =	spop (v2sf)  }
.Ltmp8:
0xa7: {  	p4 =	sne.s32 s0, $0x0;
	(pc) =	sbr.rel @p3 .LBB2_41-.Ltmp8, $4  }
0xa8: {  	s9 =	sadd.s32 $0x40, s9;
	v5 =	vimm.f32 @!p4 $0.0e+00  }
0xa9: {  	[tilespmem:s9+$0xFFFFFFE0] =	vst @!p4 v5  }
0xaa: {  	[tilespmem:s9+$0xFFFFFFF0] =	vst @!p4 v5  }
0xab: {  	[tilespmem:s9+$0x0] =	vst @!p4 v5  }
0xac: {  	[tilespmem:s9+$0x10] =	vst @!p4 v5  }
.LBB2_43:
0xad: {  	s9 =	simm.s32 $0x0  }
0xae: {  	v9 =	vld [tilespmem:s9+$0x4C90]  }
0xaf: {  	v10 =	vld [tilespmem:s9+$0x4CA0]  }
0xb0: {  	v5 =	vld [tilespmem:s9+$0x4CB0]  }
0xb1: {  	v4 =	vld [tilespmem:s9+$0x4CC0]  }
0xb2: {  	v6 =	vld [tilespmem:s9+$0xB090]  }
0xb3: {  	v7 =	vld [tilespmem:s9+$0xB0A0]  }
0xb4: {  	s13 =	sor.u32 $0x1, s8;
	s0 =	simm.s32 $0x100;
	v8 =	vld [tilespmem:s9+$0xB0B0]  }
.LBB2_44:
0xb5: {  	s11 =	sshra.s32 s0, $0x2;
	p3 =	sne.s32 s0, $0xC700;
	v11 =	vld [tilespmem:s9+$0xB0C0];
	v12 =	vmov v5  }
0xb6: {  	v13 =	vld [tilespmem:s11+$0x4C90];
	v14 =	vmov v4  }
0xb7: {  	v15 =	vld [tilespmem:s11+$0x4CA0];
	v6 =	vadd.f32 v9, v6  }
.Ltmp9:
0xb8: {  	v5 =	vld [tilespmem:s11+$0x4CB0];
	v7 =	vadd.f32 v10, v7;
	(pc) =	sbr.rel @p3 .LBB2_44-.Ltmp9, $4  }
0xb9: {  	v4 =	vld [tilespmem:s11+$0x4CC0];
	[tilespmem:s9+$0xB090] =	vst v6;
	v8 =	vadd.f32 v12, v8  }
0xba: {  	v6 =	vld [tilespmem:s11+$0xB090];
	[tilespmem:s9+$0xB0A0] =	vst v7;
	v11 =	vadd.f32 v14, v11  }
0xbb: {  	v7 =	vld [tilespmem:s11+$0xB0A0];
	[tilespmem:s9+$0xB0B0] =	vst v8;
	v9 =	vmov v13  }
0xbc: {  	s0 =	sadd.s32 $0x100, s0;
	v8 =	vld [tilespmem:s11+$0xB0B0];
	[tilespmem:s9+$0xB0C0] =	vst v11;
	v10 =	vmov v15;
	s9 =	smov.u32 s11  }
0xbd: {  	v11 =	vld [tilespmem:s9+$0xB0C0];
	_ =	sdelay $0x1  }
0xbe: {  	v6 =	vadd.f32 v9, v6  }
0xbf: {  	v7 =	vadd.f32 v10, v7  }
0xc0: {  	s0 =	sadd.s32 s4, s13;
	[tilespmem:s9+$0xB090] =	vst v6;
	v5 =	vadd.f32 v5, v8  }
0xc1: {  	s0 =	smul.u32 $0x640, s0;
	[tilespmem:s9+$0xB0A0] =	vst v7;
	v4 =	vadd.f32 v4, v11  }
0xc2: {  	[tilespmem:s9+$0xB0B0] =	vst v5  }
0xc3: {  	s0 =	sadd.s32 s3, s0;
	[tilespmem:s9+$0xB0C0] =	vst v4  }
0xc4: {  	[hbm4b:s0+s5] =	stream.linear.scatter [tilespmem:s19], [sflag:$0x6], $0x3200, $0x38;
	[tilespmem:$0x14690] =	vst v63  }
0xc5: {  	s0 =	simm.s32 @!p2 $0x6  }
0xc6: {  	_ =	swait.ge @!p2 [sflag:s0], $0x3200  }
0xc7: {  	s11 =	simm.s32 @!p2 $0xB090;
	[sflag:s0] =	ssyncset.done @!p2 $0x0  }
0xc8: {  	s9 =	simm.s32 @!p2 $0x64;
	[sflag:s0] =	ssyncadd.s32 @!p2 $0xFFFFCE00;
	s0 =	sadd.s32 @!p2 $0x410, s7  }
0xc9: {  	[tilespmem:s11], [sflag:$0x2] =	stream.indirect.gather @!p2 [hbm4b:s6+s9], $0x40, s0, s9, $0xb8;
	[tilespmem:$0x14690] =	vst v63  }
0xca: {  	s0 =	sadd.s32 @!p2 $0x478, s7;
	s11 =	simm.s32 @!p2 $0xC990  }
0xcb: {  	[tilespmem:s11], [sflag:$0x2] =	stream.indirect.gather @!p2 [hbm4b:s6+s9], $0x40, s0, s9, $0xb8;
	[tilespmem:$0x14690] =	vst v63  }
0xcc: {  	_ =	swait.ge [sflag:s31], $0x1900  }
.Ltmp10:
0xcd: {  	[sflag:s31] =	ssyncset.done $0x0;
	(pc) =	sbr.rel @p1 .LBB2_49-.Ltmp10, $4  }
0xce: {  	[sflag:s31] =	ssyncadd.s32 $0xFFFFE700  }
0xcf: {  	_ =	swait.ge [sflag:s31], $0x1900  }
0xd0: {  	[sflag:s31] =	ssyncset.done $0x0  }
0xd1: {  	[sflag:s31] =	ssyncadd.s32 $0xFFFFE700  }
0xd2: {  	v4 =	vmov s22;
	_ =	sdelay $0x3  }
0xd3: {  	s0 =	simm.s32 $0x0  }
0xd4: {  	v5 =	vld.idx.msk [tilespmem:v4+s0+$0x0 ss:$0x1], $0xffff;
	_ =	sdelay $0x4  }
0xd5: {  	(v2sf) =	vpush v5, $0x0;
	_ =	sdelay $0xe  }
0xd6: {  	s13 =	spop (v2sf)  }
0xd7: {  	p4 =	sne.s32 s13, $0x0  }
0xd8: {  	s9 =	simm.s32 $0xE2B0;
	v5 =	vimm.f32 @!p4 $0.0e+00  }
0xd9: {  	[tilespmem:s9+$0xFFFFFFE0] =	vst @!p4 v5  }
0xda: {  	[tilespmem:s9+$0xFFFFFFF0] =	vst @!p4 v5  }
0xdb: {  	s13 =	simm.s32 $0x4;
	[tilespmem:s9+$0x0] =	vst @!p4 v5  }
.LBB2_47:
0xdc: {  	s0 =	sshra.s32 s13, $0x2;
	s13 =	sadd.s32 $0x4, s13;
	[tilespmem:s9+$0x10] =	vst @!p4 v5  }
0xdd: {  	v5 =	vld.idx.msk [tilespmem:v4+s0+$0x0 ss:$0x1], $0xffff;
	p3 =	sne.s32 s13, $0x320;
	_ =	sdelay $0x5  }
0xde: {  	(v2sf) =	vpush v5, $0x0;
	_ =	sdelay $0xe  }
0xdf: {  	s0 =	spop (v2sf)  }
.Ltmp11:
0xe0: {  	p4 =	sne.s32 s0, $0x0;
	(pc) =	sbr.rel @p3 .LBB2_47-.Ltmp11, $4  }
0xe1: {  	s9 =	sadd.s32 $0x40, s9;
	v5 =	vimm.f32 @!p4 $0.0e+00  }
0xe2: {  	[tilespmem:s9+$0xFFFFFFE0] =	vst @!p4 v5  }
0xe3: {  	[tilespmem:s9+$0xFFFFFFF0] =	vst @!p4 v5  }
0xe4: {  	[tilespmem:s9+$0x0] =	vst @!p4 v5  }
0xe5: {  	[tilespmem:s9+$0x10] =	vst @!p4 v5  }
.LBB2_49:
0xe6: {  	s9 =	simm.s32 $0x0  }
0xe7: {  	v9 =	vld [tilespmem:s9+$0x4C90]  }
0xe8: {  	v10 =	vld [tilespmem:s9+$0x4CA0]  }
0xe9: {  	v5 =	vld [tilespmem:s9+$0x4CB0]  }
0xea: {  	v4 =	vld [tilespmem:s9+$0x4CC0]  }
0xeb: {  	v6 =	vld [tilespmem:s9+$0xE290]  }
0xec: {  	v7 =	vld [tilespmem:s9+$0xE2A0]  }
0xed: {  	s8 =	sor.u32 $0x2, s8;
	s0 =	simm.s32 $0x100;
	v8 =	vld [tilespmem:s9+$0xE2B0]  }
.LBB2_50:
0xee: {  	s11 =	sshra.s32 s0, $0x2;
	p3 =	sne.s32 s0, $0xC700;
	v11 =	vld [tilespmem:s9+$0xE2C0];
	v12 =	vmov v5  }
0xef: {  	v13 =	vld [tilespmem:s11+$0x4C90];
	v14 =	vmov v4  }
0xf0: {  	v15 =	vld [tilespmem:s11+$0x4CA0];
	v6 =	vadd.f32 v9, v6  }
.Ltmp12:
0xf1: {  	v5 =	vld [tilespmem:s11+$0x4CB0];
	v7 =	vadd.f32 v10, v7;
	(pc) =	sbr.rel @p3 .LBB2_50-.Ltmp12, $4  }
0xf2: {  	v4 =	vld [tilespmem:s11+$0x4CC0];
	[tilespmem:s9+$0xE290] =	vst v6;
	v8 =	vadd.f32 v12, v8  }
0xf3: {  	v6 =	vld [tilespmem:s11+$0xE290];
	[tilespmem:s9+$0xE2A0] =	vst v7;
	v11 =	vadd.f32 v14, v11  }
0xf4: {  	v7 =	vld [tilespmem:s11+$0xE2A0];
	[tilespmem:s9+$0xE2B0] =	vst v8;
	v9 =	vmov v13  }
0xf5: {  	s0 =	sadd.s32 $0x100, s0;
	v8 =	vld [tilespmem:s11+$0xE2B0];
	[tilespmem:s9+$0xE2C0] =	vst v11;
	v10 =	vmov v15;
	s9 =	smov.u32 s11  }
0xf6: {  	v11 =	vld [tilespmem:s9+$0xE2C0];
	_ =	sdelay $0x1  }
0xf7: {  	v6 =	vadd.f32 v9, v6  }
0xf8: {  	v7 =	vadd.f32 v10, v7  }
0xf9: {  	s0 =	sadd.s32 s4, s8;
	[tilespmem:s9+$0xE290] =	vst v6;
	v5 =	vadd.f32 v5, v8  }
0xfa: {  	s0 =	smul.u32 $0x640, s0;
	[tilespmem:s9+$0xE2A0] =	vst v7;
	v4 =	vadd.f32 v4, v11  }
0xfb: {  	[tilespmem:s9+$0xE2B0] =	vst v5  }
0xfc: {  	s0 =	sadd.s32 s3, s0;
	[tilespmem:s9+$0xE2C0] =	vst v4  }
0xfd: {  	[hbm4b:s0+s5] =	stream.linear.scatter [tilespmem:s23], [sflag:$0x7], $0x3200, $0x38;
	[tilespmem:$0x14690] =	vst v63  }
0xfe: {  	s0 =	simm.s32 @!p2 $0x7  }
0xff: {  	_ =	swait.ge @!p2 [sflag:s0], $0x3200  }
0x100: {  	s8 =	simm.s32 @!p2 $0x64;
	[sflag:s0] =	ssyncset.done @!p2 $0x0  }
0x101: {  	s9 =	simm.s32 @!p2 $0xE290;
	[sflag:s0] =	ssyncadd.s32 @!p2 $0xFFFFCE00;
	s0 =	sadd.s32 @!p2 $0x4E0, s7  }
0x102: {  	[tilespmem:s9], [sflag:$0x3] =	stream.indirect.gather @!p2 [hbm4b:s6+s8], $0x40, s0, s8, $0xb8;
	[tilespmem:$0x14690] =	vst v63  }
0x103: {  	s0 =	sadd.s32 @!p2 $0x548, s7;
	s7 =	simm.s32 @!p2 $0xFB90  }
0x104: {  	[tilespmem:s7], [sflag:$0x3] =	stream.indirect.gather @!p2 [hbm4b:s6+s8], $0x40, s0, s8, $0xb8;
	[tilespmem:$0x14690] =	vst v63  }
0x105: {  	_ =	swait.ge [sflag:s1], $0x1900  }
.Ltmp13:
0x106: {  	[sflag:s1] =	ssyncset.done $0x0;
	(pc) =	sbr.rel @p1 .LBB2_55-.Ltmp13, $4  }
0x107: {  	[sflag:s1] =	ssyncadd.s32 $0xFFFFE700  }
0x108: {  	_ =	swait.ge [sflag:s1], $0x1900  }
0x109: {  	[sflag:s1] =	ssyncset.done $0x0  }
0x10a: {  	[sflag:s1] =	ssyncadd.s32 $0xFFFFE700  }
0x10b: {  	v4 =	vmov s24;
	_ =	sdelay $0x3  }
0x10c: {  	s0 =	simm.s32 $0x0  }
0x10d: {  	v5 =	vld.idx.msk [tilespmem:v4+s0+$0x0 ss:$0x1], $0xffff;
	_ =	sdelay $0x4  }
0x10e: {  	(v2sf) =	vpush v5, $0x0;
	_ =	sdelay $0xe  }
0x10f: {  	s13 =	spop (v2sf)  }
0x110: {  	p3 =	sne.s32 s13, $0x0  }
0x111: {  	s7 =	simm.s32 $0x114B0;
	v5 =	vimm.f32 @!p3 $0.0e+00  }
0x112: {  	[tilespmem:s7+$0xFFFFFFE0] =	vst @!p3 v5  }
0x113: {  	[tilespmem:s7+$0xFFFFFFF0] =	vst @!p3 v5  }
0x114: {  	s8 =	simm.s32 $0x4;
	[tilespmem:s7+$0x0] =	vst @!p3 v5  }
.LBB2_53:
0x115: {  	s0 =	sshra.s32 s8, $0x2;
	s8 =	sadd.s32 $0x4, s8;
	[tilespmem:s7+$0x10] =	vst @!p3 v5  }
0x116: {  	v5 =	vld.idx.msk [tilespmem:v4+s0+$0x0 ss:$0x1], $0xffff;
	p2 =	sne.s32 s8, $0x320;
	_ =	sdelay $0x5  }
0x117: {  	(v2sf) =	vpush v5, $0x0;
	_ =	sdelay $0xe  }
0x118: {  	s0 =	spop (v2sf)  }
.Ltmp14:
0x119: {  	p3 =	sne.s32 s0, $0x0;
	(pc) =	sbr.rel @p2 .LBB2_53-.Ltmp14, $4  }
0x11a: {  	s7 =	sadd.s32 $0x40, s7;
	v5 =	vimm.f32 @!p3 $0.0e+00  }
0x11b: {  	[tilespmem:s7+$0xFFFFFFE0] =	vst @!p3 v5  }
0x11c: {  	[tilespmem:s7+$0xFFFFFFF0] =	vst @!p3 v5  }
0x11d: {  	[tilespmem:s7+$0x0] =	vst @!p3 v5  }
0x11e: {  	[tilespmem:s7+$0x10] =	vst @!p3 v5  }
.LBB2_55:
0x11f: {  	s7 =	simm.s32 $0x0  }
0x120: {  	v9 =	vld [tilespmem:s7+$0x4C90]  }
0x121: {  	v10 =	vld [tilespmem:s7+$0x4CA0]  }
0x122: {  	v5 =	vld [tilespmem:s7+$0x4CB0]  }
0x123: {  	v4 =	vld [tilespmem:s7+$0x4CC0]  }
0x124: {  	v6 =	vld [tilespmem:s7+$0x11490]  }
0x125: {  	v8 =	vld [tilespmem:s7+$0x114A0]  }
0x126: {  	s0 =	simm.s32 $0x100;
	v7 =	vld [tilespmem:s7+$0x114B0]  }
.LBB2_56:
0x127: {  	s8 =	sshra.s32 s0, $0x2;
	p2 =	sne.s32 s0, $0xC700;
	v11 =	vld [tilespmem:s7+$0x114C0];
	v12 =	vmov v5  }
0x128: {  	v13 =	vld [tilespmem:s8+$0x4C90];
	v14 =	vmov v4  }
0x129: {  	v15 =	vld [tilespmem:s8+$0x4CA0];
	v6 =	vadd.f32 v9, v6  }
.Ltmp15:
0x12a: {  	v5 =	vld [tilespmem:s8+$0x4CB0];
	v8 =	vadd.f32 v10, v8;
	(pc) =	sbr.rel @p2 .LBB2_56-.Ltmp15, $4  }
0x12b: {  	v4 =	vld [tilespmem:s8+$0x4CC0];
	[tilespmem:s7+$0x11490] =	vst v6;
	v7 =	vadd.f32 v12, v7  }
0x12c: {  	v6 =	vld [tilespmem:s8+$0x11490];
	[tilespmem:s7+$0x114A0] =	vst v8;
	v11 =	vadd.f32 v14, v11  }
0x12d: {  	v8 =	vld [tilespmem:s8+$0x114A0];
	[tilespmem:s7+$0x114B0] =	vst v7;
	v9 =	vmov v13  }
0x12e: {  	s0 =	sadd.s32 $0x100, s0;
	v7 =	vld [tilespmem:s8+$0x114B0];
	[tilespmem:s7+$0x114C0] =	vst v11;
	v10 =	vmov v15;
	s7 =	smov.u32 s8  }
0x12f: {  	v11 =	vld [tilespmem:s7+$0x114C0];
	_ =	sdelay $0x1  }
0x130: {  	s0 =	sadd.s32 s4, s25;
	s18 =	sadd.s32 $0x1, s18;
	v6 =	vadd.f32 v9, v6  }
0x131: {  	s0 =	smul.u32 $0x640, s0;
	p2 =	sne.s32 s18, $0xC;
	v8 =	vadd.f32 v10, v8  }
.Ltmp16:
0x132: {  	[tilespmem:s7+$0x11490] =	vst v6;
	v5 =	vadd.f32 v5, v7;
	(pc) =	sbr.rel @p2 .LBB2_33-.Ltmp16, $4  }
.Ltmp17:
0x133: {  	[tilespmem:s7+$0x114A0] =	vst v8;
	v4 =	vadd.f32 v4, v11;
	(pc) =	sbr.rel @!p2 .LBB2_58-.Ltmp17, $4  }
0x134: {  	s20 =	sadd.s32 $0x320, s20;
	s21 =	sadd.s32 $0x320, s21;
	[tilespmem:s7+$0x114B0] =	vst v5  }
0x135: {  	s22 =	sadd.s32 $0x320, s22;
	s24 =	sadd.s32 $0x320, s24;
	s0 =	sadd.s32 s3, s0;
	[tilespmem:s7+$0x114C0] =	vst v4  }
0x136: {  	[hbm4b:s0+s5] =	stream.linear.scatter [tilespmem:s26], [sflag:$0x8], $0x3200, $0x38;
	[tilespmem:$0x14690] =	vst v63  }
0x137: {  	_ = 	snop  }
.LBB2_2:
0x138: {  	v5 =	vld [tilespmem:s7+$0x2700]  }
.LBB2_3:
0x139: {  	p1 =	sne.s32 s0, $0x31C0  }
.Ltmp18:
0x13a: {  	_ = 	snop;
	(pc) =	sbr.rel @p1 .LBB2_3-.Ltmp18, $3  }
0x13b: {  	_ =	sdelay $0x1  }
0x13c: {  	s7 =	sshra.s32 s0, $0x2;
	s0 =	sadd.s32 $0x40, s0;
	vm0 =	vlt.s32 v4, v5  }
0x13d: {  	v4 =	vsel vm0, v4, v5;
	v5 =	vld [tilespmem:s7+$0x2700]  }
0x13e: {  	_ =	sdelay $0x3  }
0x13f: {  	vm0 =	vlt.s32 v4, v5  }
0x140: {  	v4 =	vsel vm0, v4, v5  }
0x141: {  	v5 =	vperm.xlane v4, v0;
	_ =	sdelay $0x1  }
0x142: {  	vm0 =	vlt.s32 v4, v5  }
0x143: {  	v4 =	vsel vm0, v4, v5  }
0x144: {  	v5 =	vperm.xlane v4, v1;
	_ =	sdelay $0x1  }
0x145: {  	vm0 =	vlt.s32 v4, v5  }
0x146: {  	v4 =	vsel vm0, v4, v5  }
0x147: {  	v5 =	vperm.xlane v4, v2;
	_ =	sdelay $0x1  }
0x148: {  	vm0 =	vlt.s32 v4, v5  }
0x149: {  	v4 =	vsel vm0, v4, v5  }
0x14a: {  	v5 =	vperm.xlane v4, v3;
	_ =	sdelay $0x1  }
0x14b: {  	vm0 =	vlt.s32 v4, v5  }
0x14c: {  	v4 =	vsel vm0, v4, v5  }
0x14d: {  	(v2sf) =	vpush v4, $0x0;
	_ =	sdelay $0x2  }
0x14e: {  	s18 =	simm.s32 $0x0  }
0x14f: {  	[tilespmem:s15], [sflag:$0x1] =	stream.indirect.gather [hbm4b:s6+s14], $0x40, s18, s14, $0xb8;
	[tilespmem:$0x14690] =	vst v63  }
0x150: {  	s0 =	simm.s32 $0x68;
	s7 =	simm.s32 $0x9790  }
0x151: {  	[tilespmem:s7], [sflag:$0x1] =	stream.indirect.gather [hbm4b:s6+s14], $0x40, s0, s14, $0xb8;
	[tilespmem:$0x14690] =	vst v63  }
0x152: {  	s11 =	simm.s32 $0xD0  }
0x153: {  	[tilespmem:s19], [sflag:$0x2] =	stream.indirect.gather [hbm4b:s6+s14], $0x40, s11, s14, $0xb8;
	[tilespmem:$0x14690] =	vst v63  }
0x154: {  	s13 =	simm.s32 $0x138;
	s20 =	simm.s32 $0xC990  }
0x155: {  	[tilespmem:s20], [sflag:$0x2] =	stream.indirect.gather [hbm4b:s6+s14], $0x40, s13, s14, $0xb8;
	[tilespmem:$0x14690] =	vst v63  }
0x156: {  	s21 =	simm.s32 $0x1A0  }
0x157: {  	[tilespmem:s23], [sflag:$0x3] =	stream.indirect.gather [hbm4b:s6+s14], $0x40, s21, s14, $0xb8;
	[tilespmem:$0x14690] =	vst v63  }
0x158: {  	s22 =	simm.s32 $0x208;
	s24 =	simm.s32 $0xFB90  }
0x159: {  	[tilespmem:s24], [sflag:$0x3] =	stream.indirect.gather [hbm4b:s6+s14], $0x40, s22, s14, $0xb8;
	[tilespmem:$0x14690] =	vst v63  }
0x15a: {  	s20 =	simm.s32 $0x2700;
	s21 =	simm.s32 $0x27C8;
	s25 =	spop (v2sf)  }
0x15b: {  	s22 =	simm.s32 $0x2890;
	s24 =	simm.s32 $0x2958;
	p1 =	sne.s32 s25, $0x0  }
.LBB2_5:
0x15c: {  	p2 =	seq.s32 s18, $0x0  }
0x15d: {  	s25 =	sshllo.u32 s18, $0x2;
	s0 =	simm.s32 @!p2 $0x8  }
0x15e: {  	s7 =	smul.u32 $0x340, s25;
	_ =	swait.ge @!p2 [sflag:s0], $0x3200  }
0x15f: {  	[sflag:s0] =	ssyncset.done @!p2 $0x0  }
0x160: {  	s13 =	sshra.s32 s7, $0x2;
	[sflag:s0] =	ssyncadd.s32 @!p2 $0xFFFFCE00  }
0x161: {  	[tilespmem:s26], [sflag:$0x4] =	stream.indirect.gather [hbm4b:s6+s14], $0x40, s13, s14, $0xb8;
	[tilespmem:$0x14690] =	vst v63  }
0x162: {  	s0 =	sadd.s32 $0x68, s13  }
0x163: {  	[tilespmem:s28], [sflag:$0x4] =	stream.indirect.gather [hbm4b:s6+s14], $0x40, s0, s14, $0xb8;
	[tilespmem:$0x14690] =	vst v63  }
0x164: {  	_ =	swait.ge [sflag:s29], $0x1900  }
.Ltmp19:
0x165: {  	[sflag:s29] =	ssyncset.done $0x0;
	(pc) =	sbr.rel @p1 .LBB2_9-.Ltmp19, $4  }
0x166: {  	[sflag:s29] =	ssyncadd.s32 $0xFFFFE700  }
0x167: {  	_ =	swait.ge [sflag:s29], $0x1900  }
0x168: {  	[sflag:s29] =	ssyncset.done $0x0  }
0x169: {  	[sflag:s29] =	ssyncadd.s32 $0xFFFFE700  }
0x16a: {  	v4 =	vmov s20;
	_ =	sdelay $0x3  }
0x16b: {  	s0 =	simm.s32 $0x0  }
0x16c: {  	v5 =	vld.idx.msk [tilespmem:v4+s0+$0x0 ss:$0x1], $0xffff;
	_ =	sdelay $0x4  }
0x16d: {  	(v2sf) =	vpush v5, $0x0;
	_ =	sdelay $0xe  }
0x16e: {  	s13 =	spop (v2sf)  }
0x16f: {  	p3 =	sne.s32 s13, $0x0  }
0x170: {  	s7 =	simm.s32 $0x7EB0;
	v5 =	vimm.f32 @!p3 $0.0e+00  }
0x171: {  	[tilespmem:s7+$0xFFFFFFE0] =	vst @!p3 v5  }
0x172: {  	[tilespmem:s7+$0xFFFFFFF0] =	vst @!p3 v5  }
0x173: {  	s8 =	simm.s32 $0x4;
	[tilespmem:s7+$0x0] =	vst @!p3 v5  }
.LBB2_7:
0x174: {  	s0 =	sshra.s32 s8, $0x2;
	s8 =	sadd.s32 $0x4, s8;
	[tilespmem:s7+$0x10] =	vst @!p3 v5  }
0x175: {  	v5 =	vld.idx.msk [tilespmem:v4+s0+$0x0 ss:$0x1], $0xffff;
	p2 =	sne.s32 s8, $0x320;
	_ =	sdelay $0x5  }
0x176: {  	(v2sf) =	vpush v5, $0x0;
	_ =	sdelay $0xe  }
0x177: {  	s0 =	spop (v2sf)  }
.Ltmp20:
0x178: {  	p3 =	sne.s32 s0, $0x0;
	(pc) =	sbr.rel @p2 .LBB2_7-.Ltmp20, $4  }
0x179: {  	s7 =	sadd.s32 $0x40, s7;
	v5 =	vimm.f32 @!p3 $0.0e+00  }
0x17a: {  	[tilespmem:s7+$0xFFFFFFE0] =	vst @!p3 v5  }
0x17b: {  	[tilespmem:s7+$0xFFFFFFF0] =	vst @!p3 v5  }
0x17c: {  	[tilespmem:s7+$0x0] =	vst @!p3 v5  }
0x17d: {  	[tilespmem:s7+$0x10] =	vst @!p3 v5  }
.LBB2_9:
0x17e: {  	s7 =	simm.s32 $0x0  }
0x17f: {  	v9 =	vld [tilespmem:s7+$0x4C90]  }
0x180: {  	v10 =	vld [tilespmem:s7+$0x4CA0]  }
0x181: {  	v5 =	vld [tilespmem:s7+$0x4CB0]  }
0x182: {  	v4 =	vld [tilespmem:s7+$0x4CC0]  }
0x183: {  	v6 =	vld [tilespmem:s7+$0x7E90]  }
0x184: {  	v7 =	vld [tilespmem:s7+$0x7EA0]  }
0x185: {  	s8 =	sshll.u32 s18, $0x2;
	s9 =	simm.s32 $0x100;
	v8 =	vld [tilespmem:s7+$0x7EB0]  }
.LBB2_10:
0x186: {  	s0 =	sshra.s32 s9, $0x2;
	p2 =	sne.s32 s9, $0xC700;
	v11 =	vld [tilespmem:s7+$0x7EC0];
	v12 =	vmov v5  }
0x187: {  	v13 =	vld [tilespmem:s0+$0x4C90];
	v14 =	vmov v4  }
0x188: {  	v15 =	vld [tilespmem:s0+$0x4CA0];
	v6 =	vadd.f32 v9, v6  }
.Ltmp21:
0x189: {  	v5 =	vld [tilespmem:s0+$0x4CB0];
	v7 =	vadd.f32 v10, v7;
	(pc) =	sbr.rel @p2 .LBB2_10-.Ltmp21, $4  }
0x18a: {  	v4 =	vld [tilespmem:s0+$0x4CC0];
	[tilespmem:s7+$0x7E90] =	vst v6;
	v8 =	vadd.f32 v12, v8  }
0x18b: {  	v6 =	vld [tilespmem:s0+$0x7E90];
	[tilespmem:s7+$0x7EA0] =	vst v7;
	v11 =	vadd.f32 v14, v11  }
0x18c: {  	v7 =	vld [tilespmem:s0+$0x7EA0];
	[tilespmem:s7+$0x7EB0] =	vst v8;
	v9 =	vmov v13  }
0x18d: {  	s9 =	sadd.s32 $0x100, s9;
	v8 =	vld [tilespmem:s0+$0x7EB0];
	[tilespmem:s7+$0x7EC0] =	vst v11;
	v10 =	vmov v15;
	s7 =	smov.u32 s0  }
0x18e: {  	v11 =	vld [tilespmem:s7+$0x7EC0];
	_ =	sdelay $0x1  }
0x18f: {  	v6 =	vadd.f32 v9, v6  }
0x190: {  	v7 =	vadd.f32 v10, v7  }
0x191: {  	s0 =	sadd.s32 s2, s8;
	[tilespmem:s7+$0x7E90] =	vst v6;
	v5 =	vadd.f32 v5, v8  }
0x192: {  	s0 =	smul.u32 $0x640, s0;
	[tilespmem:s7+$0x7EA0] =	vst v7;
	v4 =	vadd.f32 v4, v11  }
0x193: {  	[tilespmem:s7+$0x7EB0] =	vst v5  }
0x194: {  	p2 =	seq.s32 s18, $0x3;
	s0 =	sadd.s32 s3, s0;
	[tilespmem:s7+$0x7EC0] =	vst v4  }
0x195: {  	[hbm4b:s0+s5] =	stream.linear.scatter [tilespmem:s15], [sflag:$0x5], $0x3200, $0x38;
	[tilespmem:$0x14690] =	vst v63  }
0x196: {  	s7 =	smul.u32 @!p2 $0xD00, s18;
	s0 =	simm.s32 @!p2 $0x5  }
0x197: {  	_ =	swait.ge @!p2 [sflag:s0], $0x3200  }
0x198: {  	s9 =	simm.s32 @!p2 $0x64;
	s7 =	sshra.s32 @!p2 s7, $0x2;
	[sflag:s0] =	ssyncset.done @!p2 $0x0  }
0x199: {  	s13 =	simm.s32 @!p2 $0x7E90;
	[sflag:s0] =	ssyncadd.s32 @!p2 $0xFFFFCE00;
	s0 =	sadd.s32 @!p2 $0x340, s7  }
0x19a: {  	[tilespmem:s13], [sflag:$0x1] =	stream.indirect.gather @!p2 [hbm4b:s6+s9], $0x40, s0, s9, $0xb8;
	[tilespmem:$0x14690] =	vst v63  }
0x19b: {  	s0 =	sadd.s32 @!p2 $0x3A8, s7;
	s13 =	simm.s32 @!p2 $0x9790  }
0x19c: {  	[tilespmem:s13], [sflag:$0x1] =	stream.indirect.gather @!p2 [hbm4b:s6+s9], $0x40, s0, s9, $0xb8;
	[tilespmem:$0x14690] =	vst v63  }
0x19d: {  	_ =	swait.ge [sflag:s30], $0x1900  }
.Ltmp22:
0x19e: {  	[sflag:s30] =	ssyncset.done $0x0;
	(pc) =	sbr.rel @p1 .LBB2_15-.Ltmp22, $4  }
0x19f: {  	[sflag:s30] =	ssyncadd.s32 $0xFFFFE700  }
0x1a0: {  	_ =	swait.ge [sflag:s30], $0x1900  }
0x1a1: {  	[sflag:s30] =	ssyncset.done $0x0  }
0x1a2: {  	[sflag:s30] =	ssyncadd.s32 $0xFFFFE700  }
0x1a3: {  	v4 =	vmov s21;
	_ =	sdelay $0x3  }
0x1a4: {  	s0 =	simm.s32 $0x0  }
0x1a5: {  	v5 =	vld.idx.msk [tilespmem:v4+s0+$0x0 ss:$0x1], $0xffff;
	_ =	sdelay $0x4  }
0x1a6: {  	(v2sf) =	vpush v5, $0x0;
	_ =	sdelay $0xe  }
0x1a7: {  	s13 =	spop (v2sf)  }
0x1a8: {  	p4 =	sne.s32 s13, $0x0  }
0x1a9: {  	s9 =	simm.s32 $0xB0B0;
	v5 =	vimm.f32 @!p4 $0.0e+00  }
0x1aa: {  	[tilespmem:s9+$0xFFFFFFE0] =	vst @!p4 v5  }
0x1ab: {  	[tilespmem:s9+$0xFFFFFFF0] =	vst @!p4 v5  }
0x1ac: {  	s13 =	simm.s32 $0x4;
	[tilespmem:s9+$0x0] =	vst @!p4 v5  }
.LBB2_13:
0x1ad: {  	s0 =	sshra.s32 s13, $0x2;
	s13 =	sadd.s32 $0x4, s13;
	[tilespmem:s9+$0x10] =	vst @!p4 v5  }
0x1ae: {  	v5 =	vld.idx.msk [tilespmem:v4+s0+$0x0 ss:$0x1], $0xffff;
	p3 =	sne.s32 s13, $0x320;
	_ =	sdelay $0x5  }
0x1af: {  	(v2sf) =	vpush v5, $0x0;
	_ =	sdelay $0xe  }
0x1b0: {  	s0 =	spop (v2sf)  }
.Ltmp23:
0x1b1: {  	p4 =	sne.s32 s0, $0x0;
	(pc) =	sbr.rel @p3 .LBB2_13-.Ltmp23, $4  }
0x1b2: {  	s9 =	sadd.s32 $0x40, s9;
	v5 =	vimm.f32 @!p4 $0.0e+00  }
0x1b3: {  	[tilespmem:s9+$0xFFFFFFE0] =	vst @!p4 v5  }
0x1b4: {  	[tilespmem:s9+$0xFFFFFFF0] =	vst @!p4 v5  }
0x1b5: {  	[tilespmem:s9+$0x0] =	vst @!p4 v5  }
0x1b6: {  	[tilespmem:s9+$0x10] =	vst @!p4 v5  }
.LBB2_15:
0x1b7: {  	s9 =	simm.s32 $0x0  }
0x1b8: {  	v9 =	vld [tilespmem:s9+$0x4C90]  }
0x1b9: {  	v10 =	vld [tilespmem:s9+$0x4CA0]  }
0x1ba: {  	v5 =	vld [tilespmem:s9+$0x4CB0]  }
0x1bb: {  	v4 =	vld [tilespmem:s9+$0x4CC0]  }
0x1bc: {  	v6 =	vld [tilespmem:s9+$0xB090]  }
0x1bd: {  	v7 =	vld [tilespmem:s9+$0xB0A0]  }
0x1be: {  	s13 =	sor.u32 $0x1, s8;
	s0 =	simm.s32 $0x100;
	v8 =	vld [tilespmem:s9+$0xB0B0]  }
.LBB2_16:
0x1bf: {  	s11 =	sshra.s32 s0, $0x2;
	p3 =	sne.s32 s0, $0xC700;
	v11 =	vld [tilespmem:s9+$0xB0C0];
	v12 =	vmov v5  }
0x1c0: {  	v13 =	vld [tilespmem:s11+$0x4C90];
	v14 =	vmov v4  }
0x1c1: {  	v15 =	vld [tilespmem:s11+$0x4CA0];
	v6 =	vadd.f32 v9, v6  }
.Ltmp24:
0x1c2: {  	v5 =	vld [tilespmem:s11+$0x4CB0];
	v7 =	vadd.f32 v10, v7;
	(pc) =	sbr.rel @p3 .LBB2_16-.Ltmp24, $4  }
0x1c3: {  	v4 =	vld [tilespmem:s11+$0x4CC0];
	[tilespmem:s9+$0xB090] =	vst v6;
	v8 =	vadd.f32 v12, v8  }
0x1c4: {  	v6 =	vld [tilespmem:s11+$0xB090];
	[tilespmem:s9+$0xB0A0] =	vst v7;
	v11 =	vadd.f32 v14, v11  }
0x1c5: {  	v7 =	vld [tilespmem:s11+$0xB0A0];
	[tilespmem:s9+$0xB0B0] =	vst v8;
	v9 =	vmov v13  }
0x1c6: {  	s0 =	sadd.s32 $0x100, s0;
	v8 =	vld [tilespmem:s11+$0xB0B0];
	[tilespmem:s9+$0xB0C0] =	vst v11;
	v10 =	vmov v15;
	s9 =	smov.u32 s11  }
0x1c7: {  	v11 =	vld [tilespmem:s9+$0xB0C0];
	_ =	sdelay $0x1  }
0x1c8: {  	v6 =	vadd.f32 v9, v6  }
0x1c9: {  	v7 =	vadd.f32 v10, v7  }
0x1ca: {  	s0 =	sadd.s32 s2, s13;
	[tilespmem:s9+$0xB090] =	vst v6;
	v5 =	vadd.f32 v5, v8  }
0x1cb: {  	s0 =	smul.u32 $0x640, s0;
	[tilespmem:s9+$0xB0A0] =	vst v7;
	v4 =	vadd.f32 v4, v11  }
0x1cc: {  	[tilespmem:s9+$0xB0B0] =	vst v5  }
0x1cd: {  	s0 =	sadd.s32 s3, s0;
	[tilespmem:s9+$0xB0C0] =	vst v4  }
0x1ce: {  	[hbm4b:s0+s5] =	stream.linear.scatter [tilespmem:s19], [sflag:$0x6], $0x3200, $0x38;
	[tilespmem:$0x14690] =	vst v63  }
0x1cf: {  	s0 =	simm.s32 @!p2 $0x6  }
0x1d0: {  	_ =	swait.ge @!p2 [sflag:s0], $0x3200  }
0x1d1: {  	s11 =	simm.s32 @!p2 $0xB090;
	[sflag:s0] =	ssyncset.done @!p2 $0x0  }
0x1d2: {  	s9 =	simm.s32 @!p2 $0x64;
	[sflag:s0] =	ssyncadd.s32 @!p2 $0xFFFFCE00;
	s0 =	sadd.s32 @!p2 $0x410, s7  }
0x1d3: {  	[tilespmem:s11], [sflag:$0x2] =	stream.indirect.gather @!p2 [hbm4b:s6+s9], $0x40, s0, s9, $0xb8;
	[tilespmem:$0x14690] =	vst v63  }
0x1d4: {  	s0 =	sadd.s32 @!p2 $0x478, s7;
	s11 =	simm.s32 @!p2 $0xC990  }
0x1d5: {  	[tilespmem:s11], [sflag:$0x2] =	stream.indirect.gather @!p2 [hbm4b:s6+s9], $0x40, s0, s9, $0xb8;
	[tilespmem:$0x14690] =	vst v63  }
0x1d6: {  	_ =	swait.ge [sflag:s31], $0x1900  }
.Ltmp25:
0x1d7: {  	[sflag:s31] =	ssyncset.done $0x0;
	(pc) =	sbr.rel @p1 .LBB2_21-.Ltmp25, $4  }
0x1d8: {  	[sflag:s31] =	ssyncadd.s32 $0xFFFFE700  }
0x1d9: {  	_ =	swait.ge [sflag:s31], $0x1900  }
0x1da: {  	[sflag:s31] =	ssyncset.done $0x0  }
0x1db: {  	[sflag:s31] =	ssyncadd.s32 $0xFFFFE700  }
0x1dc: {  	v4 =	vmov s22;
	_ =	sdelay $0x3  }
0x1dd: {  	s0 =	simm.s32 $0x0  }
0x1de: {  	v5 =	vld.idx.msk [tilespmem:v4+s0+$0x0 ss:$0x1], $0xffff;
	_ =	sdelay $0x4  }
0x1df: {  	(v2sf) =	vpush v5, $0x0;
	_ =	sdelay $0xe  }
0x1e0: {  	s13 =	spop (v2sf)  }
0x1e1: {  	p4 =	sne.s32 s13, $0x0  }
0x1e2: {  	s9 =	simm.s32 $0xE2B0;
	v5 =	vimm.f32 @!p4 $0.0e+00  }
0x1e3: {  	[tilespmem:s9+$0xFFFFFFE0] =	vst @!p4 v5  }
0x1e4: {  	[tilespmem:s9+$0xFFFFFFF0] =	vst @!p4 v5  }
0x1e5: {  	s13 =	simm.s32 $0x4;
	[tilespmem:s9+$0x0] =	vst @!p4 v5  }
.LBB2_19:
0x1e6: {  	s0 =	sshra.s32 s13, $0x2;
	s13 =	sadd.s32 $0x4, s13;
	[tilespmem:s9+$0x10] =	vst @!p4 v5  }
0x1e7: {  	v5 =	vld.idx.msk [tilespmem:v4+s0+$0x0 ss:$0x1], $0xffff;
	p3 =	sne.s32 s13, $0x320;
	_ =	sdelay $0x5  }
0x1e8: {  	(v2sf) =	vpush v5, $0x0;
	_ =	sdelay $0xe  }
0x1e9: {  	s0 =	spop (v2sf)  }
.Ltmp26:
0x1ea: {  	p4 =	sne.s32 s0, $0x0;
	(pc) =	sbr.rel @p3 .LBB2_19-.Ltmp26, $4  }
0x1eb: {  	s9 =	sadd.s32 $0x40, s9;
	v5 =	vimm.f32 @!p4 $0.0e+00  }
0x1ec: {  	[tilespmem:s9+$0xFFFFFFE0] =	vst @!p4 v5  }
0x1ed: {  	[tilespmem:s9+$0xFFFFFFF0] =	vst @!p4 v5  }
0x1ee: {  	[tilespmem:s9+$0x0] =	vst @!p4 v5  }
0x1ef: {  	[tilespmem:s9+$0x10] =	vst @!p4 v5  }
.LBB2_21:
0x1f0: {  	s9 =	simm.s32 $0x0  }
0x1f1: {  	v9 =	vld [tilespmem:s9+$0x4C90]  }
0x1f2: {  	v10 =	vld [tilespmem:s9+$0x4CA0]  }
0x1f3: {  	v5 =	vld [tilespmem:s9+$0x4CB0]  }
0x1f4: {  	v4 =	vld [tilespmem:s9+$0x4CC0]  }
0x1f5: {  	v6 =	vld [tilespmem:s9+$0xE290]  }
0x1f6: {  	v7 =	vld [tilespmem:s9+$0xE2A0]  }
0x1f7: {  	s8 =	sor.u32 $0x2, s8;
	s0 =	simm.s32 $0x100;
	v8 =	vld [tilespmem:s9+$0xE2B0]  }
.LBB2_22:
0x1f8: {  	s11 =	sshra.s32 s0, $0x2;
	p3 =	sne.s32 s0, $0xC700;
	v11 =	vld [tilespmem:s9+$0xE2C0];
	v12 =	vmov v5  }
0x1f9: {  	v13 =	vld [tilespmem:s11+$0x4C90];
	v14 =	vmov v4  }
0x1fa: {  	v15 =	vld [tilespmem:s11+$0x4CA0];
	v6 =	vadd.f32 v9, v6  }
.Ltmp27:
0x1fb: {  	v5 =	vld [tilespmem:s11+$0x4CB0];
	v7 =	vadd.f32 v10, v7;
	(pc) =	sbr.rel @p3 .LBB2_22-.Ltmp27, $4  }
0x1fc: {  	v4 =	vld [tilespmem:s11+$0x4CC0];
	[tilespmem:s9+$0xE290] =	vst v6;
	v8 =	vadd.f32 v12, v8  }
0x1fd: {  	v6 =	vld [tilespmem:s11+$0xE290];
	[tilespmem:s9+$0xE2A0] =	vst v7;
	v11 =	vadd.f32 v14, v11  }
0x1fe: {  	v7 =	vld [tilespmem:s11+$0xE2A0];
	[tilespmem:s9+$0xE2B0] =	vst v8;
	v9 =	vmov v13  }
0x1ff: {  	s0 =	sadd.s32 $0x100, s0;
	v8 =	vld [tilespmem:s11+$0xE2B0];
	[tilespmem:s9+$0xE2C0] =	vst v11;
	v10 =	vmov v15;
	s9 =	smov.u32 s11  }
0x200: {  	v11 =	vld [tilespmem:s9+$0xE2C0];
	_ =	sdelay $0x1  }
0x201: {  	v6 =	vadd.f32 v9, v6  }
0x202: {  	v7 =	vadd.f32 v10, v7  }
0x203: {  	s0 =	sadd.s32 s2, s8;
	[tilespmem:s9+$0xE290] =	vst v6;
	v5 =	vadd.f32 v5, v8  }
0x204: {  	s0 =	smul.u32 $0x640, s0;
	[tilespmem:s9+$0xE2A0] =	vst v7;
	v4 =	vadd.f32 v4, v11  }
0x205: {  	[tilespmem:s9+$0xE2B0] =	vst v5  }
0x206: {  	s0 =	sadd.s32 s3, s0;
	[tilespmem:s9+$0xE2C0] =	vst v4  }
0x207: {  	[hbm4b:s0+s5] =	stream.linear.scatter [tilespmem:s23], [sflag:$0x7], $0x3200, $0x38;
	[tilespmem:$0x14690] =	vst v63  }
0x208: {  	s0 =	simm.s32 @!p2 $0x7  }
0x209: {  	_ =	swait.ge @!p2 [sflag:s0], $0x3200  }
0x20a: {  	s8 =	simm.s32 @!p2 $0x64;
	[sflag:s0] =	ssyncset.done @!p2 $0x0  }
0x20b: {  	s9 =	simm.s32 @!p2 $0xE290;
	[sflag:s0] =	ssyncadd.s32 @!p2 $0xFFFFCE00;
	s0 =	sadd.s32 @!p2 $0x4E0, s7  }
0x20c: {  	[tilespmem:s9], [sflag:$0x3] =	stream.indirect.gather @!p2 [hbm4b:s6+s8], $0x40, s0, s8, $0xb8;
	[tilespmem:$0x14690] =	vst v63  }
0x20d: {  	s0 =	sadd.s32 @!p2 $0x548, s7;
	s7 =	simm.s32 @!p2 $0xFB90  }
0x20e: {  	[tilespmem:s7], [sflag:$0x3] =	stream.indirect.gather @!p2 [hbm4b:s6+s8], $0x40, s0, s8, $0xb8;
	[tilespmem:$0x14690] =	vst v63  }
0x20f: {  	_ =	swait.ge [sflag:s1], $0x1900  }
.Ltmp28:
0x210: {  	[sflag:s1] =	ssyncset.done $0x0;
	(pc) =	sbr.rel @p1 .LBB2_27-.Ltmp28, $4  }
0x211: {  	[sflag:s1] =	ssyncadd.s32 $0xFFFFE700  }
0x212: {  	_ =	swait.ge [sflag:s1], $0x1900  }
0x213: {  	[sflag:s1] =	ssyncset.done $0x0  }
0x214: {  	[sflag:s1] =	ssyncadd.s32 $0xFFFFE700  }
0x215: {  	v4 =	vmov s24;
	_ =	sdelay $0x3  }
0x216: {  	s0 =	simm.s32 $0x0  }
0x217: {  	v5 =	vld.idx.msk [tilespmem:v4+s0+$0x0 ss:$0x1], $0xffff;
	_ =	sdelay $0x4  }
0x218: {  	(v2sf) =	vpush v5, $0x0;
	_ =	sdelay $0xe  }
0x219: {  	s13 =	spop (v2sf)  }
0x21a: {  	p3 =	sne.s32 s13, $0x0  }
0x21b: {  	s7 =	simm.s32 $0x114B0;
	v5 =	vimm.f32 @!p3 $0.0e+00  }
0x21c: {  	[tilespmem:s7+$0xFFFFFFE0] =	vst @!p3 v5  }
0x21d: {  	[tilespmem:s7+$0xFFFFFFF0] =	vst @!p3 v5  }
0x21e: {  	s8 =	simm.s32 $0x4;
	[tilespmem:s7+$0x0] =	vst @!p3 v5  }
.LBB2_25:
0x21f: {  	s0 =	sshra.s32 s8, $0x2;
	s8 =	sadd.s32 $0x4, s8;
	[tilespmem:s7+$0x10] =	vst @!p3 v5  }
0x220: {  	v5 =	vld.idx.msk [tilespmem:v4+s0+$0x0 ss:$0x1], $0xffff;
	p2 =	sne.s32 s8, $0x320;
	_ =	sdelay $0x5  }
0x221: {  	(v2sf) =	vpush v5, $0x0;
	_ =	sdelay $0xe  }
0x222: {  	s0 =	spop (v2sf)  }
.Ltmp29:
0x223: {  	p3 =	sne.s32 s0, $0x0;
	(pc) =	sbr.rel @p2 .LBB2_25-.Ltmp29, $4  }
0x224: {  	s7 =	sadd.s32 $0x40, s7;
	v5 =	vimm.f32 @!p3 $0.0e+00  }
0x225: {  	[tilespmem:s7+$0xFFFFFFE0] =	vst @!p3 v5  }
0x226: {  	[tilespmem:s7+$0xFFFFFFF0] =	vst @!p3 v5  }
0x227: {  	[tilespmem:s7+$0x0] =	vst @!p3 v5  }
0x228: {  	[tilespmem:s7+$0x10] =	vst @!p3 v5  }
.LBB2_27:
0x229: {  	s7 =	simm.s32 $0x0  }
0x22a: {  	v9 =	vld [tilespmem:s7+$0x4C90]  }
0x22b: {  	v10 =	vld [tilespmem:s7+$0x4CA0]  }
0x22c: {  	v5 =	vld [tilespmem:s7+$0x4CB0]  }
0x22d: {  	v4 =	vld [tilespmem:s7+$0x4CC0]  }
0x22e: {  	v6 =	vld [tilespmem:s7+$0x11490]  }
0x22f: {  	v8 =	vld [tilespmem:s7+$0x114A0]  }
0x230: {  	s0 =	simm.s32 $0x100;
	v7 =	vld [tilespmem:s7+$0x114B0]  }
.LBB2_28:
0x231: {  	s8 =	sshra.s32 s0, $0x2;
	p2 =	sne.s32 s0, $0xC700;
	v11 =	vld [tilespmem:s7+$0x114C0];
	v12 =	vmov v5  }
0x232: {  	v13 =	vld [tilespmem:s8+$0x4C90];
	v14 =	vmov v4  }
0x233: {  	v15 =	vld [tilespmem:s8+$0x4CA0];
	v6 =	vadd.f32 v9, v6  }
.Ltmp30:
0x234: {  	v5 =	vld [tilespmem:s8+$0x4CB0];
	v8 =	vadd.f32 v10, v8;
	(pc) =	sbr.rel @p2 .LBB2_28-.Ltmp30, $4  }
0x235: {  	v4 =	vld [tilespmem:s8+$0x4CC0];
	[tilespmem:s7+$0x11490] =	vst v6;
	v7 =	vadd.f32 v12, v7  }
0x236: {  	v6 =	vld [tilespmem:s8+$0x11490];
	[tilespmem:s7+$0x114A0] =	vst v8;
	v11 =	vadd.f32 v14, v11  }
0x237: {  	v8 =	vld [tilespmem:s8+$0x114A0];
	[tilespmem:s7+$0x114B0] =	vst v7;
	v9 =	vmov v13  }
0x238: {  	s0 =	sadd.s32 $0x100, s0;
	v7 =	vld [tilespmem:s8+$0x114B0];
	[tilespmem:s7+$0x114C0] =	vst v11;
	v10 =	vmov v15;
	s7 =	smov.u32 s8  }
0x239: {  	v11 =	vld [tilespmem:s7+$0x114C0];
	_ =	sdelay $0x1  }
0x23a: {  	s0 =	sadd.s32 s2, s25;
	s18 =	sadd.s32 $0x1, s18;
	v6 =	vadd.f32 v9, v6  }
0x23b: {  	s0 =	smul.u32 $0x640, s0;
	p2 =	seq.s32 s18, $0x4;
	v8 =	vadd.f32 v10, v8  }
.Ltmp31:
0x23c: {  	[tilespmem:s7+$0x11490] =	vst v6;
	v5 =	vadd.f32 v5, v7;
	(pc) =	sbr.rel @!p2 .LBB2_5-.Ltmp31, $4  }
.Ltmp32:
0x23d: {  	[tilespmem:s7+$0x114A0] =	vst v8;
	v4 =	vadd.f32 v4, v11;
	(pc) =	sbr.rel @p2 .LBB2_58-.Ltmp32, $4  }
0x23e: {  	s20 =	sadd.s32 $0x320, s20;
	s21 =	sadd.s32 $0x320, s21;
	[tilespmem:s7+$0x114B0] =	vst v5  }
0x23f: {  	s22 =	sadd.s32 $0x320, s22;
	s24 =	sadd.s32 $0x320, s24;
	s0 =	sadd.s32 s3, s0;
	[tilespmem:s7+$0x114C0] =	vst v4  }
0x240: {  	[hbm4b:s0+s5] =	stream.linear.scatter [tilespmem:s26], [sflag:$0x8], $0x3200, $0x38;
	[tilespmem:$0x14690] =	vst v63  }
0x241: {  	_ = 	snop  }
.LBB2_59:
0x242: {  	_ =	sfence.sel $0x180000  }
0x243: {  	[bflag:$0x0] =	sbarrier.arrive $0xFFFF  }
0x244: {  	_ =	strace $0x90000047  }
0x245: {  	s0 =	stileid.u32;
	[bflag:$0x2] =	sbarrier.arrive $0xFFFF  }
0x246: {  	p0 =	sne.s32 s0, $0x0;
	s0 =	rddreg [dreg:$0x2]  }
0x247: {  	s0 =	sadd.s32 @!p0 $0x100000, s0  }
0x248: {  	[sflag:s0] =	ssyncadd.tile.s32 @!p0 $0x1;
	_ =	shalt  }
.Lfunc_end2:
_tile_overlayer_lowered:
.L_overlay_start_2:
0x249: {  	(tag) =	ssettag $0x2  }
0x24a: {  	s0 =	rddreg [dreg:$0x0];
	s2 =	stileid.u32  }
0x24b: {  	s1 =	rddreg [dreg:$0x1];
	p0 =	sne.s32 s2, $0x0  }
0x24c: {  	s3 =	rddreg [dreg:$0x2];
	[bflag:$0x3] =	sbarrier.arrive $0xFFFF;
	s2 =	simm.s32 @!p0 $0x1C09  }
0x24d: {  	[timem:s3], [sflag:s2] =	dma.local @!p0 [hbm:s0], s1  }
0x24e: {  	s0 =	simm.s32 @!p0 $0x9  }
0x24f: {  	_ =	swait.ge @!p0 [sflag:s0], s1  }
0x250: {  	s1 =	ssub.s32 @!p0 $0x0, s1;
	[sflag:s0] =	ssyncset.done @!p0 $0x0  }
0x251: {  	[sflag:s0] =	ssyncadd.s32 @!p0 s1  }
0x252: {  	[bflag:$0x3] =	sbarrier.arrive $0xFFFF  }
0x253: {  	_ =	shalt  }

// kernel: sparse-core-data-format-call.cloned.1.call-start
scs
called_computation_lowered:
.L_overlay_start_0:
0x0: {  	s2 =	sld [smem:$0x3FD9]  }
0x1: {  	s3 =	sld [smem:$0x3FFE];
	_ =	sdelay $0x1  }
0x2: {  	s1 =	srdreg.scid  }
0x3: {  	s0 =	sand.u32 $0x1, s1  }
0x4: {  	s18 =	sshll.u32 s0, $0xA;
	s2 =	sadd.s32 s3, s2  }
0x5: {  	s2 =	sadd.s32 s2, s18  }
0x6: {  	[smem:$0x3FC5] =	sst s2  }
0x7: {  	_ = 	snop  }
0x8: {  	s2 =	sld [smem:$0x3FD0];
	(tm) =	ssettm $0x1  }
0x9: {  	s19 =	sld [smem:$0x3FFB];
	_ =	sdelay $0x3  }
0xa: {  	_ =	strace s19  }
0xb: {  	s3 =	sld [smem:$0x3FFC];
	_ =	sdelay $0x3  }
0xc: {  	_ =	strace s3  }
0xd: {  	s3 =	sld [smem:$0x3FFD];
	_ =	sdelay $0x3  }
0xe: {  	_ =	strace s3  }
0xf: {  	_ =	strace $0x8FFFFFFF  }
0x10: {  	s20 =	sld [smem:$0x3FDB];
	_ =	sdelay $0x1  }
0x11: {  	s4 =	simm.s32 $_scs_section_size  }
0x12: {  	s5 =	simm.s32 $_size__tile_overlayer_lowered;
	s6 =	simm.s32 $_tile_overlayer_lowered  }
0x13: {  	s23 =	simm.s32 $0x1BFF;
	s22 =	sshll.u32 s6, $0x1;
	s3 =	sadd.s32 s4, s20  }
0x14: {  	s7 =	simm.s32 $0x0;
	s21 =	sshll.u32 s5, $0x1;
	s5 =	sadd.s32 s22, s3  }
0x15: {  	[timem:s7], [sflag:s23] =	dma.local [hbm:s5], s21  }
0x16: {  	_ =	swait.ge [sflag:s23], s21  }
0x17: {  	s4 =	ssub.s32 $0x0, s21;
	[sflag:s23] =	ssyncset.done $0x0  }
0x18: {  	[sflag:s23] =	ssyncadd.s32 s4;
	_ =	sdelay $0x1  }
0x19: {  	s24 =	simm.s32 $0x1B8B  }
0x1a: {  	_ =	swait.ge [sflag:s24], $0x1  }
0x1b: {  	[sflag:s24] =	ssyncset.done $0x0  }
0x1c: {  	s26 =	simm.s32 $0x1B8E;
	s25 =	sld [smem:$0x3FFE];
	[sflag:s24] =	ssyncadd.s32 $0xFFFFFFFF  }
0x1d: {  	s27 =	simm.s32 $execute0_lowered;
	[smem:$0x3FD2] =	sst s26  }
0x1e: {  	s5 =	sshll.u32 s27, $0x1;
	_ =	strace $0x80000049;
	[dreg:$0x1] =	wrdreg $0xFFFFFFFF  }
0x1f: {  	s28 =	simm.s32 $_size_execute0_lowered;
	s3 =	sadd.s32 s3, s5;
	[dreg:$0x0] =	wrdreg $0x0  }
0x20: {  	s5 =	sshll.u32 s28, $0x1;
	[dreg:$0x2] =	wrdreg s3  }
0x21: {  	[dreg:$0x3] =	wrdreg s5  }
0x22: {  	[dreg:$0x4] =	wrdreg $0xC0  }
0x23: {  	_ =	task [dreg:s7], $0x5FFFF  }
0x24: {  	[dreg:$0x1] =	wrdreg $0xFFFFFFFF  }
0x25: {  	[dreg:$0x0] =	wrdreg $0x60  }
0x26: {  	[dreg:$0x2] =	wrdreg s25  }
0x27: {  	[dreg:$0x3] =	wrdreg s2  }
0x28: {  	[dreg:$0x4] =	wrdreg $0x9  }
0x29: {  	_ =	task.clear_ibuf [dreg:s7], $0x5FFFF;
	_ =	strace $0x90000049  }
0x2a: {  	s29 =	simm.s32 $0x9;
	_ =	strace $0x8000004B  }
0x2b: {  	_ =	swait.ge [sflag:s29], $0x1  }
0x2c: {  	[sflag:s29] =	ssyncadd.s32 $0xFFFFFFFF  }
0x2d: {  	_ =	strace $0x9000004B  }
0x2e: {  	_ =	sfence  }
0x2f: {  	s30 =	sld [smem:$0x0];
	_ =	sdelay $0x2  }
0x30: {  	s31 =	sshll.u32 s1, $0xD;
	s1 =	sshrl.u32 s1, $0x2  }
0x31: {  	s3 =	sand.u32 $0x4000, s31;
	s1 =	sadd.s32 s1, s30  }
0x32: {  	s0 =	sor.u32 s3, s0;
	s1 =	sshll.u32 s1, $0x11  }
0x33: {  	s0 =	sor.u32 s1, s0  }
0x34: {  	s0 =	sadd.s32 $0x8F2B, s0  }
0x35: {  	[sflag:s0] =	ssyncadd.remote.s32 $0x1  }
0x36: {  	_ =	sfence.sel $0xFFFF  }
0x37: {  	[dreg:$0x0] =	wrdreg $0xFFFFFFFF;
	(pc) =	sbr.abs _section_cstart, $3  }
0x38: {  	[dreg:$0x1] =	wrdreg $0xFFFFFFFF  }
0x39: {  	_ =	task.clear_ibuf [dreg:s7], $0x2FFFF;
	_ =	strace $0x9FFFFFFF  }
0x3a: {  	(tm) =	ssettm $0x7FFFFFFF  }
0x3b: {  	_ =	shalt  }
tec
execute0_lowered:
.L_overlay_start_1:
0x0: {  	(tag) =	ssettag $0x1  }
0x1: {  	s0 =	stileid.u32;
	s6 =	rddreg [dreg:$0x0]  }
0x2: {  	s2 =	rddreg [dreg:$0x1];
	s5 =	srdreg.scid  }
0x3: {  	s31 =	simm.s32 $0x2;
	s13 =	simm.s32 $0x0;
	s1 =	sshll.u32 s0, $0x7  }
0x4: {  	s14 =	simm.s32 $0x0;
	s12 =	simm.s32 $0x0;
	s3 =	sand.u32 $0x380, s1  }
0x5: {  	s5 =	sshll.u32 s5, $0x4;
	s6 =	sadd.s32 $0x800, s6;
	s4 =	ssub.s32 $0x400, s3  }
0x6: {  	s1 =	rddreg [dreg:$0x2];
	_ =	strace $0x8000004A;
	s7 =	sand.u32 $0x380, s4  }
0x7: {  	s5 =	sand.u32 $0x10, s5;
	p0 =	sne.s32 s7, $0x0;
	s7 =	simm.s32 $0x1  }
.Ltmp0:
0x8: {  	s8 =	sshrl.u32 s4, $0xA;
	s7 =	simm.s32 @!p0 $0x0;
	(pc) =	sbr.rel .LBB1_1-.Ltmp0, $4  }
0x9: {  	s9 =	sor.u32 s0, s5;
	s4 =	simm.s32 $0x1;
	s30 =	sadd.s32 s7, s8  }
0xa: {  	s11 =	smov.u32 s3;
	[sflag:s4] =	ssyncpa.u1 $0x0;
	s5 =	smul.u32 $0x32, s30  }
0xb: {  	[sflag:s31] =	ssyncpa.u1 $0x0;
	p0 =	por $0x0, $0x0;
	s7 =	sshrl.u32 s9, $0x3  }
0xc: {  	s9 =	simm.s32 $0x2000;
	s10 =	smov.u32 s7;
	s8 =	sor.u32 $0x1, s5  }
.LBB1_4:
0xd: {  	s17 =	sand.u32 $0x1F80, s14;
	s13 =	sshll.u32 s13, $0xD  }
0xe: {  	[tilespmem:s16+$0x810 ss:$0x81] =	vst.msk $0xffff, v2;
	s18 =	sshrl.u32 s14, $0x3;
	s31 =	sand.u32 $0x7, s14;
	s17 =	sadd.s32 s2, s17  }
0xf: {  	[tilespmem:s16+$0x1020 ss:$0x81] =	vst.msk $0xffff, v0;
	s18 =	sand.u32 $0xF, s18;
	s14 =	sshll.u32 s31, $0x12;
	s13 =	sadd.s32 s13, s17  }
0x10: {  	[tilespmem:s16+$0x0 ss:$0x81] =	vst.msk $0xffff, v1;
	s14 =	sor.u32 $0x400, s14;
	s13 =	sadd.s32 s18, s13  }
0x11: {  	[hbm4b:s13+s14] =	stream.strided.scatter [tilespmem:s15], [sflag:$0x2], $0x2000, s9, s14, $0x20;
	[tilespmem:$0x8080] =	vst v63  }
.LBB1_5:
0x12: {  	s15 =	sadd.s32 $0x4, s10  }
0x13: {  	s13 =	sadd.s32 $0x400, s11;
	s17 =	smov.u32 s11;
	p2 =	sgt.s32 s15, $0xC7  }
0x14: {  	s17 =	smov.u32 @p2 s13  }
0x15: {  	s15 =	smov.u32 @p2 s7;
	p2 =	sgt.s32 s17, $0x3FF  }
0x16: {  	s17 =	smov.u32 @p2 s3;
	p2 =	sne.s32 s12, s8  }
.Ltmp1:
0x17: {  	p1 =	slt.u32 s12, $0x2;
	(pc) =	sbr.rel @!p2 .LBB1_6-.Ltmp1, $4  }
0x18: {  	s16 =	simm.s32 @!p1 $0x2  }
0x19: {  	s14 =	smov.u32 s11;
	p0 =	por !p0, !p0;
	_ =	swait.ge @!p1 [sflag:s16], $0x2000  }
0x1a: {  	s13 =	smov.u32 s10;
	[sflag:s16] =	ssyncset.done @!p1 $0x0;
	s10 =	smov.u32 s15  }
0x1b: {  	s12 =	sadd.s32 $0x1, s12;
	[sflag:s16] =	ssyncadd.s32 @!p1 $0xFFFFE000;
	s11 =	smov.u32 s17  }
.LBB1_1:
0x1c: {  	p1 =	sge.u32 s12, s5  }
0x1d: {  	s15 =	sand.u32 @!p1 $0x1FFFFFF, s10  }
0x1e: {  	s16 =	smulhi.u32 @!p1 $0x147AE15, s15;
	_ =	sdelay $0x1  }
0x1f: {  	s16 =	smul.u32 @!p1 $0xC8, s16  }
0x20: {  	s17 =	sxor.u32 @!p1 $0xFFFFFFFF, s12;
	s18 =	smul.u32 @!p1 $0xC80, s11  }
0x21: {  	s31 =	sadd.s32 $0xFFFFFFFF, s12;
	s17 =	sshll.u32 @!p1 s17, $0xD;
	s15 =	ssub.s32 @!p1 s15, s16  }
0x22: {  	s16 =	sand.u32 @!p1 $0x2000, s17;
	s17 =	sadd.s32 @!p1 s6, s18;
	s15 =	sshll.u32 @!p1 s15, $0x4  }
0x23: {  	s18 =	simm.s32 @!p1 $0x6400;
	s15 =	sadd.s32 @!p1 s15, s17;
	s17 =	simm.s32 @!p1 $0x40  }
0x24: {  	[tilespmem:s16], [sflag:$0x1] =	stream.strided.gather @!p1 [hbm4b:s15+s17], $0x2000, s18, s17, $0x38;
	[tilespmem:$0x8080] =	vst v63  }
0x25: {  	p1 =	sge.u32 s31, s5  }
.Ltmp2:
0x26: {  	_ = 	snop;
	(pc) =	sbr.rel @p1 .LBB1_5-.Ltmp2, $1  }
0x27: {  	_ =	sdelay $0x3  }
0x28: {  	s15 =	simm.s32 $0x1  }
0x29: {  	_ =	swait.ge [sflag:s4], $0x2000;
	s15 =	simm.s32 @!p0 $0x0  }
0x2a: {  	[sflag:s4] =	ssyncset.done $0x0;
	s16 =	sshll.u32 s15, $0xD  }
0x2b: {  	[sflag:s4] =	ssyncadd.s32 $0xFFFFE000;
	s19 =	sor.u32 $0x20, s16  }
0x2c: {  	s15 =	smul.u32 $0x8100, s15;
	v3 =	vld [tilespmem:s19+$0x10]  }
0x2d: {  	s30 =	sand.u32 $0x1, s12;
	v2 =	vld [tilespmem:s19+$0xFFFFFFF0]  }
0x2e: {  	s16 =	smul.u32 $0x8100, s30;
	s15 =	sshrl.u32 s15, $0x2;
	v0 =	vld [tilespmem:s19+$0x0]  }
0x2f: {  	v1 =	vld [tilespmem:s19+$0xFFFFFFE0];
	s17 =	sor.u32 $0x4000, s15  }
0x30: {  	s31 =	sshrl.u32 s16, $0x2;
	s16 =	sadd.s32 $0x0, s17  }
0x31: {  	s18 =	simm.s32 $0x4;
	s19 =	sadd.s32 $0x40, s19;
	s15 =	sor.u32 $0x4000, s31;
	[tilespmem:s16+$0x1830 ss:$0x81] =	vst.msk $0xffff, v3  }
.LBB1_3:
0x32: {  	v3 =	vld [tilespmem:s19+$0x10];
	p1 =	sne.s32 s18, $0x1FC;
	[tilespmem:s16+$0x810 ss:$0x81] =	vst.msk $0xffff, v2;
	s20 =	smov.u32 s18;
	s18 =	sadd.s32 $0x4, s18  }
.Ltmp3:
0x33: {  	v2 =	vld [tilespmem:s19+$0xFFFFFFF0];
	[tilespmem:s16+$0x1020 ss:$0x81] =	vst.msk $0xffff, v0;
	(pc) =	sbr.rel @p1 .LBB1_3-.Ltmp3, $4  }
0x34: {  	v0 =	vld [tilespmem:s19+$0x0];
	[tilespmem:s16+$0x0 ss:$0x81] =	vst.msk $0xffff, v1  }
0x35: {  	s16 =	sshra.s32 s20, $0x2;
	v1 =	vld [tilespmem:s19+$0xFFFFFFE0]  }
0x36: {  	s16 =	sadd.s32 s16, s17  }
0x37: {  	s19 =	sadd.s32 $0x40, s19;
	[tilespmem:s16+$0x1830 ss:$0x81] =	vst.msk $0xffff, v3  }
.Ltmp4:
0x38: {  	_ = 	snop;
	(pc) =	sbr.rel .LBB1_4-.Ltmp4, $1  }
0x39: {  	_ =	sdelay $0x3  }
.LBB1_6:
0x3a: {  	_ =	sfence.sel $0x180000  }
0x3b: {  	s2 =	simm.s32 $0x1;
	[bflag:$0x0] =	sbarrier.arrive $0xFFFF  }
0x3c: {  	s31 =	simm.s32 $0x2;
	[sflag:s2] =	ssyncpa.u1 $0x1  }
0x3d: {  	[sflag:s31] =	ssyncpa.u1 $0x1  }
0x3e: {  	p0 =	sne.s32 s0, $0x0;
	_ =	strace $0x9000004A  }
0x3f: {  	s0 =	sadd.s32 @!p0 $0x100000, s1;
	[bflag:$0x2] =	sbarrier.arrive $0xFFFF  }
0x40: {  	[sflag:s0] =	ssyncadd.tile.s32 @!p0 $0x1;
	_ =	shalt  }
.Lfunc_end1:
_tile_overlayer_lowered:
.L_overlay_start_2:
0x41: {  	(tag) =	ssettag $0x2  }
0x42: {  	s0 =	rddreg [dreg:$0x0];
	s2 =	stileid.u32  }
0x43: {  	s1 =	rddreg [dreg:$0x1];
	p0 =	sne.s32 s2, $0x0  }
0x44: {  	s3 =	rddreg [dreg:$0x2];
	[bflag:$0x3] =	sbarrier.arrive $0xFFFF;
	s2 =	simm.s32 @!p0 $0x1C01  }
0x45: {  	[timem:s3], [sflag:s2] =	dma.local @!p0 [hbm:s0], s1  }
0x46: {  	s0 =	simm.s32 @!p0 $0x1  }
0x47: {  	_ =	swait.ge @!p0 [sflag:s0], s1  }
0x48: {  	s1 =	ssub.s32 @!p0 $0x0, s1;
	[sflag:s0] =	ssyncset.done @!p0 $0x0  }
0x49: {  	[sflag:s0] =	ssyncadd.s32 @!p0 s1  }
0x4a: {  	[bflag:$0x3] =	sbarrier.arrive $0xFFFF  }
0x4b: {  	_ =	shalt  }

</sc_bundles>
